<compile_context>
chip_gen: v7x
topology: tpu7x:2x2x1
jax: 0.10.2.dev20260603
libtpu: 0.0.44.dev20260713+nightly
codegen_flags: <defaults>
</compile_context>

<pallas_src>
import functools

import jax
import jax.numpy as jnp
from jax import lax
from jax.experimental import pallas as pl
from jax.experimental.pallas import tpu as pltpu
from jax.experimental.pallas import tpu_sc as plsc

N_NODES = 10000
NPAD = 10240
LANES = 16
CHUNK = 128
NC, NS = 2, 16
NW = NC * NS
ROWS_PER_TILE = NPAD // NS
ZCHUNKS = ROWS_PER_TILE // CHUNK
DEG_W = 16


def _sc_mesh():
    return plsc.VectorSubcoreMesh(core_axis_name="c", subcore_axis_name="s")


_SC_PARAMS = pltpu.CompilerParams(use_tc_tiling_on_sc=False)


def _zero_vmem(ref, rows, width):
    z = jnp.zeros((LANES,), jnp.float32)
    per_row = width // LANES

    def body(i, _):
        r = i // per_row
        q = i % per_row
        ref[r, pl.ds(q * LANES, LANES)] = z
        return _

    lax.fori_loop(0, rows * per_row, body, None)


def _sc_degree_hist(edge3, n_chunks):
    base = n_chunks // NW
    extra = n_chunks - base * NW

    @functools.partial(
        pl.kernel,
        out_type=jax.ShapeDtypeStruct((NC, NPAD, DEG_W), jnp.float32),
        mesh=_sc_mesh(),
        compiler_params=_SC_PARAMS,
        scratch_types=[
            pltpu.VMEM((base, CHUNK), jnp.int32),
            pltpu.VMEM((1, CHUNK), jnp.int32),
            pltpu.VMEM((CHUNK, DEG_W), jnp.float32),
            pltpu.VMEM((CHUNK, DEG_W), jnp.float32),
            pltpu.VMEM_SHARED((NPAD, DEG_W), jnp.float32),
            pltpu.SemaphoreType.DMA,
        ],
    )
    def k(edge_hbm, out_hbm, didx, dtail, ones, zbuf, acc, ssem):
        c = lax.axis_index("c")
        s = lax.axis_index("s")
        w = s * NC + c
        one = jnp.full((LANES,), 1.0, jnp.float32)

        def fill(i, _):
            ones[i, pl.ds(0, LANES)] = one
            return _

        lax.fori_loop(0, CHUNK, fill, None)
        _zero_vmem(zbuf, CHUNK, DEG_W)
        pltpu.sync_copy(edge_hbm.at[1, pl.ds(w * base, base)], didx)

        def zacc(i, _):
            pltpu.sync_copy(zbuf, acc.at[pl.ds(s * ROWS_PER_TILE + i * CHUNK, CHUNK)])
            return _

        lax.fori_loop(0, ZCHUNKS, zacc, None)
        plsc.subcore_barrier()

        HLAG = 4

        def body(j, _):
            pltpu.async_copy(ones, acc.at[didx.at[j]], ssem, add=True)

            @pl.when(j >= HLAG)
            def _retire():
                pltpu.make_async_copy(ones, acc.at[didx.at[j - HLAG]], ssem).wait()

            return _

        lax.fori_loop(0, base, body, None)
        for t in range(HLAG):
            j = base - HLAG + t
            pltpu.make_async_copy(ones, acc.at[didx.at[j]], ssem).wait()
        if extra:
            @pl.when(w < extra)
            def _tail():
                pltpu.sync_copy(edge_hbm.at[1, pl.ds(base * NW + w, 1)], dtail)
                pltpu.sync_copy(ones, acc.at[dtail.at[0]], add=True)
        plsc.subcore_barrier()

        def dump(i, _):
            off = s * ROWS_PER_TILE + i * CHUNK
            pltpu.sync_copy(acc.at[pl.ds(off, CHUNK)], out_hbm.at[c, pl.ds(off, CHUNK)])
            return _

        lax.fori_loop(0, ZCHUNKS, dump, None)

    return k(edge3)


def _sc_gather_scatter(table, edge3, n_chunks, feat):
    base = n_chunks // NW
    extra = n_chunks - base * NW
    half = (base + 1) // 2
    DEPTH, LAG = (3, 1) if feat > 32 else (6, 3)
    ZROWS = 64

    @functools.partial(
        pl.kernel,
        out_type=jax.ShapeDtypeStruct((NC, NPAD, feat), jnp.float32),
        mesh=_sc_mesh(),
        compiler_params=_SC_PARAMS,
        scratch_types=[
            pltpu.VMEM((half, CHUNK), jnp.int32),
            pltpu.VMEM((half, CHUNK), jnp.int32),
            pltpu.VMEM((2, CHUNK), jnp.int32),
            pltpu.VMEM((DEPTH, CHUNK, feat), jnp.float32),
            pltpu.VMEM((ZROWS, feat), jnp.float32),
            pltpu.VMEM_SHARED((NPAD, feat), jnp.float32),
            pltpu.VMEM_SHARED((NPAD, feat), jnp.float32),
            pltpu.SemaphoreType.DMA((DEPTH,)),
            pltpu.SemaphoreType.DMA((DEPTH,)),
        ],
    )
    def k(table_hbm, edge_hbm, out_hbm, sidx, didx, tidx, rows, zbuf,
          tspm, acc, gsem, ssem):
        c = lax.axis_index("c")
        s = lax.axis_index("s")
        w = s * NC + c
        _zero_vmem(zbuf, ZROWS, feat)
        rbase = s * ROWS_PER_TILE
        pltpu.sync_copy(table_hbm.at[pl.ds(rbase, ROWS_PER_TILE)],
                        tspm.at[pl.ds(rbase, ROWS_PER_TILE)])

        def zacc(i, _):
            pltpu.sync_copy(zbuf, acc.at[pl.ds(rbase + i * ZROWS, ZROWS)])
            return _

        lax.fori_loop(0, ROWS_PER_TILE // ZROWS, zacc, None)
        plsc.subcore_barrier()

        for h in range(2):
            lo = h * half
            cnt = min(base, lo + half) - lo
            pltpu.sync_copy(edge_hbm.at[0, pl.ds(w * base + lo, cnt)],
                            sidx.at[pl.ds(0, cnt)])
            pltpu.sync_copy(edge_hbm.at[1, pl.ds(w * base + lo, cnt)],
                            didx.at[pl.ds(0, cnt)])

            for b in range(DEPTH - LAG):
                pltpu.async_copy(tspm.at[sidx.at[b]], rows.at[b], gsem.at[b])

            def body(j, _):
                p = lax.rem(j, DEPTH)
                pltpu.make_async_copy(tspm.at[sidx.at[j]], rows.at[p],
                                      gsem.at[p]).wait()
                pltpu.async_copy(rows.at[p], acc.at[didx.at[j]], ssem.at[p],
                                 add=True)

                @pl.when(j >= LAG)
                def _retire():
                    q = lax.rem(j - LAG, DEPTH)
                    pltpu.make_async_copy(rows.at[q], acc.at[didx.at[j - LAG]],
                                          ssem.at[q]).wait()

                @pl.when(j + DEPTH - LAG < cnt)
                def _prefetch():
                    q = lax.rem(j + DEPTH - LAG, DEPTH)
                    pltpu.async_copy(tspm.at[sidx.at[j + DEPTH - LAG]],
                                     rows.at[q], gsem.at[q])

                return _

            lax.fori_loop(0, cnt, body, None)
            for t in range(LAG):
                j = cnt - LAG + t
                pltpu.make_async_copy(rows.at[j % DEPTH], acc.at[didx.at[j]],
                                      ssem.at[j % DEPTH]).wait()

        if extra:
            @pl.when(w < extra)
            def _tail():
                pltpu.sync_copy(edge_hbm.at[0, pl.ds(base * NW + w, 1)],
                                tidx.at[pl.ds(0, 1)])
                pltpu.sync_copy(edge_hbm.at[1, pl.ds(base * NW + w, 1)],
                                tidx.at[pl.ds(1, 1)])
                pltpu.sync_copy(tspm.at[tidx.at[0]], rows.at[0])
                pltpu.sync_copy(rows.at[0], acc.at[tidx.at[1]], add=True)

        plsc.subcore_barrier()

        def dump(i, _):
            off = rbase + i * CHUNK
            pltpu.sync_copy(acc.at[pl.ds(off, CHUNK)], out_hbm.at[c, pl.ds(off, CHUNK)])
            return _

        lax.fori_loop(0, ZCHUNKS, dump, None)

    return k(table, edge3)


_BLK = 2000


def _tc_matmul(x, W):
    n, kdim = x.shape
    f = W.shape[1]

    def body(xr, wr, outr):
        outr[...] = jnp.dot(xr[...], wr[...], preferred_element_type=jnp.float32)

    return pl.pallas_call(
        body,
        grid=(n // _BLK,),
        in_specs=[
            pl.BlockSpec((_BLK, kdim), lambda i: (i, 0)),
            pl.BlockSpec((kdim, f), lambda i: (0, 0)),
        ],
        out_specs=pl.BlockSpec((_BLK, f), lambda i: (i, 0)),
        out_shape=jax.ShapeDtypeStruct((NPAD, f), jnp.float32),
    )(x, W)


def _tc_prep(deg_h, xl, n):
    f = xl.shape[1]

    def body(dh, xr, xlp, dinv):
        deg = dh[0, :, :1] + dh[1, :, :1] + 1.0
        di = lax.rsqrt(deg)
        dinv[...] = jnp.broadcast_to(di, (
            di.shape[0], LANES))
        xlp[...] = di * xr[...]

    return pl.pallas_call(
        body,
        grid=(n // _BLK,),
        in_specs=[
            pl.BlockSpec((NC, _BLK, DEG_W), lambda i: (0, i, 0)),
            pl.BlockSpec((_BLK, f), lambda i: (i, 0)),
        ],
        out_specs=[
            pl.BlockSpec((_BLK, f), lambda i: (i, 0)),
            pl.BlockSpec((_BLK, LANES), lambda i: (i, 0)),
        ],
        out_shape=[
            jax.ShapeDtypeStruct((NPAD, f), jnp.float32),
            jax.ShapeDtypeStruct((n, LANES), jnp.float32),
        ],
    )(deg_h, xl)


def _tc_mid(agg, xlp, dinv, b1, W2, n, f):
    f2 = W2.shape[1]

    def body(ar, xr, dr, br, wr, outr):
        di = dr[:, :1]
        h = jnp.maximum(di * (ar[0] + ar[1] + xr[...]) + br[...], 0.0)
        outr[...] = di * jnp.dot(h, wr[...], preferred_element_type=jnp.float32)

    return pl.pallas_call(
        body,
        grid=(n // _BLK,),
        in_specs=[
            pl.BlockSpec((NC, _BLK, f), lambda i: (0, i, 0)),
            pl.BlockSpec((_BLK, f), lambda i: (i, 0)),
            pl.BlockSpec((_BLK, LANES), lambda i: (i, 0)),
            pl.BlockSpec((1, f), lambda i: (0, 0)),
            pl.BlockSpec((f, f2), lambda i: (0, 0)),
        ],
        out_specs=pl.BlockSpec((_BLK, f2), lambda i: (i, 0)),
        out_shape=jax.ShapeDtypeStruct((NPAD, f2), jnp.float32),
    )(agg, xlp, dinv, b1, W2)


def _tc_final(agg, xlp, dinv, b2, Wfc, bfc, n, f):
    ncls = Wfc.shape[1]
    grid = n // _BLK

    def body(ar, xr, dr, br, wr, bfr, outr, accr):
        i = pl.program_id(0)
        h = jnp.maximum(dr[:, :1] * (ar[0] + ar[1] + xr[...]) + br[...], 0.0)
        ps = jnp.sum(h, axis=0, keepdims=True)

        @pl.when(i == 0)
        def _():
            accr[...] = jnp.zeros_like(accr)

        accr[...] += ps

        @pl.when(i == grid - 1)
        def _():
            g = accr[...] * (1.0 / n)
            outr[...] = jnp.dot(g, wr[...], preferred_element_type=jnp.float32) + bfr[...]

    return pl.pallas_call(
        body,
        grid=(grid,),
        in_specs=[
            pl.BlockSpec((NC, _BLK, f), lambda i: (0, i, 0)),
            pl.BlockSpec((_BLK, f), lambda i: (i, 0)),
            pl.BlockSpec((_BLK, LANES), lambda i: (i, 0)),
            pl.BlockSpec((1, f), lambda i: (0, 0)),
            pl.BlockSpec((f, ncls), lambda i: (0, 0)),
            pl.BlockSpec((1, ncls), lambda i: (0, 0)),
        ],
        out_specs=pl.BlockSpec((1, ncls), lambda i: (0, 0)),
        out_shape=jax.ShapeDtypeStruct((1, ncls), jnp.float32),
        scratch_shapes=[pltpu.VMEM((1, f), jnp.float32)],
    )(agg, xlp, dinv, b2, Wfc, bfc)


def kernel(x, edge_index, W1, b1, W2, b2, Wfc, bfc):
    n = x.shape[0]
    e = edge_index.shape[1]
    ei = edge_index.astype(jnp.int32)
    if e % CHUNK:
        pad = CHUNK - e % CHUNK
        ei = jnp.concatenate([ei, jnp.zeros((2, pad), jnp.int32)], axis=1)
        ei = ei.at[1, e:].set(n)
    n_chunks = ei.shape[1] // CHUNK
    edge3 = ei.reshape(2, n_chunks, CHUNK)

    deg_h = _sc_degree_hist(edge3, n_chunks)
    xl = _tc_matmul(x, W1)
    xlp, dinv = _tc_prep(deg_h, xl, n)

    agg1 = _sc_gather_scatter(xlp, edge3, n_chunks, W1.shape[1])
    xl2p = _tc_mid(agg1, xlp, dinv, b1.reshape(1, -1), W2, n, W1.shape[1])

    agg2 = _sc_gather_scatter(xl2p, edge3, n_chunks, W2.shape[1])
    return _tc_final(agg2, xl2p, dinv, b2.reshape(1, -1),
                     Wfc, bfc.reshape(1, -1), n, W2.shape[1])

# --- scband reference (transcript-rebuilt; emitter-appended) ---
"""Pipeline reference for scband-fault-classifier-gnn-46368466927824 (READ-ONLY COPY).

The authoritative reference and input builder live on the scoring server;
editing this copy changes nothing except your own understanding.
"""

import jax, jax.numpy as jnp
import numpy as np

N_NODES = 10000


def gcn_conv(x, edge_index, W, b, num_nodes):
    # Faithful PyG GCNConv: add self loops, symmetric normalization, linear, scatter-add, bias
    src = edge_index[0]
    dst = edge_index[1]
    loop = jnp.arange(num_nodes, dtype=edge_index.dtype)
    src = jnp.concatenate([src, loop])
    dst = jnp.concatenate([dst, loop])
    ew = jnp.ones(src.shape[0], dtype=x.dtype)
    deg = jnp.zeros((num_nodes,), dtype=x.dtype).at[dst].add(ew)
    deg_inv_sqrt = jnp.where(deg > 0, 1.0 / jnp.sqrt(jnp.where(deg > 0, deg, 1.0)), 0.0)
    norm = deg_inv_sqrt[src] * ew * deg_inv_sqrt[dst]
    xl = x @ W
    msg = norm[:, None] * jnp.take(xl, src, axis=0)
    out = jnp.zeros((num_nodes, W.shape[1]), dtype=x.dtype).at[dst].add(msg)
    return out + b


def setup_inputs(seed: int = 0) -> dict:
    key = jax.random.key(seed)
    k = jax.random.split(key, 8)
    x = jax.random.normal(k[0], (N_NODES, 128), dtype=jnp.float32)
    edge_index = jax.random.randint(k[1], (2, 320000), 0, N_NODES, dtype=jnp.int64)
    W1 = jax.random.normal(k[2], (128, 64), dtype=jnp.float32) * (1.0 / np.sqrt(128))
    b1 = jnp.zeros((64,), dtype=jnp.float32)
    W2 = jax.random.normal(k[3], (64, 32), dtype=jnp.float32) * (1.0 / np.sqrt(64))
    b2 = jnp.zeros((32,), dtype=jnp.float32)
    Wfc = jax.random.normal(k[4], (32, 10), dtype=jnp.float32) * (1.0 / np.sqrt(32))
    bfc = jnp.zeros((10,), dtype=jnp.float32)
    return {"x": x, "edge_index": edge_index, "W1": W1, "b1": b1, "W2": W2, "b2": b2, "Wfc": Wfc, "bfc": bfc}


def reference(x, edge_index, W1, b1, W2, b2, Wfc, bfc):
    num_nodes = x.shape[0]
    h = jax.nn.relu(gcn_conv(x, edge_index, W1, b1, num_nodes))
    # dropout is identity in eval mode
    h = jax.nn.relu(gcn_conv(h, edge_index, W2, b2, num_nodes))
    # batch is None -> global mean over all nodes, keepdim
    g = jnp.mean(h, axis=0, keepdims=True)
    logits = g @ Wfc + bfc
    return logits

if __name__ == "__main__":
    import jax
    _d = setup_inputs()
    print(jax.jit(kernel)(*tuple(_d.values())))

</pallas_src>

<mosaic_0001>
#map = affine_map<(d0, d1) -> (0, 0)>
#map1 = affine_map<(d0, d1) -> (0, 0, 0)>
module attributes {stable_mosaic.version = 14 : i64} {
  func.func @k(%arg0: i32, %arg1: i32, %arg2: memref<10240x64xf32, #tpu.memory_space<hbm>>, %arg3: memref<2x2500x128xi32, #tpu.memory_space<hbm>>, %arg4: memref<2x10240x64xf32, #tpu.memory_space<hbm>>, %arg5: memref<39x128xi32, #tpu.memory_space<vmem>>, %arg6: memref<39x128xi32, #tpu.memory_space<vmem>>, %arg7: memref<2x128xi32, #tpu.memory_space<vmem>>, %arg8: memref<3x128x64xf32, #tpu.memory_space<vmem>>, %arg9: memref<64x64xf32, #tpu.memory_space<vmem>>, %arg10: memref<10240x64xf32, #tpu.memory_space<vmem_shared>>, %arg11: memref<10240x64xf32, #tpu.memory_space<vmem_shared>>, %arg12: memref<3x!tpu.dma_semaphore, #tpu.memory_space<semaphore_mem>>, %arg13: memref<3x!tpu.dma_semaphore, #tpu.memory_space<semaphore_mem>>) attributes {dimension_semantics = [#tpu.dimension_semantics<core_parallel>, #tpu.dimension_semantics<subcore_parallel>], iteration_bounds = array<i64: 2, 16>, scalar_prefetch = 0 : i64, scratch_operands = 9 : i64, tpu.core_type = #tpu.core_type<sc_vector_subcore>, window_params = [{transform_indices = #map}, {transform_indices = #map1}, {transform_indices = #map1}]} {
    %mul3A = arith.constant 2 : i32
    %mul3A_0 = arith.muli %arg1, %mul3A : i32
    %add3A = arith.addi %mul3A_0, %arg0 : i32
    %broadcast_in_dim3A = arith.constant 0.000000e+00 : f32
    %broadcast_in_dim3A_1 = vector.broadcast %broadcast_in_dim3A : f32 to vector<16xf32>
    %scan3A = arith.constant 0 : i32
    %scan3A_2 = arith.constant 256 : i32
    %scan3A_3 = arith.addi %scan3A, %scan3A_2 : i32
    %scan3A_4 = arith.constant 1 : i32
    scf.for %scan3A_138 = %scan3A to %scan3A_3 step %scan3A_4  : i32 {
      %jit3A = arith.constant 4 : i32
      %div3A = arith.divsi %scan3A_138, %jit3A : i32
      %sign3A = arith.constant 0 : i32
      %sign3A_139 = arith.cmpi sgt, %scan3A_138, %sign3A : i32
      %sign3A_140 = arith.extui %sign3A_139 : i1 to i32
      %sign3A_141 = arith.constant 0 : i32
      %sign3A_142 = arith.cmpi slt, %scan3A_138, %sign3A_141 : i32
      %sign3A_143 = arith.extui %sign3A_142 : i1 to i32
      %sign3A_144 = arith.subi %sign3A_140, %sign3A_143 : i32
      %sign3A_145 = arith.constant 0 : i32
      %sign3A_146 = arith.cmpi sgt, %jit3A, %sign3A_145 : i32
      %sign3A_147 = arith.extui %sign3A_146 : i1 to i32
      %sign3A_148 = arith.constant 0 : i32
      %sign3A_149 = arith.cmpi slt, %jit3A, %sign3A_148 : i32
      %sign3A_150 = arith.extui %sign3A_149 : i1 to i32
      %sign3A_151 = arith.subi %sign3A_147, %sign3A_150 : i32
      %ne3A = arith.cmpi ne, %sign3A_144, %sign3A_151 : i32
      %rem3A = arith.remsi %scan3A_138, %jit3A : i32
      %ne3A_152 = arith.constant 0 : i32
      %ne3A_153 = arith.cmpi ne, %rem3A, %ne3A_152 : i32
      %and3A = arith.andi %ne3A, %ne3A_153 : i1
      %sub3A = arith.constant 1 : i32
      %sub3A_154 = arith.subi %div3A, %sub3A : i32
      %select_n3A = arith.select %and3A, %sub3A_154, %div3A : i32
      %jit3A_155 = arith.constant 4 : i32
      %eq3A = arith.constant 0 : i32
      %eq3A_156 = arith.cmpi eq, %jit3A_155, %eq3A : i32
      %jit3A_157 = arith.constant 1 : i32
      %select_n3A_158 = arith.select %eq3A_156, %jit3A_157, %jit3A_155 : i32
      %rem3A_159 = arith.remsi %scan3A_138, %select_n3A_158 : i32
      %ne3A_160 = arith.constant 0 : i32
      %ne3A_161 = arith.cmpi ne, %rem3A_159, %ne3A_160 : i32
      %lt3A_162 = arith.constant 0 : i32
      %lt3A_163 = arith.cmpi slt, %rem3A_159, %lt3A_162 : i32
      %lt3A_164 = arith.constant 0 : i32
      %lt3A_165 = arith.cmpi slt, %select_n3A_158, %lt3A_164 : i32
      %ne3A_166 = arith.xori %lt3A_163, %lt3A_165 : i1
      %and3A_167 = arith.andi %ne3A_166, %ne3A_161 : i1
      %add3A_168 = arith.addi %rem3A_159, %select_n3A_158 : i32
      %select_n3A_169 = arith.select %and3A_167, %add3A_168, %rem3A_159 : i32
      %mul3A_170 = arith.constant 16 : i32
      %mul3A_171 = arith.muli %select_n3A_169, %mul3A_170 : i32
      %swap3A = arith.index_cast %select_n3A : i32 to index
      %swap3A_172 = arith.index_cast %mul3A_171 : i32 to index
      %swap3A_173 = tpu.vector_load %arg9[%swap3A, %swap3A_172] {strides = array<i32>} : memref<64x64xf32, #tpu.memory_space<vmem>>, vector<1x16xf32>,
      %swap3A_174 = vector.shape_cast %swap3A_173 : vector<1x16xf32> to vector<16xf32>
      %swap3A_175 = vector.shape_cast %broadcast_in_dim3A_1 : vector<16xf32> to vector<1x16xf32>
      tpu.vector_store %arg9[%swap3A, %swap3A_172], %swap3A_175 {strides = array<i32>} : memref<64x64xf32, #tpu.memory_space<vmem>>, vector<1x16xf32>,
    }
    %scan3A_5 = arith.constant 256 : i32
    %mul3A_6 = arith.constant 640 : i32
    %mul3A_7 = arith.muli %arg1, %mul3A_6 : i32
    "tpu.region"() ({
      %run_scoped3A_138 = tpu.sem_alloc : memref<!tpu.dma_semaphore, #tpu.memory_space<semaphore_mem>>
      %dma_start3A_139 = arith.constant 0 : i32
      %dma_start3A_140 = tpu.memref_slice %arg10[%mul3A_7, %dma_start3A_139] : memref<10240x64xf32, #tpu.memory_space<vmem_shared>> -> memref<640x64xf32, #tpu.memory_space<vmem_shared>>
      %dma_start3A_141 = arith.constant 0 : i32
      %dma_start3A_142 = tpu.memref_slice %arg2[%mul3A_7, %dma_start3A_141] : memref<10240x64xf32, #tpu.memory_space<hbm>> -> memref<640x64xf32, #tpu.memory_space<hbm>>
      tpu.enqueue_dma source(%dma_start3A_142 : memref<640x64xf32, #tpu.memory_space<hbm>>) target(%dma_start3A_140 : memref<640x64xf32, #tpu.memory_space<vmem_shared>>) target_semaphore(%run_scoped3A_138 : memref<!tpu.dma_semaphore, #tpu.memory_space<semaphore_mem>>)
      %dma_wait3A_143 = arith.constant 0 : i32
      %dma_wait3A_144 = tpu.memref_slice %arg10[%mul3A_7, %dma_wait3A_143] : memref<10240x64xf32, #tpu.memory_space<vmem_shared>> -> memref<640x64xf32, #tpu.memory_space<vmem_shared>>
      %dma_wait3A_145 = arith.constant 0 : i32
      %dma_wait3A_146 = tpu.memref_slice %arg2[%mul3A_7, %dma_wait3A_145] : memref<10240x64xf32, #tpu.memory_space<hbm>> -> memref<640x64xf32, #tpu.memory_space<hbm>>
      tpu.wait_dma2 semaphore(%run_scoped3A_138 : memref<!tpu.dma_semaphore, #tpu.memory_space<semaphore_mem>>) src(%dma_wait3A_146 : memref<640x64xf32, #tpu.memory_space<hbm>>) dst(%dma_wait3A_144 : memref<640x64xf32, #tpu.memory_space<vmem_shared>>)
      tpu.yield
    }) : () -> ()
    %scan3A_8 = arith.constant 0 : i32
    %scan3A_9 = arith.constant 10 : i32
    %scan3A_10 = arith.addi %scan3A_8, %scan3A_9 : i32
    %scan3A_11 = arith.constant 1 : i32
    scf.for %scan3A_138 = %scan3A_8 to %scan3A_10 step %scan3A_11  : i32 {
      %mul3A_139 = arith.constant 64 : i32
      %mul3A_140 = arith.muli %scan3A_138, %mul3A_139 : i32
      %add3A_141 = arith.addi %mul3A_7, %mul3A_140 : i32
      "tpu.region"() ({
        %run_scoped3A_142 = tpu.sem_alloc : memref<!tpu.dma_semaphore, #tpu.memory_space<semaphore_mem>>
        %dma_start3A_143 = arith.constant 0 : i32
        %dma_start3A_144 = tpu.memref_slice %arg11[%add3A_141, %dma_start3A_143] : memref<10240x64xf32, #tpu.memory_space<vmem_shared>> -> memref<64x64xf32, #tpu.memory_space<vmem_shared>>
        %dma_start3A_145 = arith.constant 0 : i32
        %dma_start3A_146 = tpu.memref_slice %arg11[%add3A_141, %dma_start3A_145] : memref<10240x64xf32, #tpu.memory_space<vmem_shared>> -> memref<64x64xf32, #tpu.memory_space<vmem_shared>>
        tpu.enqueue_dma source(%arg9 : memref<64x64xf32, #tpu.memory_space<vmem>>) target(%dma_start3A_146 : memref<64x64xf32, #tpu.memory_space<vmem_shared>>) target_semaphore(%run_scoped3A_142 : memref<!tpu.dma_semaphore, #tpu.memory_space<semaphore_mem>>)
        %dma_wait3A_147 = arith.constant 0 : i32
        %dma_wait3A_148 = tpu.memref_slice %arg11[%add3A_141, %dma_wait3A_147] : memref<10240x64xf32, #tpu.memory_space<vmem_shared>> -> memref<64x64xf32, #tpu.memory_space<vmem_shared>>
        %dma_wait3A_149 = arith.constant 0 : i32
        %dma_wait3A_150 = tpu.memref_slice %arg11[%add3A_141, %dma_wait3A_149] : memref<10240x64xf32, #tpu.memory_space<vmem_shared>> -> memref<64x64xf32, #tpu.memory_space<vmem_shared>>
        tpu.wait_dma2 semaphore(%run_scoped3A_142 : memref<!tpu.dma_semaphore, #tpu.memory_space<semaphore_mem>>) src(%arg9 : memref<64x64xf32, #tpu.memory_space<vmem>>) dst(%dma_wait3A_150 : memref<64x64xf32, #tpu.memory_space<vmem_shared>>)
        tpu.yield
      }) : () -> ()
    }
    %scan3A_12 = arith.constant 10 : i32
    %barrier3A = arith.constant 0 : index
    tpu.barrier barrier_id(%barrier3A)
    %mul3A_13 = arith.constant 78 : i32
    %mul3A_14 = arith.muli %add3A, %mul3A_13 : i32
    %add3A_15 = arith.constant 0 : i32
    %add3A_16 = arith.addi %mul3A_14, %add3A_15 : i32
    %run_scoped3A = arith.constant 0 : i32
    "tpu.region"() ({
      %run_scoped3A_138 = tpu.sem_alloc : memref<!tpu.dma_semaphore, #tpu.memory_space<semaphore_mem>>
      %dma_start3A_139 = arith.constant 0 : i32
      %dma_start3A_140 = arith.constant 0 : i32
      %dma_start3A_141 = tpu.memref_slice %arg5[%dma_start3A_139, %dma_start3A_140] : memref<39x128xi32, #tpu.memory_space<vmem>> -> memref<39x128xi32, #tpu.memory_space<vmem>>
      %dma_start3A_142 = arith.constant 0 : i32
      %dma_start3A_143 = tpu.memref_slice %arg3[%run_scoped3A, %add3A_16, %dma_start3A_142] : memref<2x2500x128xi32, #tpu.memory_space<hbm>> -> memref<1x39x128xi32, #tpu.memory_space<hbm>>
      %dma_start3A_144 = tpu.memref_squeeze %dma_start3A_143 : memref<1x39x128xi32, #tpu.memory_space<hbm>> -> memref<39x128xi32, #tpu.memory_space<hbm>>
      %dma_start3A_145 = arith.constant 0 : i32
      %dma_start3A_146 = arith.constant 0 : i32
      %dma_start3A_147 = tpu.memref_slice %arg5[%dma_start3A_145, %dma_start3A_146] : memref<39x128xi32, #tpu.memory_space<vmem>> -> memref<39x128xi32, #tpu.memory_space<vmem>>
      %dma_start3A_148 = arith.constant 0 : i32
      %dma_start3A_149 = tpu.memref_slice %arg3[%run_scoped3A, %add3A_16, %dma_start3A_148] : memref<2x2500x128xi32, #tpu.memory_space<hbm>> -> memref<1x39x128xi32, #tpu.memory_space<hbm>>
      %dma_start3A_150 = tpu.memref_squeeze %dma_start3A_149 : memref<1x39x128xi32, #tpu.memory_space<hbm>> -> memref<39x128xi32, #tpu.memory_space<hbm>>
      tpu.enqueue_dma source(%dma_start3A_150 : memref<39x128xi32, #tpu.memory_space<hbm>>) target(%dma_start3A_147 : memref<39x128xi32, #tpu.memory_space<vmem>>) target_semaphore(%run_scoped3A_138 : memref<!tpu.dma_semaphore, #tpu.memory_space<semaphore_mem>>)
      %dma_wait3A_151 = arith.constant 0 : i32
      %dma_wait3A_152 = arith.constant 0 : i32
      %dma_wait3A_153 = tpu.memref_slice %arg5[%dma_wait3A_151, %dma_wait3A_152] : memref<39x128xi32, #tpu.memory_space<vmem>> -> memref<39x128xi32, #tpu.memory_space<vmem>>
      %dma_wait3A_154 = arith.constant 0 : i32
      %dma_wait3A_155 = tpu.memref_slice %arg3[%run_scoped3A, %add3A_16, %dma_wait3A_154] : memref<2x2500x128xi32, #tpu.memory_space<hbm>> -> memref<1x39x128xi32, #tpu.memory_space<hbm>>
      %dma_wait3A_156 = tpu.memref_squeeze %dma_wait3A_155 : memref<1x39x128xi32, #tpu.memory_space<hbm>> -> memref<39x128xi32, #tpu.memory_space<hbm>>
      %dma_wait3A_157 = arith.constant 0 : i32
      %dma_wait3A_158 = arith.constant 0 : i32
      %dma_wait3A_159 = tpu.memref_slice %arg5[%dma_wait3A_157, %dma_wait3A_158] : memref<39x128xi32, #tpu.memory_space<vmem>> -> memref<39x128xi32, #tpu.memory_space<vmem>>
      %dma_wait3A_160 = arith.constant 0 : i32
      %dma_wait3A_161 = tpu.memref_slice %arg3[%run_scoped3A, %add3A_16, %dma_wait3A_160] : memref<2x2500x128xi32, #tpu.memory_space<hbm>> -> memref<1x39x128xi32, #tpu.memory_space<hbm>>
      %dma_wait3A_162 = tpu.memref_squeeze %dma_wait3A_161 : memref<1x39x128xi32, #tpu.memory_space<hbm>> -> memref<39x128xi32, #tpu.memory_space<hbm>>
      tpu.wait_dma2 semaphore(%run_scoped3A_138 : memref<!tpu.dma_semaphore, #tpu.memory_space<semaphore_mem>>) src(%dma_wait3A_162 : memref<39x128xi32, #tpu.memory_space<hbm>>) dst(%dma_wait3A_159 : memref<39x128xi32, #tpu.memory_space<vmem>>)
      tpu.yield
    }) : () -> ()
    %mul3A_17 = arith.constant 78 : i32
    %mul3A_18 = arith.muli %add3A, %mul3A_17 : i32
    %add3A_19 = arith.constant 0 : i32
    %add3A_20 = arith.addi %mul3A_18, %add3A_19 : i32
    %run_scoped3A_21 = arith.constant 1 : i32
    "tpu.region"() ({
      %run_scoped3A_138 = tpu.sem_alloc : memref<!tpu.dma_semaphore, #tpu.memory_space<semaphore_mem>>
      %dma_start3A_139 = arith.constant 0 : i32
      %dma_start3A_140 = arith.constant 0 : i32
      %dma_start3A_141 = tpu.memref_slice %arg6[%dma_start3A_139, %dma_start3A_140] : memref<39x128xi32, #tpu.memory_space<vmem>> -> memref<39x128xi32, #tpu.memory_space<vmem>>
      %dma_start3A_142 = arith.constant 0 : i32
      %dma_start3A_143 = tpu.memref_slice %arg3[%run_scoped3A_21, %add3A_20, %dma_start3A_142] : memref<2x2500x128xi32, #tpu.memory_space<hbm>> -> memref<1x39x128xi32, #tpu.memory_space<hbm>>
      %dma_start3A_144 = tpu.memref_squeeze %dma_start3A_143 : memref<1x39x128xi32, #tpu.memory_space<hbm>> -> memref<39x128xi32, #tpu.memory_space<hbm>>
      %dma_start3A_145 = arith.constant 0 : i32
      %dma_start3A_146 = arith.constant 0 : i32
      %dma_start3A_147 = tpu.memref_slice %arg6[%dma_start3A_145, %dma_start3A_146] : memref<39x128xi32, #tpu.memory_space<vmem>> -> memref<39x128xi32, #tpu.memory_space<vmem>>
      %dma_start3A_148 = arith.constant 0 : i32
      %dma_start3A_149 = tpu.memref_slice %arg3[%run_scoped3A_21, %add3A_20, %dma_start3A_148] : memref<2x2500x128xi32, #tpu.memory_space<hbm>> -> memref<1x39x128xi32, #tpu.memory_space<hbm>>
      %dma_start3A_150 = tpu.memref_squeeze %dma_start3A_149 : memref<1x39x128xi32, #tpu.memory_space<hbm>> -> memref<39x128xi32, #tpu.memory_space<hbm>>
      tpu.enqueue_dma source(%dma_start3A_150 : memref<39x128xi32, #tpu.memory_space<hbm>>) target(%dma_start3A_147 : memref<39x128xi32, #tpu.memory_space<vmem>>) target_semaphore(%run_scoped3A_138 : memref<!tpu.dma_semaphore, #tpu.memory_space<semaphore_mem>>)
      %dma_wait3A_151 = arith.constant 0 : i32
      %dma_wait3A_152 = arith.constant 0 : i32
      %dma_wait3A_153 = tpu.memref_slice %arg6[%dma_wait3A_151, %dma_wait3A_152] : memref<39x128xi32, #tpu.memory_space<vmem>> -> memref<39x128xi32, #tpu.memory_space<vmem>>
      %dma_wait3A_154 = arith.constant 0 : i32
      %dma_wait3A_155 = tpu.memref_slice %arg3[%run_scoped3A_21, %add3A_20, %dma_wait3A_154] : memref<2x2500x128xi32, #tpu.memory_space<hbm>> -> memref<1x39x128xi32, #tpu.memory_space<hbm>>
      %dma_wait3A_156 = tpu.memref_squeeze %dma_wait3A_155 : memref<1x39x128xi32, #tpu.memory_space<hbm>> -> memref<39x128xi32, #tpu.memory_space<hbm>>
      %dma_wait3A_157 = arith.constant 0 : i32
      %dma_wait3A_158 = arith.constant 0 : i32
      %dma_wait3A_159 = tpu.memref_slice %arg6[%dma_wait3A_157, %dma_wait3A_158] : memref<39x128xi32, #tpu.memory_space<vmem>> -> memref<39x128xi32, #tpu.memory_space<vmem>>
      %dma_wait3A_160 = arith.constant 0 : i32
      %dma_wait3A_161 = tpu.memref_slice %arg3[%run_scoped3A_21, %add3A_20, %dma_wait3A_160] : memref<2x2500x128xi32, #tpu.memory_space<hbm>> -> memref<1x39x128xi32, #tpu.memory_space<hbm>>
      %dma_wait3A_162 = tpu.memref_squeeze %dma_wait3A_161 : memref<1x39x128xi32, #tpu.memory_space<hbm>> -> memref<39x128xi32, #tpu.memory_space<hbm>>
      tpu.wait_dma2 semaphore(%run_scoped3A_138 : memref<!tpu.dma_semaphore, #tpu.memory_space<semaphore_mem>>) src(%dma_wait3A_162 : memref<39x128xi32, #tpu.memory_space<hbm>>) dst(%dma_wait3A_159 : memref<39x128xi32, #tpu.memory_space<vmem>>)
      tpu.yield
    }) : () -> ()
    %dma_start3A = arith.constant 0 : i32
    %dma_start3A_22 = arith.constant 0 : i32
    %dma_start3A_23 = arith.constant 0 : i32
    %dma_start3A_24 = arith.constant 0 : i32
    %dma_start3A_25 = arith.constant 0 : i32
    %dma_start3A_26 = tpu.memref_slice %arg8[%dma_start3A_22, %dma_start3A_24, %dma_start3A_25] : memref<3x128x64xf32, #tpu.memory_space<vmem>> -> memref<1x128x64xf32, #tpu.memory_space<vmem>>
    %dma_start3A_27 = tpu.memref_squeeze %dma_start3A_26 : memref<1x128x64xf32, #tpu.memory_space<vmem>> -> memref<128x64xf32, #tpu.memory_space<vmem>>
    %dma_start3A_28 = arith.constant 0 : i32
    %dma_start3A_29 = tpu.memref_slice %arg5[%dma_start3A, %dma_start3A_28] : memref<39x128xi32, #tpu.memory_space<vmem>> -> memref<1x128xi32, #tpu.memory_space<vmem>>
    %dma_start3A_30 = tpu.memref_squeeze %dma_start3A_29 : memref<1x128xi32, #tpu.memory_space<vmem>> -> memref<128xi32, #tpu.memory_space<vmem>>
    %dma_start3A_31 = arith.constant 0 : i32
    %dma_start3A_32 = arith.constant 0 : i32
    %dma_start3A_33 = tpu.memref_slice %arg10[%dma_start3A_31, %dma_start3A_32] : memref<10240x64xf32, #tpu.memory_space<vmem_shared>> -> memref<10240x64xf32, #tpu.memory_space<vmem_shared>>
    %dma_start3A_34 = tpu.memref_slice %arg12[%dma_start3A_23] : memref<3x!tpu.dma_semaphore, #tpu.memory_space<semaphore_mem>> -> memref<1x!tpu.dma_semaphore, #tpu.memory_space<semaphore_mem>>
    %dma_start3A_35 = tpu.memref_squeeze %dma_start3A_34 : memref<1x!tpu.dma_semaphore, #tpu.memory_space<semaphore_mem>> -> memref<!tpu.dma_semaphore, #tpu.memory_space<semaphore_mem>>
    tpu.enqueue_indirect_dma source(%dma_start3A_33 : memref<10240x64xf32, #tpu.memory_space<vmem_shared>>) target(%dma_start3A_27 : memref<128x64xf32, #tpu.memory_space<vmem>>) offsets(%dma_start3A_30 : memref<128xi32, #tpu.memory_space<vmem>>) semaphore(%dma_start3A_35 : memref<!tpu.dma_semaphore, #tpu.memory_space<semaphore_mem>>)
    %dma_start3A_36 = arith.constant 1 : i32
    %dma_start3A_37 = arith.constant 1 : i32
    %dma_start3A_38 = arith.constant 1 : i32
    %dma_start3A_39 = arith.constant 0 : i32
    %dma_start3A_40 = arith.constant 0 : i32
    %dma_start3A_41 = tpu.memref_slice %arg8[%dma_start3A_37, %dma_start3A_39, %dma_start3A_40] : memref<3x128x64xf32, #tpu.memory_space<vmem>> -> memref<1x128x64xf32, #tpu.memory_space<vmem>>
    %dma_start3A_42 = tpu.memref_squeeze %dma_start3A_41 : memref<1x128x64xf32, #tpu.memory_space<vmem>> -> memref<128x64xf32, #tpu.memory_space<vmem>>
    %dma_start3A_43 = arith.constant 0 : i32
    %dma_start3A_44 = tpu.memref_slice %arg5[%dma_start3A_36, %dma_start3A_43] : memref<39x128xi32, #tpu.memory_space<vmem>> -> memref<1x128xi32, #tpu.memory_space<vmem>>
    %dma_start3A_45 = tpu.memref_squeeze %dma_start3A_44 : memref<1x128xi32, #tpu.memory_space<vmem>> -> memref<128xi32, #tpu.memory_space<vmem>>
    %dma_start3A_46 = arith.constant 0 : i32
    %dma_start3A_47 = arith.constant 0 : i32
    %dma_start3A_48 = tpu.memref_slice %arg10[%dma_start3A_46, %dma_start3A_47] : memref<10240x64xf32, #tpu.memory_space<vmem_shared>> -> memref<10240x64xf32, #tpu.memory_space<vmem_shared>>
    %dma_start3A_49 = tpu.memref_slice %arg12[%dma_start3A_38] : memref<3x!tpu.dma_semaphore, #tpu.memory_space<semaphore_mem>> -> memref<1x!tpu.dma_semaphore, #tpu.memory_space<semaphore_mem>>
    %dma_start3A_50 = tpu.memref_squeeze %dma_start3A_49 : memref<1x!tpu.dma_semaphore, #tpu.memory_space<semaphore_mem>> -> memref<!tpu.dma_semaphore, #tpu.memory_space<semaphore_mem>>
    tpu.enqueue_indirect_dma source(%dma_start3A_48 : memref<10240x64xf32, #tpu.memory_space<vmem_shared>>) target(%dma_start3A_42 : memref<128x64xf32, #tpu.memory_space<vmem>>) offsets(%dma_start3A_45 : memref<128xi32, #tpu.memory_space<vmem>>) semaphore(%dma_start3A_50 : memref<!tpu.dma_semaphore, #tpu.memory_space<semaphore_mem>>)
    %scan3A_51 = arith.constant 0 : i32
    %scan3A_52 = arith.constant 39 : i32
    %scan3A_53 = arith.addi %scan3A_51, %scan3A_52 : i32
    %scan3A_54 = arith.constant 1 : i32
    scf.for %scan3A_138 = %scan3A_51 to %scan3A_53 step %scan3A_54  : i32 {
      %rem3A = arith.constant 3 : i32
      %rem3A_139 = arith.remsi %scan3A_138, %rem3A : i32
      %dma_wait3A_140 = arith.constant 0 : i32
      %dma_wait3A_141 = arith.constant 0 : i32
      %dma_wait3A_142 = tpu.memref_slice %arg8[%rem3A_139, %dma_wait3A_140, %dma_wait3A_141] : memref<3x128x64xf32, #tpu.memory_space<vmem>> -> memref<1x128x64xf32, #tpu.memory_space<vmem>>
      %dma_wait3A_143 = tpu.memref_squeeze %dma_wait3A_142 : memref<1x128x64xf32, #tpu.memory_space<vmem>> -> memref<128x64xf32, #tpu.memory_space<vmem>>
      %dma_wait3A_144 = arith.constant 0 : i32
      %dma_wait3A_145 = tpu.memref_slice %arg5[%scan3A_138, %dma_wait3A_144] : memref<39x128xi32, #tpu.memory_space<vmem>> -> memref<1x128xi32, #tpu.memory_space<vmem>>
      %dma_wait3A_146 = tpu.memref_squeeze %dma_wait3A_145 : memref<1x128xi32, #tpu.memory_space<vmem>> -> memref<128xi32, #tpu.memory_space<vmem>>
      %dma_wait3A_147 = arith.constant 0 : i32
      %dma_wait3A_148 = arith.constant 0 : i32
      %dma_wait3A_149 = tpu.memref_slice %arg10[%dma_wait3A_147, %dma_wait3A_148] : memref<10240x64xf32, #tpu.memory_space<vmem_shared>> -> memref<10240x64xf32, #tpu.memory_space<vmem_shared>>
      %dma_wait3A_150 = tpu.memref_slice %arg12[%rem3A_139] : memref<3x!tpu.dma_semaphore, #tpu.memory_space<semaphore_mem>> -> memref<1x!tpu.dma_semaphore, #tpu.memory_space<semaphore_mem>>
      %dma_wait3A_151 = tpu.memref_squeeze %dma_wait3A_150 : memref<1x!tpu.dma_semaphore, #tpu.memory_space<semaphore_mem>> -> memref<!tpu.dma_semaphore, #tpu.memory_space<semaphore_mem>>
      tpu.wait_indirect_dma semaphore(%dma_wait3A_151 : memref<!tpu.dma_semaphore, #tpu.memory_space<semaphore_mem>>) src(%dma_wait3A_149 : memref<10240x64xf32, #tpu.memory_space<vmem_shared>>) dst(%dma_wait3A_143 : memref<128x64xf32, #tpu.memory_space<vmem>>)
      %dma_start3A_152 = arith.constant 0 : i32
      %dma_start3A_153 = arith.constant 0 : i32
      %dma_start3A_154 = tpu.memref_slice %arg8[%rem3A_139, %dma_start3A_152, %dma_start3A_153] : memref<3x128x64xf32, #tpu.memory_space<vmem>> -> memref<1x128x64xf32, #tpu.memory_space<vmem>>
      %dma_start3A_155 = tpu.memref_squeeze %dma_start3A_154 : memref<1x128x64xf32, #tpu.memory_space<vmem>> -> memref<128x64xf32, #tpu.memory_space<vmem>>
      %dma_start3A_156 = arith.constant 0 : i32
      %dma_start3A_157 = tpu.memref_slice %arg6[%scan3A_138, %dma_start3A_156] : memref<39x128xi32, #tpu.memory_space<vmem>> -> memref<1x128xi32, #tpu.memory_space<vmem>>
      %dma_start3A_158 = tpu.memref_squeeze %dma_start3A_157 : memref<1x128xi32, #tpu.memory_space<vmem>> -> memref<128xi32, #tpu.memory_space<vmem>>
      %dma_start3A_159 = arith.constant 0 : i32
      %dma_start3A_160 = arith.constant 0 : i32
      %dma_start3A_161 = tpu.memref_slice %arg11[%dma_start3A_159, %dma_start3A_160] : memref<10240x64xf32, #tpu.memory_space<vmem_shared>> -> memref<10240x64xf32, #tpu.memory_space<vmem_shared>>
      %dma_start3A_162 = tpu.memref_slice %arg13[%rem3A_139] : memref<3x!tpu.dma_semaphore, #tpu.memory_space<semaphore_mem>> -> memref<1x!tpu.dma_semaphore, #tpu.memory_space<semaphore_mem>>
      %dma_start3A_163 = tpu.memref_squeeze %dma_start3A_162 : memref<1x!tpu.dma_semaphore, #tpu.memory_space<semaphore_mem>> -> memref<!tpu.dma_semaphore, #tpu.memory_space<semaphore_mem>>
      tpu.enqueue_indirect_dma source(%dma_start3A_155 : memref<128x64xf32, #tpu.memory_space<vmem>>) target(%dma_start3A_161 : memref<10240x64xf32, #tpu.memory_space<vmem_shared>>) offsets(%dma_start3A_158 : memref<128xi32, #tpu.memory_space<vmem>>) semaphore(%dma_start3A_163 : memref<!tpu.dma_semaphore, #tpu.memory_space<semaphore_mem>>) {add = true}
      %ge3A = arith.constant 1 : i32
      %ge3A_164 = arith.cmpi sge, %scan3A_138, %ge3A : i32
      %convert_element_type3A_165 = arith.extui %ge3A_164 : i1 to i32
      %cond3A_166 = arith.constant 0 : i32
      %cond3A_167 = arith.cmpi ne, %convert_element_type3A_165, %cond3A_166 : i32
      scf.if %cond3A_167 {
        %sub3A_176 = arith.constant 1 : i32
        %sub3A_177 = arith.subi %scan3A_138, %sub3A_176 : i32
        %rem3A_178 = arith.constant 3 : i32
        %rem3A_179 = arith.remsi %sub3A_177, %rem3A_178 : i32
        %sub3A_180 = arith.constant 1 : i32
        %sub3A_181 = arith.subi %scan3A_138, %sub3A_180 : i32
        %dma_wait3A_182 = arith.constant 0 : i32
        %dma_wait3A_183 = arith.constant 0 : i32
        %dma_wait3A_184 = tpu.memref_slice %arg8[%rem3A_179, %dma_wait3A_182, %dma_wait3A_183] : memref<3x128x64xf32, #tpu.memory_space<vmem>> -> memref<1x128x64xf32, #tpu.memory_space<vmem>>
        %dma_wait3A_185 = tpu.memref_squeeze %dma_wait3A_184 : memref<1x128x64xf32, #tpu.memory_space<vmem>> -> memref<128x64xf32, #tpu.memory_space<vmem>>
        %dma_wait3A_186 = arith.constant 0 : i32
        %dma_wait3A_187 = tpu.memref_slice %arg6[%sub3A_181, %dma_wait3A_186] : memref<39x128xi32, #tpu.memory_space<vmem>> -> memref<1x128xi32, #tpu.memory_space<vmem>>
        %dma_wait3A_188 = tpu.memref_squeeze %dma_wait3A_187 : memref<1x128xi32, #tpu.memory_space<vmem>> -> memref<128xi32, #tpu.memory_space<vmem>>
        %dma_wait3A_189 = arith.constant 0 : i32
        %dma_wait3A_190 = arith.constant 0 : i32
        %dma_wait3A_191 = tpu.memref_slice %arg11[%dma_wait3A_189, %dma_wait3A_190] : memref<10240x64xf32, #tpu.memory_space<vmem_shared>> -> memref<10240x64xf32, #tpu.memory_space<vmem_shared>>
        %dma_wait3A_192 = tpu.memref_slice %arg13[%rem3A_179] : memref<3x!tpu.dma_semaphore, #tpu.memory_space<semaphore_mem>> -> memref<1x!tpu.dma_semaphore, #tpu.memory_space<semaphore_mem>>
        %dma_wait3A_193 = tpu.memref_squeeze %dma_wait3A_192 : memref<1x!tpu.dma_semaphore, #tpu.memory_space<semaphore_mem>> -> memref<!tpu.dma_semaphore, #tpu.memory_space<semaphore_mem>>
        tpu.wait_indirect_dma semaphore(%dma_wait3A_193 : memref<!tpu.dma_semaphore, #tpu.memory_space<semaphore_mem>>) src(%dma_wait3A_185 : memref<128x64xf32, #tpu.memory_space<vmem>>) dst(%dma_wait3A_191 : memref<10240x64xf32, #tpu.memory_space<vmem_shared>>)
      } else {
      }
      %add3A_168 = arith.constant 3 : i32
      %add3A_169 = arith.addi %scan3A_138, %add3A_168 : i32
      %sub3A = arith.constant 1 : i32
      %sub3A_170 = arith.subi %add3A_169, %sub3A : i32
      %lt3A_171 = arith.constant 39 : i32
      %lt3A_172 = arith.cmpi slt, %sub3A_170, %lt3A_171 : i32
      %convert_element_type3A_173 = arith.extui %lt3A_172 : i1 to i32
      %cond3A_174 = arith.constant 0 : i32
      %cond3A_175 = arith.cmpi ne, %convert_element_type3A_173, %cond3A_174 : i32
      scf.if %cond3A_175 {
        %add3A_176 = arith.constant 3 : i32
        %add3A_177 = arith.addi %scan3A_138, %add3A_176 : i32
        %sub3A_178 = arith.constant 1 : i32
        %sub3A_179 = arith.subi %add3A_177, %sub3A_178 : i32
        %rem3A_180 = arith.constant 3 : i32
        %rem3A_181 = arith.remsi %sub3A_179, %rem3A_180 : i32
        %add3A_182 = arith.constant 3 : i32
        %add3A_183 = arith.addi %scan3A_138, %add3A_182 : i32
        %sub3A_184 = arith.constant 1 : i32
        %sub3A_185 = arith.subi %add3A_183, %sub3A_184 : i32
        %dma_start3A_186 = arith.constant 0 : i32
        %dma_start3A_187 = arith.constant 0 : i32
        %dma_start3A_188 = tpu.memref_slice %arg8[%rem3A_181, %dma_start3A_186, %dma_start3A_187] : memref<3x128x64xf32, #tpu.memory_space<vmem>> -> memref<1x128x64xf32, #tpu.memory_space<vmem>>
        %dma_start3A_189 = tpu.memref_squeeze %dma_start3A_188 : memref<1x128x64xf32, #tpu.memory_space<vmem>> -> memref<128x64xf32, #tpu.memory_space<vmem>>
        %dma_start3A_190 = arith.constant 0 : i32
        %dma_start3A_191 = tpu.memref_slice %arg5[%sub3A_185, %dma_start3A_190] : memref<39x128xi32, #tpu.memory_space<vmem>> -> memref<1x128xi32, #tpu.memory_space<vmem>>
        %dma_start3A_192 = tpu.memref_squeeze %dma_start3A_191 : memref<1x128xi32, #tpu.memory_space<vmem>> -> memref<128xi32, #tpu.memory_space<vmem>>
        %dma_start3A_193 = arith.constant 0 : i32
        %dma_start3A_194 = arith.constant 0 : i32
        %dma_start3A_195 = tpu.memref_slice %arg10[%dma_start3A_193, %dma_start3A_194] : memref<10240x64xf32, #tpu.memory_space<vmem_shared>> -> memref<10240x64xf32, #tpu.memory_space<vmem_shared>>
        %dma_start3A_196 = tpu.memref_slice %arg12[%rem3A_181] : memref<3x!tpu.dma_semaphore, #tpu.memory_space<semaphore_mem>> -> memref<1x!tpu.dma_semaphore, #tpu.memory_space<semaphore_mem>>
        %dma_start3A_197 = tpu.memref_squeeze %dma_start3A_196 : memref<1x!tpu.dma_semaphore, #tpu.memory_space<semaphore_mem>> -> memref<!tpu.dma_semaphore, #tpu.memory_space<semaphore_mem>>
        tpu.enqueue_indirect_dma source(%dma_start3A_195 : memref<10240x64xf32, #tpu.memory_space<vmem_shared>>) target(%dma_start3A_189 : memref<128x64xf32, #tpu.memory_space<vmem>>) offsets(%dma_start3A_192 : memref<128xi32, #tpu.memory_space<vmem>>) semaphore(%dma_start3A_197 : memref<!tpu.dma_semaphore, #tpu.memory_space<semaphore_mem>>)
      } else {
      }
    }
    %scan3A_55 = arith.constant 39 : i32
    %dma_wait3A = arith.constant 2 : i32
    %dma_wait3A_56 = arith.constant 38 : i32
    %dma_wait3A_57 = arith.constant 2 : i32
    %dma_wait3A_58 = arith.constant 0 : i32
    %dma_wait3A_59 = arith.constant 0 : i32
    %dma_wait3A_60 = tpu.memref_slice %arg8[%dma_wait3A, %dma_wait3A_58, %dma_wait3A_59] : memref<3x128x64xf32, #tpu.memory_space<vmem>> -> memref<1x128x64xf32, #tpu.memory_space<vmem>>
    %dma_wait3A_61 = tpu.memref_squeeze %dma_wait3A_60 : memref<1x128x64xf32, #tpu.memory_space<vmem>> -> memref<128x64xf32, #tpu.memory_space<vmem>>
    %dma_wait3A_62 = arith.constant 0 : i32
    %dma_wait3A_63 = tpu.memref_slice %arg6[%dma_wait3A_56, %dma_wait3A_62] : memref<39x128xi32, #tpu.memory_space<vmem>> -> memref<1x128xi32, #tpu.memory_space<vmem>>
    %dma_wait3A_64 = tpu.memref_squeeze %dma_wait3A_63 : memref<1x128xi32, #tpu.memory_space<vmem>> -> memref<128xi32, #tpu.memory_space<vmem>>
    %dma_wait3A_65 = arith.constant 0 : i32
    %dma_wait3A_66 = arith.constant 0 : i32
    %dma_wait3A_67 = tpu.memref_slice %arg11[%dma_wait3A_65, %dma_wait3A_66] : memref<10240x64xf32, #tpu.memory_space<vmem_shared>> -> memref<10240x64xf32, #tpu.memory_space<vmem_shared>>
    %dma_wait3A_68 = tpu.memref_slice %arg13[%dma_wait3A_57] : memref<3x!tpu.dma_semaphore, #tpu.memory_space<semaphore_mem>> -> memref<1x!tpu.dma_semaphore, #tpu.memory_space<semaphore_mem>>
    %dma_wait3A_69 = tpu.memref_squeeze %dma_wait3A_68 : memref<1x!tpu.dma_semaphore, #tpu.memory_space<semaphore_mem>> -> memref<!tpu.dma_semaphore, #tpu.memory_space<semaphore_mem>>
    tpu.wait_indirect_dma semaphore(%dma_wait3A_69 : memref<!tpu.dma_semaphore, #tpu.memory_space<semaphore_mem>>) src(%dma_wait3A_61 : memref<128x64xf32, #tpu.memory_space<vmem>>) dst(%dma_wait3A_67 : memref<10240x64xf32, #tpu.memory_space<vmem_shared>>)
    %mul3A_70 = arith.constant 78 : i32
    %mul3A_71 = arith.muli %add3A, %mul3A_70 : i32
    %add3A_72 = arith.constant 39 : i32
    %add3A_73 = arith.addi %mul3A_71, %add3A_72 : i32
    %run_scoped3A_74 = arith.constant 0 : i32
    "tpu.region"() ({
      %run_scoped3A_138 = tpu.sem_alloc : memref<!tpu.dma_semaphore, #tpu.memory_space<semaphore_mem>>
      %dma_start3A_139 = arith.constant 0 : i32
      %dma_start3A_140 = arith.constant 0 : i32
      %dma_start3A_141 = tpu.memref_slice %arg5[%dma_start3A_139, %dma_start3A_140] : memref<39x128xi32, #tpu.memory_space<vmem>> -> memref<39x128xi32, #tpu.memory_space<vmem>>
      %dma_start3A_142 = arith.constant 0 : i32
      %dma_start3A_143 = tpu.memref_slice %arg3[%run_scoped3A_74, %add3A_73, %dma_start3A_142] : memref<2x2500x128xi32, #tpu.memory_space<hbm>> -> memref<1x39x128xi32, #tpu.memory_space<hbm>>
      %dma_start3A_144 = tpu.memref_squeeze %dma_start3A_143 : memref<1x39x128xi32, #tpu.memory_space<hbm>> -> memref<39x128xi32, #tpu.memory_space<hbm>>
      %dma_start3A_145 = arith.constant 0 : i32
      %dma_start3A_146 = arith.constant 0 : i32
      %dma_start3A_147 = tpu.memref_slice %arg5[%dma_start3A_145, %dma_start3A_146] : memref<39x128xi32, #tpu.memory_space<vmem>> -> memref<39x128xi32, #tpu.memory_space<vmem>>
      %dma_start3A_148 = arith.constant 0 : i32
      %dma_start3A_149 = tpu.memref_slice %arg3[%run_scoped3A_74, %add3A_73, %dma_start3A_148] : memref<2x2500x128xi32, #tpu.memory_space<hbm>> -> memref<1x39x128xi32, #tpu.memory_space<hbm>>
      %dma_start3A_150 = tpu.memref_squeeze %dma_start3A_149 : memref<1x39x128xi32, #tpu.memory_space<hbm>> -> memref<39x128xi32, #tpu.memory_space<hbm>>
      tpu.enqueue_dma source(%dma_start3A_150 : memref<39x128xi32, #tpu.memory_space<hbm>>) target(%dma_start3A_147 : memref<39x128xi32, #tpu.memory_space<vmem>>) target_semaphore(%run_scoped3A_138 : memref<!tpu.dma_semaphore, #tpu.memory_space<semaphore_mem>>)
      %dma_wait3A_151 = arith.constant 0 : i32
      %dma_wait3A_152 = arith.constant 0 : i32
      %dma_wait3A_153 = tpu.memref_slice %arg5[%dma_wait3A_151, %dma_wait3A_152] : memref<39x128xi32, #tpu.memory_space<vmem>> -> memref<39x128xi32, #tpu.memory_space<vmem>>
      %dma_wait3A_154 = arith.constant 0 : i32
      %dma_wait3A_155 = tpu.memref_slice %arg3[%run_scoped3A_74, %add3A_73, %dma_wait3A_154] : memref<2x2500x128xi32, #tpu.memory_space<hbm>> -> memref<1x39x128xi32, #tpu.memory_space<hbm>>
      %dma_wait3A_156 = tpu.memref_squeeze %dma_wait3A_155 : memref<1x39x128xi32, #tpu.memory_space<hbm>> -> memref<39x128xi32, #tpu.memory_space<hbm>>
      %dma_wait3A_157 = arith.constant 0 : i32
      %dma_wait3A_158 = arith.constant 0 : i32
      %dma_wait3A_159 = tpu.memref_slice %arg5[%dma_wait3A_157, %dma_wait3A_158] : memref<39x128xi32, #tpu.memory_space<vmem>> -> memref<39x128xi32, #tpu.memory_space<vmem>>
      %dma_wait3A_160 = arith.constant 0 : i32
      %dma_wait3A_161 = tpu.memref_slice %arg3[%run_scoped3A_74, %add3A_73, %dma_wait3A_160] : memref<2x2500x128xi32, #tpu.memory_space<hbm>> -> memref<1x39x128xi32, #tpu.memory_space<hbm>>
      %dma_wait3A_162 = tpu.memref_squeeze %dma_wait3A_161 : memref<1x39x128xi32, #tpu.memory_space<hbm>> -> memref<39x128xi32, #tpu.memory_space<hbm>>
      tpu.wait_dma2 semaphore(%run_scoped3A_138 : memref<!tpu.dma_semaphore, #tpu.memory_space<semaphore_mem>>) src(%dma_wait3A_162 : memref<39x128xi32, #tpu.memory_space<hbm>>) dst(%dma_wait3A_159 : memref<39x128xi32, #tpu.memory_space<vmem>>)
      tpu.yield
    }) : () -> ()
    %mul3A_75 = arith.constant 78 : i32
    %mul3A_76 = arith.muli %add3A, %mul3A_75 : i32
    %add3A_77 = arith.constant 39 : i32
    %add3A_78 = arith.addi %mul3A_76, %add3A_77 : i32
    %run_scoped3A_79 = arith.constant 1 : i32
    "tpu.region"() ({
      %run_scoped3A_138 = tpu.sem_alloc : memref<!tpu.dma_semaphore, #tpu.memory_space<semaphore_mem>>
      %dma_start3A_139 = arith.constant 0 : i32
      %dma_start3A_140 = arith.constant 0 : i32
      %dma_start3A_141 = tpu.memref_slice %arg6[%dma_start3A_139, %dma_start3A_140] : memref<39x128xi32, #tpu.memory_space<vmem>> -> memref<39x128xi32, #tpu.memory_space<vmem>>
      %dma_start3A_142 = arith.constant 0 : i32
      %dma_start3A_143 = tpu.memref_slice %arg3[%run_scoped3A_79, %add3A_78, %dma_start3A_142] : memref<2x2500x128xi32, #tpu.memory_space<hbm>> -> memref<1x39x128xi32, #tpu.memory_space<hbm>>
      %dma_start3A_144 = tpu.memref_squeeze %dma_start3A_143 : memref<1x39x128xi32, #tpu.memory_space<hbm>> -> memref<39x128xi32, #tpu.memory_space<hbm>>
      %dma_start3A_145 = arith.constant 0 : i32
      %dma_start3A_146 = arith.constant 0 : i32
      %dma_start3A_147 = tpu.memref_slice %arg6[%dma_start3A_145, %dma_start3A_146] : memref<39x128xi32, #tpu.memory_space<vmem>> -> memref<39x128xi32, #tpu.memory_space<vmem>>
      %dma_start3A_148 = arith.constant 0 : i32
      %dma_start3A_149 = tpu.memref_slice %arg3[%run_scoped3A_79, %add3A_78, %dma_start3A_148] : memref<2x2500x128xi32, #tpu.memory_space<hbm>> -> memref<1x39x128xi32, #tpu.memory_space<hbm>>
      %dma_start3A_150 = tpu.memref_squeeze %dma_start3A_149 : memref<1x39x128xi32, #tpu.memory_space<hbm>> -> memref<39x128xi32, #tpu.memory_space<hbm>>
      tpu.enqueue_dma source(%dma_start3A_150 : memref<39x128xi32, #tpu.memory_space<hbm>>) target(%dma_start3A_147 : memref<39x128xi32, #tpu.memory_space<vmem>>) target_semaphore(%run_scoped3A_138 : memref<!tpu.dma_semaphore, #tpu.memory_space<semaphore_mem>>)
      %dma_wait3A_151 = arith.constant 0 : i32
      %dma_wait3A_152 = arith.constant 0 : i32
      %dma_wait3A_153 = tpu.memref_slice %arg6[%dma_wait3A_151, %dma_wait3A_152] : memref<39x128xi32, #tpu.memory_space<vmem>> -> memref<39x128xi32, #tpu.memory_space<vmem>>
      %dma_wait3A_154 = arith.constant 0 : i32
      %dma_wait3A_155 = tpu.memref_slice %arg3[%run_scoped3A_79, %add3A_78, %dma_wait3A_154] : memref<2x2500x128xi32, #tpu.memory_space<hbm>> -> memref<1x39x128xi32, #tpu.memory_space<hbm>>
      %dma_wait3A_156 = tpu.memref_squeeze %dma_wait3A_155 : memref<1x39x128xi32, #tpu.memory_space<hbm>> -> memref<39x128xi32, #tpu.memory_space<hbm>>
      %dma_wait3A_157 = arith.constant 0 : i32
      %dma_wait3A_158 = arith.constant 0 : i32
      %dma_wait3A_159 = tpu.memref_slice %arg6[%dma_wait3A_157, %dma_wait3A_158] : memref<39x128xi32, #tpu.memory_space<vmem>> -> memref<39x128xi32, #tpu.memory_space<vmem>>
      %dma_wait3A_160 = arith.constant 0 : i32
      %dma_wait3A_161 = tpu.memref_slice %arg3[%run_scoped3A_79, %add3A_78, %dma_wait3A_160] : memref<2x2500x128xi32, #tpu.memory_space<hbm>> -> memref<1x39x128xi32, #tpu.memory_space<hbm>>
      %dma_wait3A_162 = tpu.memref_squeeze %dma_wait3A_161 : memref<1x39x128xi32, #tpu.memory_space<hbm>> -> memref<39x128xi32, #tpu.memory_space<hbm>>
      tpu.wait_dma2 semaphore(%run_scoped3A_138 : memref<!tpu.dma_semaphore, #tpu.memory_space<semaphore_mem>>) src(%dma_wait3A_162 : memref<39x128xi32, #tpu.memory_space<hbm>>) dst(%dma_wait3A_159 : memref<39x128xi32, #tpu.memory_space<vmem>>)
      tpu.yield
    }) : () -> ()
    %dma_start3A_80 = arith.constant 0 : i32
    %dma_start3A_81 = arith.constant 0 : i32
    %dma_start3A_82 = arith.constant 0 : i32
    %dma_start3A_83 = arith.constant 0 : i32
    %dma_start3A_84 = arith.constant 0 : i32
    %dma_start3A_85 = tpu.memref_slice %arg8[%dma_start3A_81, %dma_start3A_83, %dma_start3A_84] : memref<3x128x64xf32, #tpu.memory_space<vmem>> -> memref<1x128x64xf32, #tpu.memory_space<vmem>>
    %dma_start3A_86 = tpu.memref_squeeze %dma_start3A_85 : memref<1x128x64xf32, #tpu.memory_space<vmem>> -> memref<128x64xf32, #tpu.memory_space<vmem>>
    %dma_start3A_87 = arith.constant 0 : i32
    %dma_start3A_88 = tpu.memref_slice %arg5[%dma_start3A_80, %dma_start3A_87] : memref<39x128xi32, #tpu.memory_space<vmem>> -> memref<1x128xi32, #tpu.memory_space<vmem>>
    %dma_start3A_89 = tpu.memref_squeeze %dma_start3A_88 : memref<1x128xi32, #tpu.memory_space<vmem>> -> memref<128xi32, #tpu.memory_space<vmem>>
    %dma_start3A_90 = arith.constant 0 : i32
    %dma_start3A_91 = arith.constant 0 : i32
    %dma_start3A_92 = tpu.memref_slice %arg10[%dma_start3A_90, %dma_start3A_91] : memref<10240x64xf32, #tpu.memory_space<vmem_shared>> -> memref<10240x64xf32, #tpu.memory_space<vmem_shared>>
    %dma_start3A_93 = tpu.memref_slice %arg12[%dma_start3A_82] : memref<3x!tpu.dma_semaphore, #tpu.memory_space<semaphore_mem>> -> memref<1x!tpu.dma_semaphore, #tpu.memory_space<semaphore_mem>>
    %dma_start3A_94 = tpu.memref_squeeze %dma_start3A_93 : memref<1x!tpu.dma_semaphore, #tpu.memory_space<semaphore_mem>> -> memref<!tpu.dma_semaphore, #tpu.memory_space<semaphore_mem>>
    tpu.enqueue_indirect_dma source(%dma_start3A_92 : memref<10240x64xf32, #tpu.memory_space<vmem_shared>>) target(%dma_start3A_86 : memref<128x64xf32, #tpu.memory_space<vmem>>) offsets(%dma_start3A_89 : memref<128xi32, #tpu.memory_space<vmem>>) semaphore(%dma_start3A_94 : memref<!tpu.dma_semaphore, #tpu.memory_space<semaphore_mem>>)
    %dma_start3A_95 = arith.constant 1 : i32
    %dma_start3A_96 = arith.constant 1 : i32
    %dma_start3A_97 = arith.constant 1 : i32
    %dma_start3A_98 = arith.constant 0 : i32
    %dma_start3A_99 = arith.constant 0 : i32
    %dma_start3A_100 = tpu.memref_slice %arg8[%dma_start3A_96, %dma_start3A_98, %dma_start3A_99] : memref<3x128x64xf32, #tpu.memory_space<vmem>> -> memref<1x128x64xf32, #tpu.memory_space<vmem>>
    %dma_start3A_101 = tpu.memref_squeeze %dma_start3A_100 : memref<1x128x64xf32, #tpu.memory_space<vmem>> -> memref<128x64xf32, #tpu.memory_space<vmem>>
    %dma_start3A_102 = arith.constant 0 : i32
    %dma_start3A_103 = tpu.memref_slice %arg5[%dma_start3A_95, %dma_start3A_102] : memref<39x128xi32, #tpu.memory_space<vmem>> -> memref<1x128xi32, #tpu.memory_space<vmem>>
    %dma_start3A_104 = tpu.memref_squeeze %dma_start3A_103 : memref<1x128xi32, #tpu.memory_space<vmem>> -> memref<128xi32, #tpu.memory_space<vmem>>
    %dma_start3A_105 = arith.constant 0 : i32
    %dma_start3A_106 = arith.constant 0 : i32
    %dma_start3A_107 = tpu.memref_slice %arg10[%dma_start3A_105, %dma_start3A_106] : memref<10240x64xf32, #tpu.memory_space<vmem_shared>> -> memref<10240x64xf32, #tpu.memory_space<vmem_shared>>
    %dma_start3A_108 = tpu.memref_slice %arg12[%dma_start3A_97] : memref<3x!tpu.dma_semaphore, #tpu.memory_space<semaphore_mem>> -> memref<1x!tpu.dma_semaphore, #tpu.memory_space<semaphore_mem>>
    %dma_start3A_109 = tpu.memref_squeeze %dma_start3A_108 : memref<1x!tpu.dma_semaphore, #tpu.memory_space<semaphore_mem>> -> memref<!tpu.dma_semaphore, #tpu.memory_space<semaphore_mem>>
    tpu.enqueue_indirect_dma source(%dma_start3A_107 : memref<10240x64xf32, #tpu.memory_space<vmem_shared>>) target(%dma_start3A_101 : memref<128x64xf32, #tpu.memory_space<vmem>>) offsets(%dma_start3A_104 : memref<128xi32, #tpu.memory_space<vmem>>) semaphore(%dma_start3A_109 : memref<!tpu.dma_semaphore, #tpu.memory_space<semaphore_mem>>)
    %scan3A_110 = arith.constant 0 : i32
    %scan3A_111 = arith.constant 39 : i32
    %scan3A_112 = arith.addi %scan3A_110, %scan3A_111 : i32
    %scan3A_113 = arith.constant 1 : i32
    scf.for %scan3A_138 = %scan3A_110 to %scan3A_112 step %scan3A_113  : i32 {
      %rem3A = arith.constant 3 : i32
      %rem3A_139 = arith.remsi %scan3A_138, %rem3A : i32
      %dma_wait3A_140 = arith.constant 0 : i32
      %dma_wait3A_141 = arith.constant 0 : i32
      %dma_wait3A_142 = tpu.memref_slice %arg8[%rem3A_139, %dma_wait3A_140, %dma_wait3A_141] : memref<3x128x64xf32, #tpu.memory_space<vmem>> -> memref<1x128x64xf32, #tpu.memory_space<vmem>>
      %dma_wait3A_143 = tpu.memref_squeeze %dma_wait3A_142 : memref<1x128x64xf32, #tpu.memory_space<vmem>> -> memref<128x64xf32, #tpu.memory_space<vmem>>
      %dma_wait3A_144 = arith.constant 0 : i32
      %dma_wait3A_145 = tpu.memref_slice %arg5[%scan3A_138, %dma_wait3A_144] : memref<39x128xi32, #tpu.memory_space<vmem>> -> memref<1x128xi32, #tpu.memory_space<vmem>>
      %dma_wait3A_146 = tpu.memref_squeeze %dma_wait3A_145 : memref<1x128xi32, #tpu.memory_space<vmem>> -> memref<128xi32, #tpu.memory_space<vmem>>
      %dma_wait3A_147 = arith.constant 0 : i32
      %dma_wait3A_148 = arith.constant 0 : i32
      %dma_wait3A_149 = tpu.memref_slice %arg10[%dma_wait3A_147, %dma_wait3A_148] : memref<10240x64xf32, #tpu.memory_space<vmem_shared>> -> memref<10240x64xf32, #tpu.memory_space<vmem_shared>>
      %dma_wait3A_150 = tpu.memref_slice %arg12[%rem3A_139] : memref<3x!tpu.dma_semaphore, #tpu.memory_space<semaphore_mem>> -> memref<1x!tpu.dma_semaphore, #tpu.memory_space<semaphore_mem>>
      %dma_wait3A_151 = tpu.memref_squeeze %dma_wait3A_150 : memref<1x!tpu.dma_semaphore, #tpu.memory_space<semaphore_mem>> -> memref<!tpu.dma_semaphore, #tpu.memory_space<semaphore_mem>>
      tpu.wait_indirect_dma semaphore(%dma_wait3A_151 : memref<!tpu.dma_semaphore, #tpu.memory_space<semaphore_mem>>) src(%dma_wait3A_149 : memref<10240x64xf32, #tpu.memory_space<vmem_shared>>) dst(%dma_wait3A_143 : memref<128x64xf32, #tpu.memory_space<vmem>>)
      %dma_start3A_152 = arith.constant 0 : i32
      %dma_start3A_153 = arith.constant 0 : i32
      %dma_start3A_154 = tpu.memref_slice %arg8[%rem3A_139, %dma_start3A_152, %dma_start3A_153] : memref<3x128x64xf32, #tpu.memory_space<vmem>> -> memref<1x128x64xf32, #tpu.memory_space<vmem>>
      %dma_start3A_155 = tpu.memref_squeeze %dma_start3A_154 : memref<1x128x64xf32, #tpu.memory_space<vmem>> -> memref<128x64xf32, #tpu.memory_space<vmem>>
      %dma_start3A_156 = arith.constant 0 : i32
      %dma_start3A_157 = tpu.memref_slice %arg6[%scan3A_138, %dma_start3A_156] : memref<39x128xi32, #tpu.memory_space<vmem>> -> memref<1x128xi32, #tpu.memory_space<vmem>>
      %dma_start3A_158 = tpu.memref_squeeze %dma_start3A_157 : memref<1x128xi32, #tpu.memory_space<vmem>> -> memref<128xi32, #tpu.memory_space<vmem>>
      %dma_start3A_159 = arith.constant 0 : i32
      %dma_start3A_160 = arith.constant 0 : i32
      %dma_start3A_161 = tpu.memref_slice %arg11[%dma_start3A_159, %dma_start3A_160] : memref<10240x64xf32, #tpu.memory_space<vmem_shared>> -> memref<10240x64xf32, #tpu.memory_space<vmem_shared>>
      %dma_start3A_162 = tpu.memref_slice %arg13[%rem3A_139] : memref<3x!tpu.dma_semaphore, #tpu.memory_space<semaphore_mem>> -> memref<1x!tpu.dma_semaphore, #tpu.memory_space<semaphore_mem>>
      %dma_start3A_163 = tpu.memref_squeeze %dma_start3A_162 : memref<1x!tpu.dma_semaphore, #tpu.memory_space<semaphore_mem>> -> memref<!tpu.dma_semaphore, #tpu.memory_space<semaphore_mem>>
      tpu.enqueue_indirect_dma source(%dma_start3A_155 : memref<128x64xf32, #tpu.memory_space<vmem>>) target(%dma_start3A_161 : memref<10240x64xf32, #tpu.memory_space<vmem_shared>>) offsets(%dma_start3A_158 : memref<128xi32, #tpu.memory_space<vmem>>) semaphore(%dma_start3A_163 : memref<!tpu.dma_semaphore, #tpu.memory_space<semaphore_mem>>) {add = true}
      %ge3A = arith.constant 1 : i32
      %ge3A_164 = arith.cmpi sge, %scan3A_138, %ge3A : i32
      %convert_element_type3A_165 = arith.extui %ge3A_164 : i1 to i32
      %cond3A_166 = arith.constant 0 : i32
      %cond3A_167 = arith.cmpi ne, %convert_element_type3A_165, %cond3A_166 : i32
      scf.if %cond3A_167 {
        %sub3A_176 = arith.constant 1 : i32
        %sub3A_177 = arith.subi %scan3A_138, %sub3A_176 : i32
        %rem3A_178 = arith.constant 3 : i32
        %rem3A_179 = arith.remsi %sub3A_177, %rem3A_178 : i32
        %sub3A_180 = arith.constant 1 : i32
        %sub3A_181 = arith.subi %scan3A_138, %sub3A_180 : i32
        %dma_wait3A_182 = arith.constant 0 : i32
        %dma_wait3A_183 = arith.constant 0 : i32
        %dma_wait3A_184 = tpu.memref_slice %arg8[%rem3A_179, %dma_wait3A_182, %dma_wait3A_183] : memref<3x128x64xf32, #tpu.memory_space<vmem>> -> memref<1x128x64xf32, #tpu.memory_space<vmem>>
        %dma_wait3A_185 = tpu.memref_squeeze %dma_wait3A_184 : memref<1x128x64xf32, #tpu.memory_space<vmem>> -> memref<128x64xf32, #tpu.memory_space<vmem>>
        %dma_wait3A_186 = arith.constant 0 : i32
        %dma_wait3A_187 = tpu.memref_slice %arg6[%sub3A_181, %dma_wait3A_186] : memref<39x128xi32, #tpu.memory_space<vmem>> -> memref<1x128xi32, #tpu.memory_space<vmem>>
        %dma_wait3A_188 = tpu.memref_squeeze %dma_wait3A_187 : memref<1x128xi32, #tpu.memory_space<vmem>> -> memref<128xi32, #tpu.memory_space<vmem>>
        %dma_wait3A_189 = arith.constant 0 : i32
        %dma_wait3A_190 = arith.constant 0 : i32
        %dma_wait3A_191 = tpu.memref_slice %arg11[%dma_wait3A_189, %dma_wait3A_190] : memref<10240x64xf32, #tpu.memory_space<vmem_shared>> -> memref<10240x64xf32, #tpu.memory_space<vmem_shared>>
        %dma_wait3A_192 = tpu.memref_slice %arg13[%rem3A_179] : memref<3x!tpu.dma_semaphore, #tpu.memory_space<semaphore_mem>> -> memref<1x!tpu.dma_semaphore, #tpu.memory_space<semaphore_mem>>
        %dma_wait3A_193 = tpu.memref_squeeze %dma_wait3A_192 : memref<1x!tpu.dma_semaphore, #tpu.memory_space<semaphore_mem>> -> memref<!tpu.dma_semaphore, #tpu.memory_space<semaphore_mem>>
        tpu.wait_indirect_dma semaphore(%dma_wait3A_193 : memref<!tpu.dma_semaphore, #tpu.memory_space<semaphore_mem>>) src(%dma_wait3A_185 : memref<128x64xf32, #tpu.memory_space<vmem>>) dst(%dma_wait3A_191 : memref<10240x64xf32, #tpu.memory_space<vmem_shared>>)
      } else {
      }
      %add3A_168 = arith.constant 3 : i32
      %add3A_169 = arith.addi %scan3A_138, %add3A_168 : i32
      %sub3A = arith.constant 1 : i32
      %sub3A_170 = arith.subi %add3A_169, %sub3A : i32
      %lt3A_171 = arith.constant 39 : i32
      %lt3A_172 = arith.cmpi slt, %sub3A_170, %lt3A_171 : i32
      %convert_element_type3A_173 = arith.extui %lt3A_172 : i1 to i32
      %cond3A_174 = arith.constant 0 : i32
      %cond3A_175 = arith.cmpi ne, %convert_element_type3A_173, %cond3A_174 : i32
      scf.if %cond3A_175 {
        %add3A_176 = arith.constant 3 : i32
        %add3A_177 = arith.addi %scan3A_138, %add3A_176 : i32
        %sub3A_178 = arith.constant 1 : i32
        %sub3A_179 = arith.subi %add3A_177, %sub3A_178 : i32
        %rem3A_180 = arith.constant 3 : i32
        %rem3A_181 = arith.remsi %sub3A_179, %rem3A_180 : i32
        %add3A_182 = arith.constant 3 : i32
        %add3A_183 = arith.addi %scan3A_138, %add3A_182 : i32
        %sub3A_184 = arith.constant 1 : i32
        %sub3A_185 = arith.subi %add3A_183, %sub3A_184 : i32
        %dma_start3A_186 = arith.constant 0 : i32
        %dma_start3A_187 = arith.constant 0 : i32
        %dma_start3A_188 = tpu.memref_slice %arg8[%rem3A_181, %dma_start3A_186, %dma_start3A_187] : memref<3x128x64xf32, #tpu.memory_space<vmem>> -> memref<1x128x64xf32, #tpu.memory_space<vmem>>
        %dma_start3A_189 = tpu.memref_squeeze %dma_start3A_188 : memref<1x128x64xf32, #tpu.memory_space<vmem>> -> memref<128x64xf32, #tpu.memory_space<vmem>>
        %dma_start3A_190 = arith.constant 0 : i32
        %dma_start3A_191 = tpu.memref_slice %arg5[%sub3A_185, %dma_start3A_190] : memref<39x128xi32, #tpu.memory_space<vmem>> -> memref<1x128xi32, #tpu.memory_space<vmem>>
        %dma_start3A_192 = tpu.memref_squeeze %dma_start3A_191 : memref<1x128xi32, #tpu.memory_space<vmem>> -> memref<128xi32, #tpu.memory_space<vmem>>
        %dma_start3A_193 = arith.constant 0 : i32
        %dma_start3A_194 = arith.constant 0 : i32
        %dma_start3A_195 = tpu.memref_slice %arg10[%dma_start3A_193, %dma_start3A_194] : memref<10240x64xf32, #tpu.memory_space<vmem_shared>> -> memref<10240x64xf32, #tpu.memory_space<vmem_shared>>
        %dma_start3A_196 = tpu.memref_slice %arg12[%rem3A_181] : memref<3x!tpu.dma_semaphore, #tpu.memory_space<semaphore_mem>> -> memref<1x!tpu.dma_semaphore, #tpu.memory_space<semaphore_mem>>
        %dma_start3A_197 = tpu.memref_squeeze %dma_start3A_196 : memref<1x!tpu.dma_semaphore, #tpu.memory_space<semaphore_mem>> -> memref<!tpu.dma_semaphore, #tpu.memory_space<semaphore_mem>>
        tpu.enqueue_indirect_dma source(%dma_start3A_195 : memref<10240x64xf32, #tpu.memory_space<vmem_shared>>) target(%dma_start3A_189 : memref<128x64xf32, #tpu.memory_space<vmem>>) offsets(%dma_start3A_192 : memref<128xi32, #tpu.memory_space<vmem>>) semaphore(%dma_start3A_197 : memref<!tpu.dma_semaphore, #tpu.memory_space<semaphore_mem>>)
      } else {
      }
    }
    %scan3A_114 = arith.constant 39 : i32
    %dma_wait3A_115 = arith.constant 2 : i32
    %dma_wait3A_116 = arith.constant 38 : i32
    %dma_wait3A_117 = arith.constant 2 : i32
    %dma_wait3A_118 = arith.constant 0 : i32
    %dma_wait3A_119 = arith.constant 0 : i32
    %dma_wait3A_120 = tpu.memref_slice %arg8[%dma_wait3A_115, %dma_wait3A_118, %dma_wait3A_119] : memref<3x128x64xf32, #tpu.memory_space<vmem>> -> memref<1x128x64xf32, #tpu.memory_space<vmem>>
    %dma_wait3A_121 = tpu.memref_squeeze %dma_wait3A_120 : memref<1x128x64xf32, #tpu.memory_space<vmem>> -> memref<128x64xf32, #tpu.memory_space<vmem>>
    %dma_wait3A_122 = arith.constant 0 : i32
    %dma_wait3A_123 = tpu.memref_slice %arg6[%dma_wait3A_116, %dma_wait3A_122] : memref<39x128xi32, #tpu.memory_space<vmem>> -> memref<1x128xi32, #tpu.memory_space<vmem>>
    %dma_wait3A_124 = tpu.memref_squeeze %dma_wait3A_123 : memref<1x128xi32, #tpu.memory_space<vmem>> -> memref<128xi32, #tpu.memory_space<vmem>>
    %dma_wait3A_125 = arith.constant 0 : i32
    %dma_wait3A_126 = arith.constant 0 : i32
    %dma_wait3A_127 = tpu.memref_slice %arg11[%dma_wait3A_125, %dma_wait3A_126] : memref<10240x64xf32, #tpu.memory_space<vmem_shared>> -> memref<10240x64xf32, #tpu.memory_space<vmem_shared>>
    %dma_wait3A_128 = tpu.memref_slice %arg13[%dma_wait3A_117] : memref<3x!tpu.dma_semaphore, #tpu.memory_space<semaphore_mem>> -> memref<1x!tpu.dma_semaphore, #tpu.memory_space<semaphore_mem>>
    %dma_wait3A_129 = tpu.memref_squeeze %dma_wait3A_128 : memref<1x!tpu.dma_semaphore, #tpu.memory_space<semaphore_mem>> -> memref<!tpu.dma_semaphore, #tpu.memory_space<semaphore_mem>>
    tpu.wait_indirect_dma semaphore(%dma_wait3A_129 : memref<!tpu.dma_semaphore, #tpu.memory_space<semaphore_mem>>) src(%dma_wait3A_121 : memref<128x64xf32, #tpu.memory_space<vmem>>) dst(%dma_wait3A_127 : memref<10240x64xf32, #tpu.memory_space<vmem_shared>>)
    %lt3A = arith.constant 4 : i32
    %lt3A_130 = arith.cmpi slt, %add3A, %lt3A : i32
    %convert_element_type3A = arith.extui %lt3A_130 : i1 to i32
    %cond3A = arith.constant 0 : i32
    %cond3A_131 = arith.cmpi ne, %convert_element_type3A, %cond3A : i32
    scf.if %cond3A_131 {
      %add3A_138 = arith.constant 2496 : i32
      %add3A_139 = arith.addi %add3A_138, %add3A : i32
      %run_scoped3A_140 = arith.constant 0 : i32
      "tpu.region"() ({
        %run_scoped3A_148 = tpu.sem_alloc : memref<!tpu.dma_semaphore, #tpu.memory_space<semaphore_mem>>
        %dma_start3A_149 = arith.constant 0 : i32
        %dma_start3A_150 = arith.constant 0 : i32
        %dma_start3A_151 = tpu.memref_slice %arg7[%dma_start3A_149, %dma_start3A_150] : memref<2x128xi32, #tpu.memory_space<vmem>> -> memref<1x128xi32, #tpu.memory_space<vmem>>
        %dma_start3A_152 = arith.constant 0 : i32
        %dma_start3A_153 = tpu.memref_slice %arg3[%run_scoped3A_140, %add3A_139, %dma_start3A_152] : memref<2x2500x128xi32, #tpu.memory_space<hbm>> -> memref<1x1x128xi32, #tpu.memory_space<hbm>>
        %dma_start3A_154 = tpu.memref_squeeze %dma_start3A_153 : memref<1x1x128xi32, #tpu.memory_space<hbm>> -> memref<1x128xi32, #tpu.memory_space<hbm>>
        %dma_start3A_155 = arith.constant 0 : i32
        %dma_start3A_156 = arith.constant 0 : i32
        %dma_start3A_157 = tpu.memref_slice %arg7[%dma_start3A_155, %dma_start3A_156] : memref<2x128xi32, #tpu.memory_space<vmem>> -> memref<1x128xi32, #tpu.memory_space<vmem>>
        %dma_start3A_158 = arith.constant 0 : i32
        %dma_start3A_159 = tpu.memref_slice %arg3[%run_scoped3A_140, %add3A_139, %dma_start3A_158] : memref<2x2500x128xi32, #tpu.memory_space<hbm>> -> memref<1x1x128xi32, #tpu.memory_space<hbm>>
        %dma_start3A_160 = tpu.memref_squeeze %dma_start3A_159 : memref<1x1x128xi32, #tpu.memory_space<hbm>> -> memref<1x128xi32, #tpu.memory_space<hbm>>
        tpu.enqueue_dma source(%dma_start3A_160 : memref<1x128xi32, #tpu.memory_space<hbm>>) target(%dma_start3A_157 : memref<1x128xi32, #tpu.memory_space<vmem>>) target_semaphore(%run_scoped3A_148 : memref<!tpu.dma_semaphore, #tpu.memory_space<semaphore_mem>>)
        %dma_wait3A_161 = arith.constant 0 : i32
        %dma_wait3A_162 = arith.constant 0 : i32
        %dma_wait3A_163 = tpu.memref_slice %arg7[%dma_wait3A_161, %dma_wait3A_162] : memref<2x128xi32, #tpu.memory_space<vmem>> -> memref<1x128xi32, #tpu.memory_space<vmem>>
        %dma_wait3A_164 = arith.constant 0 : i32
        %dma_wait3A_165 = tpu.memref_slice %arg3[%run_scoped3A_140, %add3A_139, %dma_wait3A_164] : memref<2x2500x128xi32, #tpu.memory_space<hbm>> -> memref<1x1x128xi32, #tpu.memory_space<hbm>>
        %dma_wait3A_166 = tpu.memref_squeeze %dma_wait3A_165 : memref<1x1x128xi32, #tpu.memory_space<hbm>> -> memref<1x128xi32, #tpu.memory_space<hbm>>
        %dma_wait3A_167 = arith.constant 0 : i32
        %dma_wait3A_168 = arith.constant 0 : i32
        %dma_wait3A_169 = tpu.memref_slice %arg7[%dma_wait3A_167, %dma_wait3A_168] : memref<2x128xi32, #tpu.memory_space<vmem>> -> memref<1x128xi32, #tpu.memory_space<vmem>>
        %dma_wait3A_170 = arith.constant 0 : i32
        %dma_wait3A_171 = tpu.memref_slice %arg3[%run_scoped3A_140, %add3A_139, %dma_wait3A_170] : memref<2x2500x128xi32, #tpu.memory_space<hbm>> -> memref<1x1x128xi32, #tpu.memory_space<hbm>>
        %dma_wait3A_172 = tpu.memref_squeeze %dma_wait3A_171 : memref<1x1x128xi32, #tpu.memory_space<hbm>> -> memref<1x128xi32, #tpu.memory_space<hbm>>
        tpu.wait_dma2 semaphore(%run_scoped3A_148 : memref<!tpu.dma_semaphore, #tpu.memory_space<semaphore_mem>>) src(%dma_wait3A_172 : memref<1x128xi32, #tpu.memory_space<hbm>>) dst(%dma_wait3A_169 : memref<1x128xi32, #tpu.memory_space<vmem>>)
        tpu.yield
      }) : () -> ()
      %add3A_141 = arith.constant 2496 : i32
      %add3A_142 = arith.addi %add3A_141, %add3A : i32
      %run_scoped3A_143 = arith.constant 1 : i32
      "tpu.region"() ({
        %run_scoped3A_148 = tpu.sem_alloc : memref<!tpu.dma_semaphore, #tpu.memory_space<semaphore_mem>>
        %dma_start3A_149 = arith.constant 1 : i32
        %dma_start3A_150 = arith.constant 0 : i32
        %dma_start3A_151 = tpu.memref_slice %arg7[%dma_start3A_149, %dma_start3A_150] : memref<2x128xi32, #tpu.memory_space<vmem>> -> memref<1x128xi32, #tpu.memory_space<vmem>>
        %dma_start3A_152 = arith.constant 0 : i32
        %dma_start3A_153 = tpu.memref_slice %arg3[%run_scoped3A_143, %add3A_142, %dma_start3A_152] : memref<2x2500x128xi32, #tpu.memory_space<hbm>> -> memref<1x1x128xi32, #tpu.memory_space<hbm>>
        %dma_start3A_154 = tpu.memref_squeeze %dma_start3A_153 : memref<1x1x128xi32, #tpu.memory_space<hbm>> -> memref<1x128xi32, #tpu.memory_space<hbm>>
        %dma_start3A_155 = arith.constant 1 : i32
        %dma_start3A_156 = arith.constant 0 : i32
        %dma_start3A_157 = tpu.memref_slice %arg7[%dma_start3A_155, %dma_start3A_156] : memref<2x128xi32, #tpu.memory_space<vmem>> -> memref<1x128xi32, #tpu.memory_space<vmem>>
        %dma_start3A_158 = arith.constant 0 : i32
        %dma_start3A_159 = tpu.memref_slice %arg3[%run_scoped3A_143, %add3A_142, %dma_start3A_158] : memref<2x2500x128xi32, #tpu.memory_space<hbm>> -> memref<1x1x128xi32, #tpu.memory_space<hbm>>
        %dma_start3A_160 = tpu.memref_squeeze %dma_start3A_159 : memref<1x1x128xi32, #tpu.memory_space<hbm>> -> memref<1x128xi32, #tpu.memory_space<hbm>>
        tpu.enqueue_dma source(%dma_start3A_160 : memref<1x128xi32, #tpu.memory_space<hbm>>) target(%dma_start3A_157 : memref<1x128xi32, #tpu.memory_space<vmem>>) target_semaphore(%run_scoped3A_148 : memref<!tpu.dma_semaphore, #tpu.memory_space<semaphore_mem>>)
        %dma_wait3A_161 = arith.constant 1 : i32
        %dma_wait3A_162 = arith.constant 0 : i32
        %dma_wait3A_163 = tpu.memref_slice %arg7[%dma_wait3A_161, %dma_wait3A_162] : memref<2x128xi32, #tpu.memory_space<vmem>> -> memref<1x128xi32, #tpu.memory_space<vmem>>
        %dma_wait3A_164 = arith.constant 0 : i32
        %dma_wait3A_165 = tpu.memref_slice %arg3[%run_scoped3A_143, %add3A_142, %dma_wait3A_164] : memref<2x2500x128xi32, #tpu.memory_space<hbm>> -> memref<1x1x128xi32, #tpu.memory_space<hbm>>
        %dma_wait3A_166 = tpu.memref_squeeze %dma_wait3A_165 : memref<1x1x128xi32, #tpu.memory_space<hbm>> -> memref<1x128xi32, #tpu.memory_space<hbm>>
        %dma_wait3A_167 = arith.constant 1 : i32
        %dma_wait3A_168 = arith.constant 0 : i32
        %dma_wait3A_169 = tpu.memref_slice %arg7[%dma_wait3A_167, %dma_wait3A_168] : memref<2x128xi32, #tpu.memory_space<vmem>> -> memref<1x128xi32, #tpu.memory_space<vmem>>
        %dma_wait3A_170 = arith.constant 0 : i32
        %dma_wait3A_171 = tpu.memref_slice %arg3[%run_scoped3A_143, %add3A_142, %dma_wait3A_170] : memref<2x2500x128xi32, #tpu.memory_space<hbm>> -> memref<1x1x128xi32, #tpu.memory_space<hbm>>
        %dma_wait3A_172 = tpu.memref_squeeze %dma_wait3A_171 : memref<1x1x128xi32, #tpu.memory_space<hbm>> -> memref<1x128xi32, #tpu.memory_space<hbm>>
        tpu.wait_dma2 semaphore(%run_scoped3A_148 : memref<!tpu.dma_semaphore, #tpu.memory_space<semaphore_mem>>) src(%dma_wait3A_172 : memref<1x128xi32, #tpu.memory_space<hbm>>) dst(%dma_wait3A_169 : memref<1x128xi32, #tpu.memory_space<vmem>>)
        tpu.yield
      }) : () -> ()
      %run_scoped3A_144 = arith.constant 0 : i32
      %run_scoped3A_145 = arith.constant 0 : i32
      "tpu.region"() ({
        %run_scoped3A_148 = tpu.sem_alloc : memref<!tpu.dma_semaphore, #tpu.memory_space<semaphore_mem>>
        %dma_start3A_149 = arith.constant 0 : i32
        %dma_start3A_150 = arith.constant 0 : i32
        %dma_start3A_151 = tpu.memref_slice %arg8[%run_scoped3A_145, %dma_start3A_149, %dma_start3A_150] : memref<3x128x64xf32, #tpu.memory_space<vmem>> -> memref<1x128x64xf32, #tpu.memory_space<vmem>>
        %dma_start3A_152 = tpu.memref_squeeze %dma_start3A_151 : memref<1x128x64xf32, #tpu.memory_space<vmem>> -> memref<128x64xf32, #tpu.memory_space<vmem>>
        %dma_start3A_153 = arith.constant 0 : i32
        %dma_start3A_154 = tpu.memref_slice %arg7[%run_scoped3A_144, %dma_start3A_153] : memref<2x128xi32, #tpu.memory_space<vmem>> -> memref<1x128xi32, #tpu.memory_space<vmem>>
        %dma_start3A_155 = tpu.memref_squeeze %dma_start3A_154 : memref<1x128xi32, #tpu.memory_space<vmem>> -> memref<128xi32, #tpu.memory_space<vmem>>
        %dma_start3A_156 = arith.constant 0 : i32
        %dma_start3A_157 = arith.constant 0 : i32
        %dma_start3A_158 = tpu.memref_slice %arg10[%dma_start3A_156, %dma_start3A_157] : memref<10240x64xf32, #tpu.memory_space<vmem_shared>> -> memref<10240x64xf32, #tpu.memory_space<vmem_shared>>
        tpu.enqueue_indirect_dma source(%dma_start3A_158 : memref<10240x64xf32, #tpu.memory_space<vmem_shared>>) target(%dma_start3A_152 : memref<128x64xf32, #tpu.memory_space<vmem>>) offsets(%dma_start3A_155 : memref<128xi32, #tpu.memory_space<vmem>>) semaphore(%run_scoped3A_148 : memref<!tpu.dma_semaphore, #tpu.memory_space<semaphore_mem>>)
        %dma_wait3A_159 = arith.constant 0 : i32
        %dma_wait3A_160 = arith.constant 0 : i32
        %dma_wait3A_161 = tpu.memref_slice %arg8[%run_scoped3A_145, %dma_wait3A_159, %dma_wait3A_160] : memref<3x128x64xf32, #tpu.memory_space<vmem>> -> memref<1x128x64xf32, #tpu.memory_space<vmem>>
        %dma_wait3A_162 = tpu.memref_squeeze %dma_wait3A_161 : memref<1x128x64xf32, #tpu.memory_space<vmem>> -> memref<128x64xf32, #tpu.memory_space<vmem>>
        %dma_wait3A_163 = arith.constant 0 : i32
        %dma_wait3A_164 = tpu.memref_slice %arg7[%run_scoped3A_144, %dma_wait3A_163] : memref<2x128xi32, #tpu.memory_space<vmem>> -> memref<1x128xi32, #tpu.memory_space<vmem>>
        %dma_wait3A_165 = tpu.memref_squeeze %dma_wait3A_164 : memref<1x128xi32, #tpu.memory_space<vmem>> -> memref<128xi32, #tpu.memory_space<vmem>>
        %dma_wait3A_166 = arith.constant 0 : i32
        %dma_wait3A_167 = arith.constant 0 : i32
        %dma_wait3A_168 = tpu.memref_slice %arg10[%dma_wait3A_166, %dma_wait3A_167] : memref<10240x64xf32, #tpu.memory_space<vmem_shared>> -> memref<10240x64xf32, #tpu.memory_space<vmem_shared>>
        tpu.wait_indirect_dma semaphore(%run_scoped3A_148 : memref<!tpu.dma_semaphore, #tpu.memory_space<semaphore_mem>>) src(%dma_wait3A_168 : memref<10240x64xf32, #tpu.memory_space<vmem_shared>>) dst(%dma_wait3A_162 : memref<128x64xf32, #tpu.memory_space<vmem>>)
        tpu.yield
      }) : () -> ()
      %run_scoped3A_146 = arith.constant 0 : i32
      %run_scoped3A_147 = arith.constant 1 : i32
      "tpu.region"() ({
        %run_scoped3A_148 = tpu.sem_alloc : memref<!tpu.dma_semaphore, #tpu.memory_space<semaphore_mem>>
        %dma_start3A_149 = arith.constant 0 : i32
        %dma_start3A_150 = arith.constant 0 : i32
        %dma_start3A_151 = tpu.memref_slice %arg8[%run_scoped3A_146, %dma_start3A_149, %dma_start3A_150] : memref<3x128x64xf32, #tpu.memory_space<vmem>> -> memref<1x128x64xf32, #tpu.memory_space<vmem>>
        %dma_start3A_152 = tpu.memref_squeeze %dma_start3A_151 : memref<1x128x64xf32, #tpu.memory_space<vmem>> -> memref<128x64xf32, #tpu.memory_space<vmem>>
        %dma_start3A_153 = arith.constant 0 : i32
        %dma_start3A_154 = tpu.memref_slice %arg7[%run_scoped3A_147, %dma_start3A_153] : memref<2x128xi32, #tpu.memory_space<vmem>> -> memref<1x128xi32, #tpu.memory_space<vmem>>
        %dma_start3A_155 = tpu.memref_squeeze %dma_start3A_154 : memref<1x128xi32, #tpu.memory_space<vmem>> -> memref<128xi32, #tpu.memory_space<vmem>>
        %dma_start3A_156 = arith.constant 0 : i32
        %dma_start3A_157 = arith.constant 0 : i32
        %dma_start3A_158 = tpu.memref_slice %arg11[%dma_start3A_156, %dma_start3A_157] : memref<10240x64xf32, #tpu.memory_space<vmem_shared>> -> memref<10240x64xf32, #tpu.memory_space<vmem_shared>>
        tpu.enqueue_indirect_dma source(%dma_start3A_152 : memref<128x64xf32, #tpu.memory_space<vmem>>) target(%dma_start3A_158 : memref<10240x64xf32, #tpu.memory_space<vmem_shared>>) offsets(%dma_start3A_155 : memref<128xi32, #tpu.memory_space<vmem>>) semaphore(%run_scoped3A_148 : memref<!tpu.dma_semaphore, #tpu.memory_space<semaphore_mem>>) {add = true}
        %dma_wait3A_159 = arith.constant 0 : i32
        %dma_wait3A_160 = arith.constant 0 : i32
        %dma_wait3A_161 = tpu.memref_slice %arg8[%run_scoped3A_146, %dma_wait3A_159, %dma_wait3A_160] : memref<3x128x64xf32, #tpu.memory_space<vmem>> -> memref<1x128x64xf32, #tpu.memory_space<vmem>>
        %dma_wait3A_162 = tpu.memref_squeeze %dma_wait3A_161 : memref<1x128x64xf32, #tpu.memory_space<vmem>> -> memref<128x64xf32, #tpu.memory_space<vmem>>
        %dma_wait3A_163 = arith.constant 0 : i32
        %dma_wait3A_164 = tpu.memref_slice %arg7[%run_scoped3A_147, %dma_wait3A_163] : memref<2x128xi32, #tpu.memory_space<vmem>> -> memref<1x128xi32, #tpu.memory_space<vmem>>
        %dma_wait3A_165 = tpu.memref_squeeze %dma_wait3A_164 : memref<1x128xi32, #tpu.memory_space<vmem>> -> memref<128xi32, #tpu.memory_space<vmem>>
        %dma_wait3A_166 = arith.constant 0 : i32
        %dma_wait3A_167 = arith.constant 0 : i32
        %dma_wait3A_168 = tpu.memref_slice %arg11[%dma_wait3A_166, %dma_wait3A_167] : memref<10240x64xf32, #tpu.memory_space<vmem_shared>> -> memref<10240x64xf32, #tpu.memory_space<vmem_shared>>
        tpu.wait_indirect_dma semaphore(%run_scoped3A_148 : memref<!tpu.dma_semaphore, #tpu.memory_space<semaphore_mem>>) src(%dma_wait3A_162 : memref<128x64xf32, #tpu.memory_space<vmem>>) dst(%dma_wait3A_168 : memref<10240x64xf32, #tpu.memory_space<vmem_shared>>)
        tpu.yield
      }) : () -> ()
    } else {
    }
    %barrier3A_132 = arith.constant 0 : index
    tpu.barrier barrier_id(%barrier3A_132)
    %scan3A_133 = arith.constant 0 : i32
    %scan3A_134 = arith.constant 5 : i32
    %scan3A_135 = arith.addi %scan3A_133, %scan3A_134 : i32
    %scan3A_136 = arith.constant 1 : i32
    scf.for %scan3A_138 = %scan3A_133 to %scan3A_135 step %scan3A_136  : i32 {
      %mul3A_139 = arith.constant 128 : i32
      %mul3A_140 = arith.muli %scan3A_138, %mul3A_139 : i32
      %add3A_141 = arith.addi %mul3A_7, %mul3A_140 : i32
      "tpu.region"() ({
        %run_scoped3A_142 = tpu.sem_alloc : memref<!tpu.dma_semaphore, #tpu.memory_space<semaphore_mem>>
        %dma_start3A_143 = arith.constant 0 : i32
        %dma_start3A_144 = tpu.memref_slice %arg4[%arg0, %add3A_141, %dma_start3A_143] : memref<2x10240x64xf32, #tpu.memory_space<hbm>> -> memref<1x128x64xf32, #tpu.memory_space<hbm>>
        %dma_start3A_145 = tpu.memref_squeeze %dma_start3A_144 : memref<1x128x64xf32, #tpu.memory_space<hbm>> -> memref<128x64xf32, #tpu.memory_space<hbm>>
        %dma_start3A_146 = arith.constant 0 : i32
        %dma_start3A_147 = tpu.memref_slice %arg11[%add3A_141, %dma_start3A_146] : memref<10240x64xf32, #tpu.memory_space<vmem_shared>> -> memref<128x64xf32, #tpu.memory_space<vmem_shared>>
        tpu.enqueue_dma source(%dma_start3A_147 : memref<128x64xf32, #tpu.memory_space<vmem_shared>>) target(%dma_start3A_145 : memref<128x64xf32, #tpu.memory_space<hbm>>) target_semaphore(%run_scoped3A_142 : memref<!tpu.dma_semaphore, #tpu.memory_space<semaphore_mem>>)
        %dma_wait3A_148 = arith.constant 0 : i32
        %dma_wait3A_149 = tpu.memref_slice %arg4[%arg0, %add3A_141, %dma_wait3A_148] : memref<2x10240x64xf32, #tpu.memory_space<hbm>> -> memref<1x128x64xf32, #tpu.memory_space<hbm>>
        %dma_wait3A_150 = tpu.memref_squeeze %dma_wait3A_149 : memref<1x128x64xf32, #tpu.memory_space<hbm>> -> memref<128x64xf32, #tpu.memory_space<hbm>>
        %dma_wait3A_151 = arith.constant 0 : i32
        %dma_wait3A_152 = tpu.memref_slice %arg11[%add3A_141, %dma_wait3A_151] : memref<10240x64xf32, #tpu.memory_space<vmem_shared>> -> memref<128x64xf32, #tpu.memory_space<vmem_shared>>
        tpu.wait_dma2 semaphore(%run_scoped3A_142 : memref<!tpu.dma_semaphore, #tpu.memory_space<semaphore_mem>>) src(%dma_wait3A_152 : memref<128x64xf32, #tpu.memory_space<vmem_shared>>) dst(%dma_wait3A_150 : memref<128x64xf32, #tpu.memory_space<hbm>>)
        tpu.yield
      }) : () -> ()
    }
    %scan3A_137 = arith.constant 5 : i32
    return
  }
}

#map = affine_map<(d0, d1) -> (0, 0, 0)>
module attributes {stable_mosaic.version = 14 : i64} {
  func.func @k(%arg0: i32, %arg1: i32, %arg2: memref<2x2500x128xi32, #tpu.memory_space<hbm>>, %arg3: memref<2x10240x16xf32, #tpu.memory_space<hbm>>, %arg4: memref<78x128xi32, #tpu.memory_space<vmem>>, %arg5: memref<1x128xi32, #tpu.memory_space<vmem>>, %arg6: memref<128x16xf32, #tpu.memory_space<vmem>>, %arg7: memref<128x16xf32, #tpu.memory_space<vmem>>, %arg8: memref<10240x16xf32, #tpu.memory_space<vmem_shared>>, %arg9: memref<!tpu.dma_semaphore, #tpu.memory_space<semaphore_mem>>) attributes {dimension_semantics = [#tpu.dimension_semantics<core_parallel>, #tpu.dimension_semantics<subcore_parallel>], iteration_bounds = array<i64: 2, 16>, scalar_prefetch = 0 : i64, scratch_operands = 6 : i64, tpu.core_type = #tpu.core_type<sc_vector_subcore>, window_params = [{transform_indices = #map}, {transform_indices = #map}]} {
    %mul3A = arith.constant 2 : i32
    %mul3A_0 = arith.muli %arg1, %mul3A : i32
    %add3A = arith.addi %mul3A_0, %arg0 : i32
    %broadcast_in_dim3A = arith.constant 1.000000e+00 : f32
    %broadcast_in_dim3A_1 = vector.broadcast %broadcast_in_dim3A : f32 to vector<16xf32>
    %scan3A = arith.constant 0 : i32
    %scan3A_2 = arith.constant 128 : i32
    %scan3A_3 = arith.addi %scan3A, %scan3A_2 : i32
    %scan3A_4 = arith.constant 1 : i32
    scf.for %scan3A_60 = %scan3A to %scan3A_3 step %scan3A_4  : i32 {
      %swap3A = arith.index_cast %scan3A_60 : i32 to index
      %swap3A_61 = arith.constant 0 : index
      %swap3A_62 = tpu.vector_load %arg6[%swap3A, %swap3A_61] {strides = array<i32>} : memref<128x16xf32, #tpu.memory_space<vmem>>, vector<1x16xf32>,
      %swap3A_63 = vector.shape_cast %swap3A_62 : vector<1x16xf32> to vector<16xf32>
      %swap3A_64 = vector.shape_cast %broadcast_in_dim3A_1 : vector<16xf32> to vector<1x16xf32>
      tpu.vector_store %arg6[%swap3A, %swap3A_61], %swap3A_64 {strides = array<i32>} : memref<128x16xf32, #tpu.memory_space<vmem>>, vector<1x16xf32>,
    }
    %scan3A_5 = arith.constant 128 : i32
    %broadcast_in_dim3A_6 = arith.constant 0.000000e+00 : f32
    %broadcast_in_dim3A_7 = vector.broadcast %broadcast_in_dim3A_6 : f32 to vector<16xf32>
    %scan3A_8 = arith.constant 0 : i32
    %scan3A_9 = arith.constant 128 : i32
    %scan3A_10 = arith.addi %scan3A_8, %scan3A_9 : i32
    %scan3A_11 = arith.constant 1 : i32
    scf.for %scan3A_60 = %scan3A_8 to %scan3A_10 step %scan3A_11  : i32 {
      %jit3A = arith.constant 1 : i32
      %div3A = arith.divsi %scan3A_60, %jit3A : i32
      %sign3A = arith.constant 0 : i32
      %sign3A_61 = arith.cmpi sgt, %scan3A_60, %sign3A : i32
      %sign3A_62 = arith.extui %sign3A_61 : i1 to i32
      %sign3A_63 = arith.constant 0 : i32
      %sign3A_64 = arith.cmpi slt, %scan3A_60, %sign3A_63 : i32
      %sign3A_65 = arith.extui %sign3A_64 : i1 to i32
      %sign3A_66 = arith.subi %sign3A_62, %sign3A_65 : i32
      %sign3A_67 = arith.constant 0 : i32
      %sign3A_68 = arith.cmpi sgt, %jit3A, %sign3A_67 : i32
      %sign3A_69 = arith.extui %sign3A_68 : i1 to i32
      %sign3A_70 = arith.constant 0 : i32
      %sign3A_71 = arith.cmpi slt, %jit3A, %sign3A_70 : i32
      %sign3A_72 = arith.extui %sign3A_71 : i1 to i32
      %sign3A_73 = arith.subi %sign3A_69, %sign3A_72 : i32
      %ne3A = arith.cmpi ne, %sign3A_66, %sign3A_73 : i32
      %rem3A = arith.remsi %scan3A_60, %jit3A : i32
      %ne3A_74 = arith.constant 0 : i32
      %ne3A_75 = arith.cmpi ne, %rem3A, %ne3A_74 : i32
      %and3A = arith.andi %ne3A, %ne3A_75 : i1
      %sub3A = arith.constant 1 : i32
      %sub3A_76 = arith.subi %div3A, %sub3A : i32
      %select_n3A = arith.select %and3A, %sub3A_76, %div3A : i32
      %jit3A_77 = arith.constant 1 : i32
      %eq3A = arith.constant 0 : i32
      %eq3A_78 = arith.cmpi eq, %jit3A_77, %eq3A : i32
      %jit3A_79 = arith.constant 1 : i32
      %select_n3A_80 = arith.select %eq3A_78, %jit3A_79, %jit3A_77 : i32
      %rem3A_81 = arith.remsi %scan3A_60, %select_n3A_80 : i32
      %ne3A_82 = arith.constant 0 : i32
      %ne3A_83 = arith.cmpi ne, %rem3A_81, %ne3A_82 : i32
      %lt3A_84 = arith.constant 0 : i32
      %lt3A_85 = arith.cmpi slt, %rem3A_81, %lt3A_84 : i32
      %lt3A_86 = arith.constant 0 : i32
      %lt3A_87 = arith.cmpi slt, %select_n3A_80, %lt3A_86 : i32
      %ne3A_88 = arith.xori %lt3A_85, %lt3A_87 : i1
      %and3A_89 = arith.andi %ne3A_88, %ne3A_83 : i1
      %add3A_90 = arith.addi %rem3A_81, %select_n3A_80 : i32
      %select_n3A_91 = arith.select %and3A_89, %add3A_90, %rem3A_81 : i32
      %mul3A_92 = arith.constant 16 : i32
      %mul3A_93 = arith.muli %select_n3A_91, %mul3A_92 : i32
      %swap3A = arith.index_cast %select_n3A : i32 to index
      %swap3A_94 = arith.index_cast %mul3A_93 : i32 to index
      %swap3A_95 = tpu.vector_load %arg7[%swap3A, %swap3A_94] {strides = array<i32>} : memref<128x16xf32, #tpu.memory_space<vmem>>, vector<1x16xf32>,
      %swap3A_96 = vector.shape_cast %swap3A_95 : vector<1x16xf32> to vector<16xf32>
      %swap3A_97 = vector.shape_cast %broadcast_in_dim3A_7 : vector<16xf32> to vector<1x16xf32>
      tpu.vector_store %arg7[%swap3A, %swap3A_94], %swap3A_97 {strides = array<i32>} : memref<128x16xf32, #tpu.memory_space<vmem>>, vector<1x16xf32>,
    }
    %scan3A_12 = arith.constant 128 : i32
    %mul3A_13 = arith.constant 78 : i32
    %mul3A_14 = arith.muli %add3A, %mul3A_13 : i32
    %run_scoped3A = arith.constant 1 : i32
    "tpu.region"() ({
      %run_scoped3A_60 = tpu.sem_alloc : memref<!tpu.dma_semaphore, #tpu.memory_space<semaphore_mem>>
      %dma_start3A = arith.constant 0 : i32
      %dma_start3A_61 = tpu.memref_slice %arg2[%run_scoped3A, %mul3A_14, %dma_start3A] : memref<2x2500x128xi32, #tpu.memory_space<hbm>> -> memref<1x78x128xi32, #tpu.memory_space<hbm>>
      %dma_start3A_62 = tpu.memref_squeeze %dma_start3A_61 : memref<1x78x128xi32, #tpu.memory_space<hbm>> -> memref<78x128xi32, #tpu.memory_space<hbm>>
      %dma_start3A_63 = arith.constant 0 : i32
      %dma_start3A_64 = tpu.memref_slice %arg2[%run_scoped3A, %mul3A_14, %dma_start3A_63] : memref<2x2500x128xi32, #tpu.memory_space<hbm>> -> memref<1x78x128xi32, #tpu.memory_space<hbm>>
      %dma_start3A_65 = tpu.memref_squeeze %dma_start3A_64 : memref<1x78x128xi32, #tpu.memory_space<hbm>> -> memref<78x128xi32, #tpu.memory_space<hbm>>
      tpu.enqueue_dma source(%dma_start3A_65 : memref<78x128xi32, #tpu.memory_space<hbm>>) target(%arg4 : memref<78x128xi32, #tpu.memory_space<vmem>>) target_semaphore(%run_scoped3A_60 : memref<!tpu.dma_semaphore, #tpu.memory_space<semaphore_mem>>)
      %dma_wait3A_66 = arith.constant 0 : i32
      %dma_wait3A_67 = tpu.memref_slice %arg2[%run_scoped3A, %mul3A_14, %dma_wait3A_66] : memref<2x2500x128xi32, #tpu.memory_space<hbm>> -> memref<1x78x128xi32, #tpu.memory_space<hbm>>
      %dma_wait3A_68 = tpu.memref_squeeze %dma_wait3A_67 : memref<1x78x128xi32, #tpu.memory_space<hbm>> -> memref<78x128xi32, #tpu.memory_space<hbm>>
      %dma_wait3A_69 = arith.constant 0 : i32
      %dma_wait3A_70 = tpu.memref_slice %arg2[%run_scoped3A, %mul3A_14, %dma_wait3A_69] : memref<2x2500x128xi32, #tpu.memory_space<hbm>> -> memref<1x78x128xi32, #tpu.memory_space<hbm>>
      %dma_wait3A_71 = tpu.memref_squeeze %dma_wait3A_70 : memref<1x78x128xi32, #tpu.memory_space<hbm>> -> memref<78x128xi32, #tpu.memory_space<hbm>>
      tpu.wait_dma2 semaphore(%run_scoped3A_60 : memref<!tpu.dma_semaphore, #tpu.memory_space<semaphore_mem>>) src(%dma_wait3A_71 : memref<78x128xi32, #tpu.memory_space<hbm>>) dst(%arg4 : memref<78x128xi32, #tpu.memory_space<vmem>>)
      tpu.yield
    }) : () -> ()
    %scan3A_15 = arith.constant 0 : i32
    %scan3A_16 = arith.constant 5 : i32
    %scan3A_17 = arith.addi %scan3A_15, %scan3A_16 : i32
    %scan3A_18 = arith.constant 1 : i32
    scf.for %scan3A_60 = %scan3A_15 to %scan3A_17 step %scan3A_18  : i32 {
      %mul3A_61 = arith.constant 640 : i32
      %mul3A_62 = arith.muli %arg1, %mul3A_61 : i32
      %mul3A_63 = arith.constant 128 : i32
      %mul3A_64 = arith.muli %scan3A_60, %mul3A_63 : i32
      %add3A_65 = arith.addi %mul3A_62, %mul3A_64 : i32
      "tpu.region"() ({
        %run_scoped3A_66 = tpu.sem_alloc : memref<!tpu.dma_semaphore, #tpu.memory_space<semaphore_mem>>
        %dma_start3A = arith.constant 0 : i32
        %dma_start3A_67 = tpu.memref_slice %arg8[%add3A_65, %dma_start3A] : memref<10240x16xf32, #tpu.memory_space<vmem_shared>> -> memref<128x16xf32, #tpu.memory_space<vmem_shared>>
        %dma_start3A_68 = arith.constant 0 : i32
        %dma_start3A_69 = tpu.memref_slice %arg8[%add3A_65, %dma_start3A_68] : memref<10240x16xf32, #tpu.memory_space<vmem_shared>> -> memref<128x16xf32, #tpu.memory_space<vmem_shared>>
        tpu.enqueue_dma source(%arg7 : memref<128x16xf32, #tpu.memory_space<vmem>>) target(%dma_start3A_69 : memref<128x16xf32, #tpu.memory_space<vmem_shared>>) target_semaphore(%run_scoped3A_66 : memref<!tpu.dma_semaphore, #tpu.memory_space<semaphore_mem>>)
        %dma_wait3A_70 = arith.constant 0 : i32
        %dma_wait3A_71 = tpu.memref_slice %arg8[%add3A_65, %dma_wait3A_70] : memref<10240x16xf32, #tpu.memory_space<vmem_shared>> -> memref<128x16xf32, #tpu.memory_space<vmem_shared>>
        %dma_wait3A_72 = arith.constant 0 : i32
        %dma_wait3A_73 = tpu.memref_slice %arg8[%add3A_65, %dma_wait3A_72] : memref<10240x16xf32, #tpu.memory_space<vmem_shared>> -> memref<128x16xf32, #tpu.memory_space<vmem_shared>>
        tpu.wait_dma2 semaphore(%run_scoped3A_66 : memref<!tpu.dma_semaphore, #tpu.memory_space<semaphore_mem>>) src(%arg7 : memref<128x16xf32, #tpu.memory_space<vmem>>) dst(%dma_wait3A_73 : memref<128x16xf32, #tpu.memory_space<vmem_shared>>)
        tpu.yield
      }) : () -> ()
    }
    %scan3A_19 = arith.constant 5 : i32
    %barrier3A = arith.constant 0 : index
    tpu.barrier barrier_id(%barrier3A)
    %scan3A_20 = arith.constant 0 : i32
    %scan3A_21 = arith.constant 78 : i32
    %scan3A_22 = arith.addi %scan3A_20, %scan3A_21 : i32
    %scan3A_23 = arith.constant 1 : i32
    scf.for %scan3A_60 = %scan3A_20 to %scan3A_22 step %scan3A_23  : i32 {
      %dma_start3A = arith.constant 0 : i32
      %dma_start3A_61 = tpu.memref_slice %arg4[%scan3A_60, %dma_start3A] : memref<78x128xi32, #tpu.memory_space<vmem>> -> memref<1x128xi32, #tpu.memory_space<vmem>>
      %dma_start3A_62 = tpu.memref_squeeze %dma_start3A_61 : memref<1x128xi32, #tpu.memory_space<vmem>> -> memref<128xi32, #tpu.memory_space<vmem>>
      %dma_start3A_63 = arith.constant 0 : i32
      %dma_start3A_64 = arith.constant 0 : i32
      %dma_start3A_65 = tpu.memref_slice %arg8[%dma_start3A_63, %dma_start3A_64] : memref<10240x16xf32, #tpu.memory_space<vmem_shared>> -> memref<10240x16xf32, #tpu.memory_space<vmem_shared>>
      tpu.enqueue_indirect_dma source(%arg6 : memref<128x16xf32, #tpu.memory_space<vmem>>) target(%dma_start3A_65 : memref<10240x16xf32, #tpu.memory_space<vmem_shared>>) offsets(%dma_start3A_62 : memref<128xi32, #tpu.memory_space<vmem>>) semaphore(%arg9 : memref<!tpu.dma_semaphore, #tpu.memory_space<semaphore_mem>>) {add = true}
      %ge3A = arith.constant 4 : i32
      %ge3A_66 = arith.cmpi sge, %scan3A_60, %ge3A : i32
      %convert_element_type3A_67 = arith.extui %ge3A_66 : i1 to i32
      %cond3A_68 = arith.constant 0 : i32
      %cond3A_69 = arith.cmpi ne, %convert_element_type3A_67, %cond3A_68 : i32
      scf.if %cond3A_69 {
        %sub3A = arith.constant 4 : i32
        %sub3A_70 = arith.subi %scan3A_60, %sub3A : i32
        %dma_wait3A_71 = arith.constant 0 : i32
        %dma_wait3A_72 = tpu.memref_slice %arg4[%sub3A_70, %dma_wait3A_71] : memref<78x128xi32, #tpu.memory_space<vmem>> -> memref<1x128xi32, #tpu.memory_space<vmem>>
        %dma_wait3A_73 = tpu.memref_squeeze %dma_wait3A_72 : memref<1x128xi32, #tpu.memory_space<vmem>> -> memref<128xi32, #tpu.memory_space<vmem>>
        %dma_wait3A_74 = arith.constant 0 : i32
        %dma_wait3A_75 = arith.constant 0 : i32
        %dma_wait3A_76 = tpu.memref_slice %arg8[%dma_wait3A_74, %dma_wait3A_75] : memref<10240x16xf32, #tpu.memory_space<vmem_shared>> -> memref<10240x16xf32, #tpu.memory_space<vmem_shared>>
        tpu.wait_indirect_dma semaphore(%arg9 : memref<!tpu.dma_semaphore, #tpu.memory_space<semaphore_mem>>) src(%arg6 : memref<128x16xf32, #tpu.memory_space<vmem>>) dst(%dma_wait3A_76 : memref<10240x16xf32, #tpu.memory_space<vmem_shared>>)
      } else {
      }
    }
    %scan3A_24 = arith.constant 78 : i32
    %dma_wait3A = arith.constant 74 : i32
    %dma_wait3A_25 = arith.constant 0 : i32
    %dma_wait3A_26 = tpu.memref_slice %arg4[%dma_wait3A, %dma_wait3A_25] : memref<78x128xi32, #tpu.memory_space<vmem>> -> memref<1x128xi32, #tpu.memory_space<vmem>>
    %dma_wait3A_27 = tpu.memref_squeeze %dma_wait3A_26 : memref<1x128xi32, #tpu.memory_space<vmem>> -> memref<128xi32, #tpu.memory_space<vmem>>
    %dma_wait3A_28 = arith.constant 0 : i32
    %dma_wait3A_29 = arith.constant 0 : i32
    %dma_wait3A_30 = tpu.memref_slice %arg8[%dma_wait3A_28, %dma_wait3A_29] : memref<10240x16xf32, #tpu.memory_space<vmem_shared>> -> memref<10240x16xf32, #tpu.memory_space<vmem_shared>>
    tpu.wait_indirect_dma semaphore(%arg9 : memref<!tpu.dma_semaphore, #tpu.memory_space<semaphore_mem>>) src(%arg6 : memref<128x16xf32, #tpu.memory_space<vmem>>) dst(%dma_wait3A_30 : memref<10240x16xf32, #tpu.memory_space<vmem_shared>>)
    %dma_wait3A_31 = arith.constant 75 : i32
    %dma_wait3A_32 = arith.constant 0 : i32
    %dma_wait3A_33 = tpu.memref_slice %arg4[%dma_wait3A_31, %dma_wait3A_32] : memref<78x128xi32, #tpu.memory_space<vmem>> -> memref<1x128xi32, #tpu.memory_space<vmem>>
    %dma_wait3A_34 = tpu.memref_squeeze %dma_wait3A_33 : memref<1x128xi32, #tpu.memory_space<vmem>> -> memref<128xi32, #tpu.memory_space<vmem>>
    %dma_wait3A_35 = arith.constant 0 : i32
    %dma_wait3A_36 = arith.constant 0 : i32
    %dma_wait3A_37 = tpu.memref_slice %arg8[%dma_wait3A_35, %dma_wait3A_36] : memref<10240x16xf32, #tpu.memory_space<vmem_shared>> -> memref<10240x16xf32, #tpu.memory_space<vmem_shared>>
    tpu.wait_indirect_dma semaphore(%arg9 : memref<!tpu.dma_semaphore, #tpu.memory_space<semaphore_mem>>) src(%arg6 : memref<128x16xf32, #tpu.memory_space<vmem>>) dst(%dma_wait3A_37 : memref<10240x16xf32, #tpu.memory_space<vmem_shared>>)
    %dma_wait3A_38 = arith.constant 76 : i32
    %dma_wait3A_39 = arith.constant 0 : i32
    %dma_wait3A_40 = tpu.memref_slice %arg4[%dma_wait3A_38, %dma_wait3A_39] : memref<78x128xi32, #tpu.memory_space<vmem>> -> memref<1x128xi32, #tpu.memory_space<vmem>>
    %dma_wait3A_41 = tpu.memref_squeeze %dma_wait3A_40 : memref<1x128xi32, #tpu.memory_space<vmem>> -> memref<128xi32, #tpu.memory_space<vmem>>
    %dma_wait3A_42 = arith.constant 0 : i32
    %dma_wait3A_43 = arith.constant 0 : i32
    %dma_wait3A_44 = tpu.memref_slice %arg8[%dma_wait3A_42, %dma_wait3A_43] : memref<10240x16xf32, #tpu.memory_space<vmem_shared>> -> memref<10240x16xf32, #tpu.memory_space<vmem_shared>>
    tpu.wait_indirect_dma semaphore(%arg9 : memref<!tpu.dma_semaphore, #tpu.memory_space<semaphore_mem>>) src(%arg6 : memref<128x16xf32, #tpu.memory_space<vmem>>) dst(%dma_wait3A_44 : memref<10240x16xf32, #tpu.memory_space<vmem_shared>>)
    %dma_wait3A_45 = arith.constant 77 : i32
    %dma_wait3A_46 = arith.constant 0 : i32
    %dma_wait3A_47 = tpu.memref_slice %arg4[%dma_wait3A_45, %dma_wait3A_46] : memref<78x128xi32, #tpu.memory_space<vmem>> -> memref<1x128xi32, #tpu.memory_space<vmem>>
    %dma_wait3A_48 = tpu.memref_squeeze %dma_wait3A_47 : memref<1x128xi32, #tpu.memory_space<vmem>> -> memref<128xi32, #tpu.memory_space<vmem>>
    %dma_wait3A_49 = arith.constant 0 : i32
    %dma_wait3A_50 = arith.constant 0 : i32
    %dma_wait3A_51 = tpu.memref_slice %arg8[%dma_wait3A_49, %dma_wait3A_50] : memref<10240x16xf32, #tpu.memory_space<vmem_shared>> -> memref<10240x16xf32, #tpu.memory_space<vmem_shared>>
    tpu.wait_indirect_dma semaphore(%arg9 : memref<!tpu.dma_semaphore, #tpu.memory_space<semaphore_mem>>) src(%arg6 : memref<128x16xf32, #tpu.memory_space<vmem>>) dst(%dma_wait3A_51 : memref<10240x16xf32, #tpu.memory_space<vmem_shared>>)
    %lt3A = arith.constant 4 : i32
    %lt3A_52 = arith.cmpi slt, %add3A, %lt3A : i32
    %convert_element_type3A = arith.extui %lt3A_52 : i1 to i32
    %cond3A = arith.constant 0 : i32
    %cond3A_53 = arith.cmpi ne, %convert_element_type3A, %cond3A : i32
    scf.if %cond3A_53 {
      %add3A_60 = arith.constant 2496 : i32
      %add3A_61 = arith.addi %add3A_60, %add3A : i32
      %run_scoped3A_62 = arith.constant 1 : i32
      "tpu.region"() ({
        %run_scoped3A_64 = tpu.sem_alloc : memref<!tpu.dma_semaphore, #tpu.memory_space<semaphore_mem>>
        %dma_start3A = arith.constant 0 : i32
        %dma_start3A_65 = tpu.memref_slice %arg2[%run_scoped3A_62, %add3A_61, %dma_start3A] : memref<2x2500x128xi32, #tpu.memory_space<hbm>> -> memref<1x1x128xi32, #tpu.memory_space<hbm>>
        %dma_start3A_66 = tpu.memref_squeeze %dma_start3A_65 : memref<1x1x128xi32, #tpu.memory_space<hbm>> -> memref<1x128xi32, #tpu.memory_space<hbm>>
        %dma_start3A_67 = arith.constant 0 : i32
        %dma_start3A_68 = tpu.memref_slice %arg2[%run_scoped3A_62, %add3A_61, %dma_start3A_67] : memref<2x2500x128xi32, #tpu.memory_space<hbm>> -> memref<1x1x128xi32, #tpu.memory_space<hbm>>
        %dma_start3A_69 = tpu.memref_squeeze %dma_start3A_68 : memref<1x1x128xi32, #tpu.memory_space<hbm>> -> memref<1x128xi32, #tpu.memory_space<hbm>>
        tpu.enqueue_dma source(%dma_start3A_69 : memref<1x128xi32, #tpu.memory_space<hbm>>) target(%arg5 : memref<1x128xi32, #tpu.memory_space<vmem>>) target_semaphore(%run_scoped3A_64 : memref<!tpu.dma_semaphore, #tpu.memory_space<semaphore_mem>>)
        %dma_wait3A_70 = arith.constant 0 : i32
        %dma_wait3A_71 = tpu.memref_slice %arg2[%run_scoped3A_62, %add3A_61, %dma_wait3A_70] : memref<2x2500x128xi32, #tpu.memory_space<hbm>> -> memref<1x1x128xi32, #tpu.memory_space<hbm>>
        %dma_wait3A_72 = tpu.memref_squeeze %dma_wait3A_71 : memref<1x1x128xi32, #tpu.memory_space<hbm>> -> memref<1x128xi32, #tpu.memory_space<hbm>>
        %dma_wait3A_73 = arith.constant 0 : i32
        %dma_wait3A_74 = tpu.memref_slice %arg2[%run_scoped3A_62, %add3A_61, %dma_wait3A_73] : memref<2x2500x128xi32, #tpu.memory_space<hbm>> -> memref<1x1x128xi32, #tpu.memory_space<hbm>>
        %dma_wait3A_75 = tpu.memref_squeeze %dma_wait3A_74 : memref<1x1x128xi32, #tpu.memory_space<hbm>> -> memref<1x128xi32, #tpu.memory_space<hbm>>
        tpu.wait_dma2 semaphore(%run_scoped3A_64 : memref<!tpu.dma_semaphore, #tpu.memory_space<semaphore_mem>>) src(%dma_wait3A_75 : memref<1x128xi32, #tpu.memory_space<hbm>>) dst(%arg5 : memref<1x128xi32, #tpu.memory_space<vmem>>)
        tpu.yield
      }) : () -> ()
      %run_scoped3A_63 = arith.constant 0 : i32
      "tpu.region"() ({
        %run_scoped3A_64 = tpu.sem_alloc : memref<!tpu.dma_semaphore, #tpu.memory_space<semaphore_mem>>
        %dma_start3A = arith.constant 0 : i32
        %dma_start3A_65 = tpu.memref_slice %arg5[%run_scoped3A_63, %dma_start3A] : memref<1x128xi32, #tpu.memory_space<vmem>> -> memref<1x128xi32, #tpu.memory_space<vmem>>
        %dma_start3A_66 = tpu.memref_squeeze %dma_start3A_65 : memref<1x128xi32, #tpu.memory_space<vmem>> -> memref<128xi32, #tpu.memory_space<vmem>>
        %dma_start3A_67 = arith.constant 0 : i32
        %dma_start3A_68 = arith.constant 0 : i32
        %dma_start3A_69 = tpu.memref_slice %arg8[%dma_start3A_67, %dma_start3A_68] : memref<10240x16xf32, #tpu.memory_space<vmem_shared>> -> memref<10240x16xf32, #tpu.memory_space<vmem_shared>>
        tpu.enqueue_indirect_dma source(%arg6 : memref<128x16xf32, #tpu.memory_space<vmem>>) target(%dma_start3A_69 : memref<10240x16xf32, #tpu.memory_space<vmem_shared>>) offsets(%dma_start3A_66 : memref<128xi32, #tpu.memory_space<vmem>>) semaphore(%run_scoped3A_64 : memref<!tpu.dma_semaphore, #tpu.memory_space<semaphore_mem>>) {add = true}
        %dma_wait3A_70 = arith.constant 0 : i32
        %dma_wait3A_71 = tpu.memref_slice %arg5[%run_scoped3A_63, %dma_wait3A_70] : memref<1x128xi32, #tpu.memory_space<vmem>> -> memref<1x128xi32, #tpu.memory_space<vmem>>
        %dma_wait3A_72 = tpu.memref_squeeze %dma_wait3A_71 : memref<1x128xi32, #tpu.memory_space<vmem>> -> memref<128xi32, #tpu.memory_space<vmem>>
        %dma_wait3A_73 = arith.constant 0 : i32
        %dma_wait3A_74 = arith.constant 0 : i32
        %dma_wait3A_75 = tpu.memref_slice %arg8[%dma_wait3A_73, %dma_wait3A_74] : memref<10240x16xf32, #tpu.memory_space<vmem_shared>> -> memref<10240x16xf32, #tpu.memory_space<vmem_shared>>
        tpu.wait_indirect_dma semaphore(%run_scoped3A_64 : memref<!tpu.dma_semaphore, #tpu.memory_space<semaphore_mem>>) src(%arg6 : memref<128x16xf32, #tpu.memory_space<vmem>>) dst(%dma_wait3A_75 : memref<10240x16xf32, #tpu.memory_space<vmem_shared>>)
        tpu.yield
      }) : () -> ()
    } else {
    }
    %barrier3A_54 = arith.constant 0 : index
    tpu.barrier barrier_id(%barrier3A_54)
    %scan3A_55 = arith.constant 0 : i32
    %scan3A_56 = arith.constant 5 : i32
    %scan3A_57 = arith.addi %scan3A_55, %scan3A_56 : i32
    %scan3A_58 = arith.constant 1 : i32
    scf.for %scan3A_60 = %scan3A_55 to %scan3A_57 step %scan3A_58  : i32 {
      %mul3A_61 = arith.constant 640 : i32
      %mul3A_62 = arith.muli %arg1, %mul3A_61 : i32
      %mul3A_63 = arith.constant 128 : i32
      %mul3A_64 = arith.muli %scan3A_60, %mul3A_63 : i32
      %add3A_65 = arith.addi %mul3A_62, %mul3A_64 : i32
      "tpu.region"() ({
        %run_scoped3A_66 = tpu.sem_alloc : memref<!tpu.dma_semaphore, #tpu.memory_space<semaphore_mem>>
        %dma_start3A = arith.constant 0 : i32
        %dma_start3A_67 = tpu.memref_slice %arg3[%arg0, %add3A_65, %dma_start3A] : memref<2x10240x16xf32, #tpu.memory_space<hbm>> -> memref<1x128x16xf32, #tpu.memory_space<hbm>>
        %dma_start3A_68 = tpu.memref_squeeze %dma_start3A_67 : memref<1x128x16xf32, #tpu.memory_space<hbm>> -> memref<128x16xf32, #tpu.memory_space<hbm>>
        %dma_start3A_69 = arith.constant 0 : i32
        %dma_start3A_70 = tpu.memref_slice %arg8[%add3A_65, %dma_start3A_69] : memref<10240x16xf32, #tpu.memory_space<vmem_shared>> -> memref<128x16xf32, #tpu.memory_space<vmem_shared>>
        tpu.enqueue_dma source(%dma_start3A_70 : memref<128x16xf32, #tpu.memory_space<vmem_shared>>) target(%dma_start3A_68 : memref<128x16xf32, #tpu.memory_space<hbm>>) target_semaphore(%run_scoped3A_66 : memref<!tpu.dma_semaphore, #tpu.memory_space<semaphore_mem>>)
        %dma_wait3A_71 = arith.constant 0 : i32
        %dma_wait3A_72 = tpu.memref_slice %arg3[%arg0, %add3A_65, %dma_wait3A_71] : memref<2x10240x16xf32, #tpu.memory_space<hbm>> -> memref<1x128x16xf32, #tpu.memory_space<hbm>>
        %dma_wait3A_73 = tpu.memref_squeeze %dma_wait3A_72 : memref<1x128x16xf32, #tpu.memory_space<hbm>> -> memref<128x16xf32, #tpu.memory_space<hbm>>
        %dma_wait3A_74 = arith.constant 0 : i32
        %dma_wait3A_75 = tpu.memref_slice %arg8[%add3A_65, %dma_wait3A_74] : memref<10240x16xf32, #tpu.memory_space<vmem_shared>> -> memref<128x16xf32, #tpu.memory_space<vmem_shared>>
        tpu.wait_dma2 semaphore(%run_scoped3A_66 : memref<!tpu.dma_semaphore, #tpu.memory_space<semaphore_mem>>) src(%dma_wait3A_75 : memref<128x16xf32, #tpu.memory_space<vmem_shared>>) dst(%dma_wait3A_73 : memref<128x16xf32, #tpu.memory_space<hbm>>)
        tpu.yield
      }) : () -> ()
    }
    %scan3A_59 = arith.constant 5 : i32
    return
  }
}

#map = affine_map<(d0, d1) -> (0, 0)>
#map1 = affine_map<(d0, d1) -> (0, 0, 0)>
module attributes {stable_mosaic.version = 14 : i64} {
  func.func @k(%arg0: i32, %arg1: i32, %arg2: memref<10240x32xf32, #tpu.memory_space<hbm>>, %arg3: memref<2x2500x128xi32, #tpu.memory_space<hbm>>, %arg4: memref<2x10240x32xf32, #tpu.memory_space<hbm>>, %arg5: memref<39x128xi32, #tpu.memory_space<vmem>>, %arg6: memref<39x128xi32, #tpu.memory_space<vmem>>, %arg7: memref<2x128xi32, #tpu.memory_space<vmem>>, %arg8: memref<6x128x32xf32, #tpu.memory_space<vmem>>, %arg9: memref<64x32xf32, #tpu.memory_space<vmem>>, %arg10: memref<10240x32xf32, #tpu.memory_space<vmem_shared>>, %arg11: memref<10240x32xf32, #tpu.memory_space<vmem_shared>>, %arg12: memref<6x!tpu.dma_semaphore, #tpu.memory_space<semaphore_mem>>, %arg13: memref<6x!tpu.dma_semaphore, #tpu.memory_space<semaphore_mem>>) attributes {dimension_semantics = [#tpu.dimension_semantics<core_parallel>, #tpu.dimension_semantics<subcore_parallel>], iteration_bounds = array<i64: 2, 16>, scalar_prefetch = 0 : i64, scratch_operands = 9 : i64, tpu.core_type = #tpu.core_type<sc_vector_subcore>, window_params = [{transform_indices = #map}, {transform_indices = #map1}, {transform_indices = #map1}]} {
    %mul3A = arith.constant 2 : i32
    %mul3A_0 = arith.muli %arg1, %mul3A : i32
    %add3A = arith.addi %mul3A_0, %arg0 : i32
    %broadcast_in_dim3A = arith.constant 0.000000e+00 : f32
    %broadcast_in_dim3A_1 = vector.broadcast %broadcast_in_dim3A : f32 to vector<16xf32>
    %scan3A = arith.constant 0 : i32
    %scan3A_2 = arith.constant 128 : i32
    %scan3A_3 = arith.addi %scan3A, %scan3A_2 : i32
    %scan3A_4 = arith.constant 1 : i32
    scf.for %scan3A_228 = %scan3A to %scan3A_3 step %scan3A_4  : i32 {
      %jit3A = arith.constant 2 : i32
      %div3A = arith.divsi %scan3A_228, %jit3A : i32
      %sign3A = arith.constant 0 : i32
      %sign3A_229 = arith.cmpi sgt, %scan3A_228, %sign3A : i32
      %sign3A_230 = arith.extui %sign3A_229 : i1 to i32
      %sign3A_231 = arith.constant 0 : i32
      %sign3A_232 = arith.cmpi slt, %scan3A_228, %sign3A_231 : i32
      %sign3A_233 = arith.extui %sign3A_232 : i1 to i32
      %sign3A_234 = arith.subi %sign3A_230, %sign3A_233 : i32
      %sign3A_235 = arith.constant 0 : i32
      %sign3A_236 = arith.cmpi sgt, %jit3A, %sign3A_235 : i32
      %sign3A_237 = arith.extui %sign3A_236 : i1 to i32
      %sign3A_238 = arith.constant 0 : i32
      %sign3A_239 = arith.cmpi slt, %jit3A, %sign3A_238 : i32
      %sign3A_240 = arith.extui %sign3A_239 : i1 to i32
      %sign3A_241 = arith.subi %sign3A_237, %sign3A_240 : i32
      %ne3A = arith.cmpi ne, %sign3A_234, %sign3A_241 : i32
      %rem3A = arith.remsi %scan3A_228, %jit3A : i32
      %ne3A_242 = arith.constant 0 : i32
      %ne3A_243 = arith.cmpi ne, %rem3A, %ne3A_242 : i32
      %and3A = arith.andi %ne3A, %ne3A_243 : i1
      %sub3A = arith.constant 1 : i32
      %sub3A_244 = arith.subi %div3A, %sub3A : i32
      %select_n3A = arith.select %and3A, %sub3A_244, %div3A : i32
      %jit3A_245 = arith.constant 2 : i32
      %eq3A = arith.constant 0 : i32
      %eq3A_246 = arith.cmpi eq, %jit3A_245, %eq3A : i32
      %jit3A_247 = arith.constant 1 : i32
      %select_n3A_248 = arith.select %eq3A_246, %jit3A_247, %jit3A_245 : i32
      %rem3A_249 = arith.remsi %scan3A_228, %select_n3A_248 : i32
      %ne3A_250 = arith.constant 0 : i32
      %ne3A_251 = arith.cmpi ne, %rem3A_249, %ne3A_250 : i32
      %lt3A_252 = arith.constant 0 : i32
      %lt3A_253 = arith.cmpi slt, %rem3A_249, %lt3A_252 : i32
      %lt3A_254 = arith.constant 0 : i32
      %lt3A_255 = arith.cmpi slt, %select_n3A_248, %lt3A_254 : i32
      %ne3A_256 = arith.xori %lt3A_253, %lt3A_255 : i1
      %and3A_257 = arith.andi %ne3A_256, %ne3A_251 : i1
      %add3A_258 = arith.addi %rem3A_249, %select_n3A_248 : i32
      %select_n3A_259 = arith.select %and3A_257, %add3A_258, %rem3A_249 : i32
      %mul3A_260 = arith.constant 16 : i32
      %mul3A_261 = arith.muli %select_n3A_259, %mul3A_260 : i32
      %swap3A = arith.index_cast %select_n3A : i32 to index
      %swap3A_262 = arith.index_cast %mul3A_261 : i32 to index
      %swap3A_263 = tpu.vector_load %arg9[%swap3A, %swap3A_262] {strides = array<i32>} : memref<64x32xf32, #tpu.memory_space<vmem>>, vector<1x16xf32>,
      %swap3A_264 = vector.shape_cast %swap3A_263 : vector<1x16xf32> to vector<16xf32>
      %swap3A_265 = vector.shape_cast %broadcast_in_dim3A_1 : vector<16xf32> to vector<1x16xf32>
      tpu.vector_store %arg9[%swap3A, %swap3A_262], %swap3A_265 {strides = array<i32>} : memref<64x32xf32, #tpu.memory_space<vmem>>, vector<1x16xf32>,
    }
    %scan3A_5 = arith.constant 128 : i32
    %mul3A_6 = arith.constant 640 : i32
    %mul3A_7 = arith.muli %arg1, %mul3A_6 : i32
    "tpu.region"() ({
      %run_scoped3A_228 = tpu.sem_alloc : memref<!tpu.dma_semaphore, #tpu.memory_space<semaphore_mem>>
      %dma_start3A_229 = arith.constant 0 : i32
      %dma_start3A_230 = tpu.memref_slice %arg10[%mul3A_7, %dma_start3A_229] : memref<10240x32xf32, #tpu.memory_space<vmem_shared>> -> memref<640x32xf32, #tpu.memory_space<vmem_shared>>
      %dma_start3A_231 = arith.constant 0 : i32
      %dma_start3A_232 = tpu.memref_slice %arg2[%mul3A_7, %dma_start3A_231] : memref<10240x32xf32, #tpu.memory_space<hbm>> -> memref<640x32xf32, #tpu.memory_space<hbm>>
      tpu.enqueue_dma source(%dma_start3A_232 : memref<640x32xf32, #tpu.memory_space<hbm>>) target(%dma_start3A_230 : memref<640x32xf32, #tpu.memory_space<vmem_shared>>) target_semaphore(%run_scoped3A_228 : memref<!tpu.dma_semaphore, #tpu.memory_space<semaphore_mem>>)
      %dma_wait3A_233 = arith.constant 0 : i32
      %dma_wait3A_234 = tpu.memref_slice %arg10[%mul3A_7, %dma_wait3A_233] : memref<10240x32xf32, #tpu.memory_space<vmem_shared>> -> memref<640x32xf32, #tpu.memory_space<vmem_shared>>
      %dma_wait3A_235 = arith.constant 0 : i32
      %dma_wait3A_236 = tpu.memref_slice %arg2[%mul3A_7, %dma_wait3A_235] : memref<10240x32xf32, #tpu.memory_space<hbm>> -> memref<640x32xf32, #tpu.memory_space<hbm>>
      tpu.wait_dma2 semaphore(%run_scoped3A_228 : memref<!tpu.dma_semaphore, #tpu.memory_space<semaphore_mem>>) src(%dma_wait3A_236 : memref<640x32xf32, #tpu.memory_space<hbm>>) dst(%dma_wait3A_234 : memref<640x32xf32, #tpu.memory_space<vmem_shared>>)
      tpu.yield
    }) : () -> ()
    %scan3A_8 = arith.constant 0 : i32
    %scan3A_9 = arith.constant 10 : i32
    %scan3A_10 = arith.addi %scan3A_8, %scan3A_9 : i32
    %scan3A_11 = arith.constant 1 : i32
    scf.for %scan3A_228 = %scan3A_8 to %scan3A_10 step %scan3A_11  : i32 {
      %mul3A_229 = arith.constant 64 : i32
      %mul3A_230 = arith.muli %scan3A_228, %mul3A_229 : i32
      %add3A_231 = arith.addi %mul3A_7, %mul3A_230 : i32
      "tpu.region"() ({
        %run_scoped3A_232 = tpu.sem_alloc : memref<!tpu.dma_semaphore, #tpu.memory_space<semaphore_mem>>
        %dma_start3A_233 = arith.constant 0 : i32
        %dma_start3A_234 = tpu.memref_slice %arg11[%add3A_231, %dma_start3A_233] : memref<10240x32xf32, #tpu.memory_space<vmem_shared>> -> memref<64x32xf32, #tpu.memory_space<vmem_shared>>
        %dma_start3A_235 = arith.constant 0 : i32
        %dma_start3A_236 = tpu.memref_slice %arg11[%add3A_231, %dma_start3A_235] : memref<10240x32xf32, #tpu.memory_space<vmem_shared>> -> memref<64x32xf32, #tpu.memory_space<vmem_shared>>
        tpu.enqueue_dma source(%arg9 : memref<64x32xf32, #tpu.memory_space<vmem>>) target(%dma_start3A_236 : memref<64x32xf32, #tpu.memory_space<vmem_shared>>) target_semaphore(%run_scoped3A_232 : memref<!tpu.dma_semaphore, #tpu.memory_space<semaphore_mem>>)
        %dma_wait3A_237 = arith.constant 0 : i32
        %dma_wait3A_238 = tpu.memref_slice %arg11[%add3A_231, %dma_wait3A_237] : memref<10240x32xf32, #tpu.memory_space<vmem_shared>> -> memref<64x32xf32, #tpu.memory_space<vmem_shared>>
        %dma_wait3A_239 = arith.constant 0 : i32
        %dma_wait3A_240 = tpu.memref_slice %arg11[%add3A_231, %dma_wait3A_239] : memref<10240x32xf32, #tpu.memory_space<vmem_shared>> -> memref<64x32xf32, #tpu.memory_space<vmem_shared>>
        tpu.wait_dma2 semaphore(%run_scoped3A_232 : memref<!tpu.dma_semaphore, #tpu.memory_space<semaphore_mem>>) src(%arg9 : memref<64x32xf32, #tpu.memory_space<vmem>>) dst(%dma_wait3A_240 : memref<64x32xf32, #tpu.memory_space<vmem_shared>>)
        tpu.yield
      }) : () -> ()
    }
    %scan3A_12 = arith.constant 10 : i32
    %barrier3A = arith.constant 0 : index
    tpu.barrier barrier_id(%barrier3A)
    %mul3A_13 = arith.constant 78 : i32
    %mul3A_14 = arith.muli %add3A, %mul3A_13 : i32
    %add3A_15 = arith.constant 0 : i32
    %add3A_16 = arith.addi %mul3A_14, %add3A_15 : i32
    %run_scoped3A = arith.constant 0 : i32
    "tpu.region"() ({
      %run_scoped3A_228 = tpu.sem_alloc : memref<!tpu.dma_semaphore, #tpu.memory_space<semaphore_mem>>
      %dma_start3A_229 = arith.constant 0 : i32
      %dma_start3A_230 = arith.constant 0 : i32
      %dma_start3A_231 = tpu.memref_slice %arg5[%dma_start3A_229, %dma_start3A_230] : memref<39x128xi32, #tpu.memory_space<vmem>> -> memref<39x128xi32, #tpu.memory_space<vmem>>
      %dma_start3A_232 = arith.constant 0 : i32
      %dma_start3A_233 = tpu.memref_slice %arg3[%run_scoped3A, %add3A_16, %dma_start3A_232] : memref<2x2500x128xi32, #tpu.memory_space<hbm>> -> memref<1x39x128xi32, #tpu.memory_space<hbm>>
      %dma_start3A_234 = tpu.memref_squeeze %dma_start3A_233 : memref<1x39x128xi32, #tpu.memory_space<hbm>> -> memref<39x128xi32, #tpu.memory_space<hbm>>
      %dma_start3A_235 = arith.constant 0 : i32
      %dma_start3A_236 = arith.constant 0 : i32
      %dma_start3A_237 = tpu.memref_slice %arg5[%dma_start3A_235, %dma_start3A_236] : memref<39x128xi32, #tpu.memory_space<vmem>> -> memref<39x128xi32, #tpu.memory_space<vmem>>
      %dma_start3A_238 = arith.constant 0 : i32
      %dma_start3A_239 = tpu.memref_slice %arg3[%run_scoped3A, %add3A_16, %dma_start3A_238] : memref<2x2500x128xi32, #tpu.memory_space<hbm>> -> memref<1x39x128xi32, #tpu.memory_space<hbm>>
      %dma_start3A_240 = tpu.memref_squeeze %dma_start3A_239 : memref<1x39x128xi32, #tpu.memory_space<hbm>> -> memref<39x128xi32, #tpu.memory_space<hbm>>
      tpu.enqueue_dma source(%dma_start3A_240 : memref<39x128xi32, #tpu.memory_space<hbm>>) target(%dma_start3A_237 : memref<39x128xi32, #tpu.memory_space<vmem>>) target_semaphore(%run_scoped3A_228 : memref<!tpu.dma_semaphore, #tpu.memory_space<semaphore_mem>>)
      %dma_wait3A_241 = arith.constant 0 : i32
      %dma_wait3A_242 = arith.constant 0 : i32
      %dma_wait3A_243 = tpu.memref_slice %arg5[%dma_wait3A_241, %dma_wait3A_242] : memref<39x128xi32, #tpu.memory_space<vmem>> -> memref<39x128xi32, #tpu.memory_space<vmem>>
      %dma_wait3A_244 = arith.constant 0 : i32
      %dma_wait3A_245 = tpu.memref_slice %arg3[%run_scoped3A, %add3A_16, %dma_wait3A_244] : memref<2x2500x128xi32, #tpu.memory_space<hbm>> -> memref<1x39x128xi32, #tpu.memory_space<hbm>>
      %dma_wait3A_246 = tpu.memref_squeeze %dma_wait3A_245 : memref<1x39x128xi32, #tpu.memory_space<hbm>> -> memref<39x128xi32, #tpu.memory_space<hbm>>
      %dma_wait3A_247 = arith.constant 0 : i32
      %dma_wait3A_248 = arith.constant 0 : i32
      %dma_wait3A_249 = tpu.memref_slice %arg5[%dma_wait3A_247, %dma_wait3A_248] : memref<39x128xi32, #tpu.memory_space<vmem>> -> memref<39x128xi32, #tpu.memory_space<vmem>>
      %dma_wait3A_250 = arith.constant 0 : i32
      %dma_wait3A_251 = tpu.memref_slice %arg3[%run_scoped3A, %add3A_16, %dma_wait3A_250] : memref<2x2500x128xi32, #tpu.memory_space<hbm>> -> memref<1x39x128xi32, #tpu.memory_space<hbm>>
      %dma_wait3A_252 = tpu.memref_squeeze %dma_wait3A_251 : memref<1x39x128xi32, #tpu.memory_space<hbm>> -> memref<39x128xi32, #tpu.memory_space<hbm>>
      tpu.wait_dma2 semaphore(%run_scoped3A_228 : memref<!tpu.dma_semaphore, #tpu.memory_space<semaphore_mem>>) src(%dma_wait3A_252 : memref<39x128xi32, #tpu.memory_space<hbm>>) dst(%dma_wait3A_249 : memref<39x128xi32, #tpu.memory_space<vmem>>)
      tpu.yield
    }) : () -> ()
    %mul3A_17 = arith.constant 78 : i32
    %mul3A_18 = arith.muli %add3A, %mul3A_17 : i32
    %add3A_19 = arith.constant 0 : i32
    %add3A_20 = arith.addi %mul3A_18, %add3A_19 : i32
    %run_scoped3A_21 = arith.constant 1 : i32
    "tpu.region"() ({
      %run_scoped3A_228 = tpu.sem_alloc : memref<!tpu.dma_semaphore, #tpu.memory_space<semaphore_mem>>
      %dma_start3A_229 = arith.constant 0 : i32
      %dma_start3A_230 = arith.constant 0 : i32
      %dma_start3A_231 = tpu.memref_slice %arg6[%dma_start3A_229, %dma_start3A_230] : memref<39x128xi32, #tpu.memory_space<vmem>> -> memref<39x128xi32, #tpu.memory_space<vmem>>
      %dma_start3A_232 = arith.constant 0 : i32
      %dma_start3A_233 = tpu.memref_slice %arg3[%run_scoped3A_21, %add3A_20, %dma_start3A_232] : memref<2x2500x128xi32, #tpu.memory_space<hbm>> -> memref<1x39x128xi32, #tpu.memory_space<hbm>>
      %dma_start3A_234 = tpu.memref_squeeze %dma_start3A_233 : memref<1x39x128xi32, #tpu.memory_space<hbm>> -> memref<39x128xi32, #tpu.memory_space<hbm>>
      %dma_start3A_235 = arith.constant 0 : i32
      %dma_start3A_236 = arith.constant 0 : i32
      %dma_start3A_237 = tpu.memref_slice %arg6[%dma_start3A_235, %dma_start3A_236] : memref<39x128xi32, #tpu.memory_space<vmem>> -> memref<39x128xi32, #tpu.memory_space<vmem>>
      %dma_start3A_238 = arith.constant 0 : i32
      %dma_start3A_239 = tpu.memref_slice %arg3[%run_scoped3A_21, %add3A_20, %dma_start3A_238] : memref<2x2500x128xi32, #tpu.memory_space<hbm>> -> memref<1x39x128xi32, #tpu.memory_space<hbm>>
      %dma_start3A_240 = tpu.memref_squeeze %dma_start3A_239 : memref<1x39x128xi32, #tpu.memory_space<hbm>> -> memref<39x128xi32, #tpu.memory_space<hbm>>
      tpu.enqueue_dma source(%dma_start3A_240 : memref<39x128xi32, #tpu.memory_space<hbm>>) target(%dma_start3A_237 : memref<39x128xi32, #tpu.memory_space<vmem>>) target_semaphore(%run_scoped3A_228 : memref<!tpu.dma_semaphore, #tpu.memory_space<semaphore_mem>>)
      %dma_wait3A_241 = arith.constant 0 : i32
      %dma_wait3A_242 = arith.constant 0 : i32
      %dma_wait3A_243 = tpu.memref_slice %arg6[%dma_wait3A_241, %dma_wait3A_242] : memref<39x128xi32, #tpu.memory_space<vmem>> -> memref<39x128xi32, #tpu.memory_space<vmem>>
      %dma_wait3A_244 = arith.constant 0 : i32
      %dma_wait3A_245 = tpu.memref_slice %arg3[%run_scoped3A_21, %add3A_20, %dma_wait3A_244] : memref<2x2500x128xi32, #tpu.memory_space<hbm>> -> memref<1x39x128xi32, #tpu.memory_space<hbm>>
      %dma_wait3A_246 = tpu.memref_squeeze %dma_wait3A_245 : memref<1x39x128xi32, #tpu.memory_space<hbm>> -> memref<39x128xi32, #tpu.memory_space<hbm>>
      %dma_wait3A_247 = arith.constant 0 : i32
      %dma_wait3A_248 = arith.constant 0 : i32
      %dma_wait3A_249 = tpu.memref_slice %arg6[%dma_wait3A_247, %dma_wait3A_248] : memref<39x128xi32, #tpu.memory_space<vmem>> -> memref<39x128xi32, #tpu.memory_space<vmem>>
      %dma_wait3A_250 = arith.constant 0 : i32
      %dma_wait3A_251 = tpu.memref_slice %arg3[%run_scoped3A_21, %add3A_20, %dma_wait3A_250] : memref<2x2500x128xi32, #tpu.memory_space<hbm>> -> memref<1x39x128xi32, #tpu.memory_space<hbm>>
      %dma_wait3A_252 = tpu.memref_squeeze %dma_wait3A_251 : memref<1x39x128xi32, #tpu.memory_space<hbm>> -> memref<39x128xi32, #tpu.memory_space<hbm>>
      tpu.wait_dma2 semaphore(%run_scoped3A_228 : memref<!tpu.dma_semaphore, #tpu.memory_space<semaphore_mem>>) src(%dma_wait3A_252 : memref<39x128xi32, #tpu.memory_space<hbm>>) dst(%dma_wait3A_249 : memref<39x128xi32, #tpu.memory_space<vmem>>)
      tpu.yield
    }) : () -> ()
    %dma_start3A = arith.constant 0 : i32
    %dma_start3A_22 = arith.constant 0 : i32
    %dma_start3A_23 = arith.constant 0 : i32
    %dma_start3A_24 = arith.constant 0 : i32
    %dma_start3A_25 = arith.constant 0 : i32
    %dma_start3A_26 = tpu.memref_slice %arg8[%dma_start3A_22, %dma_start3A_24, %dma_start3A_25] : memref<6x128x32xf32, #tpu.memory_space<vmem>> -> memref<1x128x32xf32, #tpu.memory_space<vmem>>
    %dma_start3A_27 = tpu.memref_squeeze %dma_start3A_26 : memref<1x128x32xf32, #tpu.memory_space<vmem>> -> memref<128x32xf32, #tpu.memory_space<vmem>>
    %dma_start3A_28 = arith.constant 0 : i32
    %dma_start3A_29 = tpu.memref_slice %arg5[%dma_start3A, %dma_start3A_28] : memref<39x128xi32, #tpu.memory_space<vmem>> -> memref<1x128xi32, #tpu.memory_space<vmem>>
    %dma_start3A_30 = tpu.memref_squeeze %dma_start3A_29 : memref<1x128xi32, #tpu.memory_space<vmem>> -> memref<128xi32, #tpu.memory_space<vmem>>
    %dma_start3A_31 = arith.constant 0 : i32
    %dma_start3A_32 = arith.constant 0 : i32
    %dma_start3A_33 = tpu.memref_slice %arg10[%dma_start3A_31, %dma_start3A_32] : memref<10240x32xf32, #tpu.memory_space<vmem_shared>> -> memref<10240x32xf32, #tpu.memory_space<vmem_shared>>
    %dma_start3A_34 = tpu.memref_slice %arg12[%dma_start3A_23] : memref<6x!tpu.dma_semaphore, #tpu.memory_space<semaphore_mem>> -> memref<1x!tpu.dma_semaphore, #tpu.memory_space<semaphore_mem>>
    %dma_start3A_35 = tpu.memref_squeeze %dma_start3A_34 : memref<1x!tpu.dma_semaphore, #tpu.memory_space<semaphore_mem>> -> memref<!tpu.dma_semaphore, #tpu.memory_space<semaphore_mem>>
    tpu.enqueue_indirect_dma source(%dma_start3A_33 : memref<10240x32xf32, #tpu.memory_space<vmem_shared>>) target(%dma_start3A_27 : memref<128x32xf32, #tpu.memory_space<vmem>>) offsets(%dma_start3A_30 : memref<128xi32, #tpu.memory_space<vmem>>) semaphore(%dma_start3A_35 : memref<!tpu.dma_semaphore, #tpu.memory_space<semaphore_mem>>)
    %dma_start3A_36 = arith.constant 1 : i32
    %dma_start3A_37 = arith.constant 1 : i32
    %dma_start3A_38 = arith.constant 1 : i32
    %dma_start3A_39 = arith.constant 0 : i32
    %dma_start3A_40 = arith.constant 0 : i32
    %dma_start3A_41 = tpu.memref_slice %arg8[%dma_start3A_37, %dma_start3A_39, %dma_start3A_40] : memref<6x128x32xf32, #tpu.memory_space<vmem>> -> memref<1x128x32xf32, #tpu.memory_space<vmem>>
    %dma_start3A_42 = tpu.memref_squeeze %dma_start3A_41 : memref<1x128x32xf32, #tpu.memory_space<vmem>> -> memref<128x32xf32, #tpu.memory_space<vmem>>
    %dma_start3A_43 = arith.constant 0 : i32
    %dma_start3A_44 = tpu.memref_slice %arg5[%dma_start3A_36, %dma_start3A_43] : memref<39x128xi32, #tpu.memory_space<vmem>> -> memref<1x128xi32, #tpu.memory_space<vmem>>
    %dma_start3A_45 = tpu.memref_squeeze %dma_start3A_44 : memref<1x128xi32, #tpu.memory_space<vmem>> -> memref<128xi32, #tpu.memory_space<vmem>>
    %dma_start3A_46 = arith.constant 0 : i32
    %dma_start3A_47 = arith.constant 0 : i32
    %dma_start3A_48 = tpu.memref_slice %arg10[%dma_start3A_46, %dma_start3A_47] : memref<10240x32xf32, #tpu.memory_space<vmem_shared>> -> memref<10240x32xf32, #tpu.memory_space<vmem_shared>>
    %dma_start3A_49 = tpu.memref_slice %arg12[%dma_start3A_38] : memref<6x!tpu.dma_semaphore, #tpu.memory_space<semaphore_mem>> -> memref<1x!tpu.dma_semaphore, #tpu.memory_space<semaphore_mem>>
    %dma_start3A_50 = tpu.memref_squeeze %dma_start3A_49 : memref<1x!tpu.dma_semaphore, #tpu.memory_space<semaphore_mem>> -> memref<!tpu.dma_semaphore, #tpu.memory_space<semaphore_mem>>
    tpu.enqueue_indirect_dma source(%dma_start3A_48 : memref<10240x32xf32, #tpu.memory_space<vmem_shared>>) target(%dma_start3A_42 : memref<128x32xf32, #tpu.memory_space<vmem>>) offsets(%dma_start3A_45 : memref<128xi32, #tpu.memory_space<vmem>>) semaphore(%dma_start3A_50 : memref<!tpu.dma_semaphore, #tpu.memory_space<semaphore_mem>>)
    %dma_start3A_51 = arith.constant 2 : i32
    %dma_start3A_52 = arith.constant 2 : i32
    %dma_start3A_53 = arith.constant 2 : i32
    %dma_start3A_54 = arith.constant 0 : i32
    %dma_start3A_55 = arith.constant 0 : i32
    %dma_start3A_56 = tpu.memref_slice %arg8[%dma_start3A_52, %dma_start3A_54, %dma_start3A_55] : memref<6x128x32xf32, #tpu.memory_space<vmem>> -> memref<1x128x32xf32, #tpu.memory_space<vmem>>
    %dma_start3A_57 = tpu.memref_squeeze %dma_start3A_56 : memref<1x128x32xf32, #tpu.memory_space<vmem>> -> memref<128x32xf32, #tpu.memory_space<vmem>>
    %dma_start3A_58 = arith.constant 0 : i32
    %dma_start3A_59 = tpu.memref_slice %arg5[%dma_start3A_51, %dma_start3A_58] : memref<39x128xi32, #tpu.memory_space<vmem>> -> memref<1x128xi32, #tpu.memory_space<vmem>>
    %dma_start3A_60 = tpu.memref_squeeze %dma_start3A_59 : memref<1x128xi32, #tpu.memory_space<vmem>> -> memref<128xi32, #tpu.memory_space<vmem>>
    %dma_start3A_61 = arith.constant 0 : i32
    %dma_start3A_62 = arith.constant 0 : i32
    %dma_start3A_63 = tpu.memref_slice %arg10[%dma_start3A_61, %dma_start3A_62] : memref<10240x32xf32, #tpu.memory_space<vmem_shared>> -> memref<10240x32xf32, #tpu.memory_space<vmem_shared>>
    %dma_start3A_64 = tpu.memref_slice %arg12[%dma_start3A_53] : memref<6x!tpu.dma_semaphore, #tpu.memory_space<semaphore_mem>> -> memref<1x!tpu.dma_semaphore, #tpu.memory_space<semaphore_mem>>
    %dma_start3A_65 = tpu.memref_squeeze %dma_start3A_64 : memref<1x!tpu.dma_semaphore, #tpu.memory_space<semaphore_mem>> -> memref<!tpu.dma_semaphore, #tpu.memory_space<semaphore_mem>>
    tpu.enqueue_indirect_dma source(%dma_start3A_63 : memref<10240x32xf32, #tpu.memory_space<vmem_shared>>) target(%dma_start3A_57 : memref<128x32xf32, #tpu.memory_space<vmem>>) offsets(%dma_start3A_60 : memref<128xi32, #tpu.memory_space<vmem>>) semaphore(%dma_start3A_65 : memref<!tpu.dma_semaphore, #tpu.memory_space<semaphore_mem>>)
    %scan3A_66 = arith.constant 0 : i32
    %scan3A_67 = arith.constant 39 : i32
    %scan3A_68 = arith.addi %scan3A_66, %scan3A_67 : i32
    %scan3A_69 = arith.constant 1 : i32
    scf.for %scan3A_228 = %scan3A_66 to %scan3A_68 step %scan3A_69  : i32 {
      %rem3A = arith.constant 6 : i32
      %rem3A_229 = arith.remsi %scan3A_228, %rem3A : i32
      %dma_wait3A_230 = arith.constant 0 : i32
      %dma_wait3A_231 = arith.constant 0 : i32
      %dma_wait3A_232 = tpu.memref_slice %arg8[%rem3A_229, %dma_wait3A_230, %dma_wait3A_231] : memref<6x128x32xf32, #tpu.memory_space<vmem>> -> memref<1x128x32xf32, #tpu.memory_space<vmem>>
      %dma_wait3A_233 = tpu.memref_squeeze %dma_wait3A_232 : memref<1x128x32xf32, #tpu.memory_space<vmem>> -> memref<128x32xf32, #tpu.memory_space<vmem>>
      %dma_wait3A_234 = arith.constant 0 : i32
      %dma_wait3A_235 = tpu.memref_slice %arg5[%scan3A_228, %dma_wait3A_234] : memref<39x128xi32, #tpu.memory_space<vmem>> -> memref<1x128xi32, #tpu.memory_space<vmem>>
      %dma_wait3A_236 = tpu.memref_squeeze %dma_wait3A_235 : memref<1x128xi32, #tpu.memory_space<vmem>> -> memref<128xi32, #tpu.memory_space<vmem>>
      %dma_wait3A_237 = arith.constant 0 : i32
      %dma_wait3A_238 = arith.constant 0 : i32
      %dma_wait3A_239 = tpu.memref_slice %arg10[%dma_wait3A_237, %dma_wait3A_238] : memref<10240x32xf32, #tpu.memory_space<vmem_shared>> -> memref<10240x32xf32, #tpu.memory_space<vmem_shared>>
      %dma_wait3A_240 = tpu.memref_slice %arg12[%rem3A_229] : memref<6x!tpu.dma_semaphore, #tpu.memory_space<semaphore_mem>> -> memref<1x!tpu.dma_semaphore, #tpu.memory_space<semaphore_mem>>
      %dma_wait3A_241 = tpu.memref_squeeze %dma_wait3A_240 : memref<1x!tpu.dma_semaphore, #tpu.memory_space<semaphore_mem>> -> memref<!tpu.dma_semaphore, #tpu.memory_space<semaphore_mem>>
      tpu.wait_indirect_dma semaphore(%dma_wait3A_241 : memref<!tpu.dma_semaphore, #tpu.memory_space<semaphore_mem>>) src(%dma_wait3A_239 : memref<10240x32xf32, #tpu.memory_space<vmem_shared>>) dst(%dma_wait3A_233 : memref<128x32xf32, #tpu.memory_space<vmem>>)
      %dma_start3A_242 = arith.constant 0 : i32
      %dma_start3A_243 = arith.constant 0 : i32
      %dma_start3A_244 = tpu.memref_slice %arg8[%rem3A_229, %dma_start3A_242, %dma_start3A_243] : memref<6x128x32xf32, #tpu.memory_space<vmem>> -> memref<1x128x32xf32, #tpu.memory_space<vmem>>
      %dma_start3A_245 = tpu.memref_squeeze %dma_start3A_244 : memref<1x128x32xf32, #tpu.memory_space<vmem>> -> memref<128x32xf32, #tpu.memory_space<vmem>>
      %dma_start3A_246 = arith.constant 0 : i32
      %dma_start3A_247 = tpu.memref_slice %arg6[%scan3A_228, %dma_start3A_246] : memref<39x128xi32, #tpu.memory_space<vmem>> -> memref<1x128xi32, #tpu.memory_space<vmem>>
      %dma_start3A_248 = tpu.memref_squeeze %dma_start3A_247 : memref<1x128xi32, #tpu.memory_space<vmem>> -> memref<128xi32, #tpu.memory_space<vmem>>
      %dma_start3A_249 = arith.constant 0 : i32
      %dma_start3A_250 = arith.constant 0 : i32
      %dma_start3A_251 = tpu.memref_slice %arg11[%dma_start3A_249, %dma_start3A_250] : memref<10240x32xf32, #tpu.memory_space<vmem_shared>> -> memref<10240x32xf32, #tpu.memory_space<vmem_shared>>
      %dma_start3A_252 = tpu.memref_slice %arg13[%rem3A_229] : memref<6x!tpu.dma_semaphore, #tpu.memory_space<semaphore_mem>> -> memref<1x!tpu.dma_semaphore, #tpu.memory_space<semaphore_mem>>
      %dma_start3A_253 = tpu.memref_squeeze %dma_start3A_252 : memref<1x!tpu.dma_semaphore, #tpu.memory_space<semaphore_mem>> -> memref<!tpu.dma_semaphore, #tpu.memory_space<semaphore_mem>>
      tpu.enqueue_indirect_dma source(%dma_start3A_245 : memref<128x32xf32, #tpu.memory_space<vmem>>) target(%dma_start3A_251 : memref<10240x32xf32, #tpu.memory_space<vmem_shared>>) offsets(%dma_start3A_248 : memref<128xi32, #tpu.memory_space<vmem>>) semaphore(%dma_start3A_253 : memref<!tpu.dma_semaphore, #tpu.memory_space<semaphore_mem>>) {add = true}
      %ge3A = arith.constant 3 : i32
      %ge3A_254 = arith.cmpi sge, %scan3A_228, %ge3A : i32
      %convert_element_type3A_255 = arith.extui %ge3A_254 : i1 to i32
      %cond3A_256 = arith.constant 0 : i32
      %cond3A_257 = arith.cmpi ne, %convert_element_type3A_255, %cond3A_256 : i32
      scf.if %cond3A_257 {
        %sub3A_266 = arith.constant 3 : i32
        %sub3A_267 = arith.subi %scan3A_228, %sub3A_266 : i32
        %rem3A_268 = arith.constant 6 : i32
        %rem3A_269 = arith.remsi %sub3A_267, %rem3A_268 : i32
        %sub3A_270 = arith.constant 3 : i32
        %sub3A_271 = arith.subi %scan3A_228, %sub3A_270 : i32
        %dma_wait3A_272 = arith.constant 0 : i32
        %dma_wait3A_273 = arith.constant 0 : i32
        %dma_wait3A_274 = tpu.memref_slice %arg8[%rem3A_269, %dma_wait3A_272, %dma_wait3A_273] : memref<6x128x32xf32, #tpu.memory_space<vmem>> -> memref<1x128x32xf32, #tpu.memory_space<vmem>>
        %dma_wait3A_275 = tpu.memref_squeeze %dma_wait3A_274 : memref<1x128x32xf32, #tpu.memory_space<vmem>> -> memref<128x32xf32, #tpu.memory_space<vmem>>
        %dma_wait3A_276 = arith.constant 0 : i32
        %dma_wait3A_277 = tpu.memref_slice %arg6[%sub3A_271, %dma_wait3A_276] : memref<39x128xi32, #tpu.memory_space<vmem>> -> memref<1x128xi32, #tpu.memory_space<vmem>>
        %dma_wait3A_278 = tpu.memref_squeeze %dma_wait3A_277 : memref<1x128xi32, #tpu.memory_space<vmem>> -> memref<128xi32, #tpu.memory_space<vmem>>
        %dma_wait3A_279 = arith.constant 0 : i32
        %dma_wait3A_280 = arith.constant 0 : i32
        %dma_wait3A_281 = tpu.memref_slice %arg11[%dma_wait3A_279, %dma_wait3A_280] : memref<10240x32xf32, #tpu.memory_space<vmem_shared>> -> memref<10240x32xf32, #tpu.memory_space<vmem_shared>>
        %dma_wait3A_282 = tpu.memref_slice %arg13[%rem3A_269] : memref<6x!tpu.dma_semaphore, #tpu.memory_space<semaphore_mem>> -> memref<1x!tpu.dma_semaphore, #tpu.memory_space<semaphore_mem>>
        %dma_wait3A_283 = tpu.memref_squeeze %dma_wait3A_282 : memref<1x!tpu.dma_semaphore, #tpu.memory_space<semaphore_mem>> -> memref<!tpu.dma_semaphore, #tpu.memory_space<semaphore_mem>>
        tpu.wait_indirect_dma semaphore(%dma_wait3A_283 : memref<!tpu.dma_semaphore, #tpu.memory_space<semaphore_mem>>) src(%dma_wait3A_275 : memref<128x32xf32, #tpu.memory_space<vmem>>) dst(%dma_wait3A_281 : memref<10240x32xf32, #tpu.memory_space<vmem_shared>>)
      } else {
      }
      %add3A_258 = arith.constant 6 : i32
      %add3A_259 = arith.addi %scan3A_228, %add3A_258 : i32
      %sub3A = arith.constant 3 : i32
      %sub3A_260 = arith.subi %add3A_259, %sub3A : i32
      %lt3A_261 = arith.constant 39 : i32
      %lt3A_262 = arith.cmpi slt, %sub3A_260, %lt3A_261 : i32
      %convert_element_type3A_263 = arith.extui %lt3A_262 : i1 to i32
      %cond3A_264 = arith.constant 0 : i32
      %cond3A_265 = arith.cmpi ne, %convert_element_type3A_263, %cond3A_264 : i32
      scf.if %cond3A_265 {
        %add3A_266 = arith.constant 6 : i32
        %add3A_267 = arith.addi %scan3A_228, %add3A_266 : i32
        %sub3A_268 = arith.constant 3 : i32
        %sub3A_269 = arith.subi %add3A_267, %sub3A_268 : i32
        %rem3A_270 = arith.constant 6 : i32
        %rem3A_271 = arith.remsi %sub3A_269, %rem3A_270 : i32
        %add3A_272 = arith.constant 6 : i32
        %add3A_273 = arith.addi %scan3A_228, %add3A_272 : i32
        %sub3A_274 = arith.constant 3 : i32
        %sub3A_275 = arith.subi %add3A_273, %sub3A_274 : i32
        %dma_start3A_276 = arith.constant 0 : i32
        %dma_start3A_277 = arith.constant 0 : i32
        %dma_start3A_278 = tpu.memref_slice %arg8[%rem3A_271, %dma_start3A_276, %dma_start3A_277] : memref<6x128x32xf32, #tpu.memory_space<vmem>> -> memref<1x128x32xf32, #tpu.memory_space<vmem>>
        %dma_start3A_279 = tpu.memref_squeeze %dma_start3A_278 : memref<1x128x32xf32, #tpu.memory_space<vmem>> -> memref<128x32xf32, #tpu.memory_space<vmem>>
        %dma_start3A_280 = arith.constant 0 : i32
        %dma_start3A_281 = tpu.memref_slice %arg5[%sub3A_275, %dma_start3A_280] : memref<39x128xi32, #tpu.memory_space<vmem>> -> memref<1x128xi32, #tpu.memory_space<vmem>>
        %dma_start3A_282 = tpu.memref_squeeze %dma_start3A_281 : memref<1x128xi32, #tpu.memory_space<vmem>> -> memref<128xi32, #tpu.memory_space<vmem>>
        %dma_start3A_283 = arith.constant 0 : i32
        %dma_start3A_284 = arith.constant 0 : i32
        %dma_start3A_285 = tpu.memref_slice %arg10[%dma_start3A_283, %dma_start3A_284] : memref<10240x32xf32, #tpu.memory_space<vmem_shared>> -> memref<10240x32xf32, #tpu.memory_space<vmem_shared>>
        %dma_start3A_286 = tpu.memref_slice %arg12[%rem3A_271] : memref<6x!tpu.dma_semaphore, #tpu.memory_space<semaphore_mem>> -> memref<1x!tpu.dma_semaphore, #tpu.memory_space<semaphore_mem>>
        %dma_start3A_287 = tpu.memref_squeeze %dma_start3A_286 : memref<1x!tpu.dma_semaphore, #tpu.memory_space<semaphore_mem>> -> memref<!tpu.dma_semaphore, #tpu.memory_space<semaphore_mem>>
        tpu.enqueue_indirect_dma source(%dma_start3A_285 : memref<10240x32xf32, #tpu.memory_space<vmem_shared>>) target(%dma_start3A_279 : memref<128x32xf32, #tpu.memory_space<vmem>>) offsets(%dma_start3A_282 : memref<128xi32, #tpu.memory_space<vmem>>) semaphore(%dma_start3A_287 : memref<!tpu.dma_semaphore, #tpu.memory_space<semaphore_mem>>)
      } else {
      }
    }
    %scan3A_70 = arith.constant 39 : i32
    %dma_wait3A = arith.constant 0 : i32
    %dma_wait3A_71 = arith.constant 36 : i32
    %dma_wait3A_72 = arith.constant 0 : i32
    %dma_wait3A_73 = arith.constant 0 : i32
    %dma_wait3A_74 = arith.constant 0 : i32
    %dma_wait3A_75 = tpu.memref_slice %arg8[%dma_wait3A, %dma_wait3A_73, %dma_wait3A_74] : memref<6x128x32xf32, #tpu.memory_space<vmem>> -> memref<1x128x32xf32, #tpu.memory_space<vmem>>
    %dma_wait3A_76 = tpu.memref_squeeze %dma_wait3A_75 : memref<1x128x32xf32, #tpu.memory_space<vmem>> -> memref<128x32xf32, #tpu.memory_space<vmem>>
    %dma_wait3A_77 = arith.constant 0 : i32
    %dma_wait3A_78 = tpu.memref_slice %arg6[%dma_wait3A_71, %dma_wait3A_77] : memref<39x128xi32, #tpu.memory_space<vmem>> -> memref<1x128xi32, #tpu.memory_space<vmem>>
    %dma_wait3A_79 = tpu.memref_squeeze %dma_wait3A_78 : memref<1x128xi32, #tpu.memory_space<vmem>> -> memref<128xi32, #tpu.memory_space<vmem>>
    %dma_wait3A_80 = arith.constant 0 : i32
    %dma_wait3A_81 = arith.constant 0 : i32
    %dma_wait3A_82 = tpu.memref_slice %arg11[%dma_wait3A_80, %dma_wait3A_81] : memref<10240x32xf32, #tpu.memory_space<vmem_shared>> -> memref<10240x32xf32, #tpu.memory_space<vmem_shared>>
    %dma_wait3A_83 = tpu.memref_slice %arg13[%dma_wait3A_72] : memref<6x!tpu.dma_semaphore, #tpu.memory_space<semaphore_mem>> -> memref<1x!tpu.dma_semaphore, #tpu.memory_space<semaphore_mem>>
    %dma_wait3A_84 = tpu.memref_squeeze %dma_wait3A_83 : memref<1x!tpu.dma_semaphore, #tpu.memory_space<semaphore_mem>> -> memref<!tpu.dma_semaphore, #tpu.memory_space<semaphore_mem>>
    tpu.wait_indirect_dma semaphore(%dma_wait3A_84 : memref<!tpu.dma_semaphore, #tpu.memory_space<semaphore_mem>>) src(%dma_wait3A_76 : memref<128x32xf32, #tpu.memory_space<vmem>>) dst(%dma_wait3A_82 : memref<10240x32xf32, #tpu.memory_space<vmem_shared>>)
    %dma_wait3A_85 = arith.constant 1 : i32
    %dma_wait3A_86 = arith.constant 37 : i32
    %dma_wait3A_87 = arith.constant 1 : i32
    %dma_wait3A_88 = arith.constant 0 : i32
    %dma_wait3A_89 = arith.constant 0 : i32
    %dma_wait3A_90 = tpu.memref_slice %arg8[%dma_wait3A_85, %dma_wait3A_88, %dma_wait3A_89] : memref<6x128x32xf32, #tpu.memory_space<vmem>> -> memref<1x128x32xf32, #tpu.memory_space<vmem>>
    %dma_wait3A_91 = tpu.memref_squeeze %dma_wait3A_90 : memref<1x128x32xf32, #tpu.memory_space<vmem>> -> memref<128x32xf32, #tpu.memory_space<vmem>>
    %dma_wait3A_92 = arith.constant 0 : i32
    %dma_wait3A_93 = tpu.memref_slice %arg6[%dma_wait3A_86, %dma_wait3A_92] : memref<39x128xi32, #tpu.memory_space<vmem>> -> memref<1x128xi32, #tpu.memory_space<vmem>>
    %dma_wait3A_94 = tpu.memref_squeeze %dma_wait3A_93 : memref<1x128xi32, #tpu.memory_space<vmem>> -> memref<128xi32, #tpu.memory_space<vmem>>
    %dma_wait3A_95 = arith.constant 0 : i32
    %dma_wait3A_96 = arith.constant 0 : i32
    %dma_wait3A_97 = tpu.memref_slice %arg11[%dma_wait3A_95, %dma_wait3A_96] : memref<10240x32xf32, #tpu.memory_space<vmem_shared>> -> memref<10240x32xf32, #tpu.memory_space<vmem_shared>>
    %dma_wait3A_98 = tpu.memref_slice %arg13[%dma_wait3A_87] : memref<6x!tpu.dma_semaphore, #tpu.memory_space<semaphore_mem>> -> memref<1x!tpu.dma_semaphore, #tpu.memory_space<semaphore_mem>>
    %dma_wait3A_99 = tpu.memref_squeeze %dma_wait3A_98 : memref<1x!tpu.dma_semaphore, #tpu.memory_space<semaphore_mem>> -> memref<!tpu.dma_semaphore, #tpu.memory_space<semaphore_mem>>
    tpu.wait_indirect_dma semaphore(%dma_wait3A_99 : memref<!tpu.dma_semaphore, #tpu.memory_space<semaphore_mem>>) src(%dma_wait3A_91 : memref<128x32xf32, #tpu.memory_space<vmem>>) dst(%dma_wait3A_97 : memref<10240x32xf32, #tpu.memory_space<vmem_shared>>)
    %dma_wait3A_100 = arith.constant 2 : i32
    %dma_wait3A_101 = arith.constant 38 : i32
    %dma_wait3A_102 = arith.constant 2 : i32
    %dma_wait3A_103 = arith.constant 0 : i32
    %dma_wait3A_104 = arith.constant 0 : i32
    %dma_wait3A_105 = tpu.memref_slice %arg8[%dma_wait3A_100, %dma_wait3A_103, %dma_wait3A_104] : memref<6x128x32xf32, #tpu.memory_space<vmem>> -> memref<1x128x32xf32, #tpu.memory_space<vmem>>
    %dma_wait3A_106 = tpu.memref_squeeze %dma_wait3A_105 : memref<1x128x32xf32, #tpu.memory_space<vmem>> -> memref<128x32xf32, #tpu.memory_space<vmem>>
    %dma_wait3A_107 = arith.constant 0 : i32
    %dma_wait3A_108 = tpu.memref_slice %arg6[%dma_wait3A_101, %dma_wait3A_107] : memref<39x128xi32, #tpu.memory_space<vmem>> -> memref<1x128xi32, #tpu.memory_space<vmem>>
    %dma_wait3A_109 = tpu.memref_squeeze %dma_wait3A_108 : memref<1x128xi32, #tpu.memory_space<vmem>> -> memref<128xi32, #tpu.memory_space<vmem>>
    %dma_wait3A_110 = arith.constant 0 : i32
    %dma_wait3A_111 = arith.constant 0 : i32
    %dma_wait3A_112 = tpu.memref_slice %arg11[%dma_wait3A_110, %dma_wait3A_111] : memref<10240x32xf32, #tpu.memory_space<vmem_shared>> -> memref<10240x32xf32, #tpu.memory_space<vmem_shared>>
    %dma_wait3A_113 = tpu.memref_slice %arg13[%dma_wait3A_102] : memref<6x!tpu.dma_semaphore, #tpu.memory_space<semaphore_mem>> -> memref<1x!tpu.dma_semaphore, #tpu.memory_space<semaphore_mem>>
    %dma_wait3A_114 = tpu.memref_squeeze %dma_wait3A_113 : memref<1x!tpu.dma_semaphore, #tpu.memory_space<semaphore_mem>> -> memref<!tpu.dma_semaphore, #tpu.memory_space<semaphore_mem>>
    tpu.wait_indirect_dma semaphore(%dma_wait3A_114 : memref<!tpu.dma_semaphore, #tpu.memory_space<semaphore_mem>>) src(%dma_wait3A_106 : memref<128x32xf32, #tpu.memory_space<vmem>>) dst(%dma_wait3A_112 : memref<10240x32xf32, #tpu.memory_space<vmem_shared>>)
    %mul3A_115 = arith.constant 78 : i32
    %mul3A_116 = arith.muli %add3A, %mul3A_115 : i32
    %add3A_117 = arith.constant 39 : i32
    %add3A_118 = arith.addi %mul3A_116, %add3A_117 : i32
    %run_scoped3A_119 = arith.constant 0 : i32
    "tpu.region"() ({
      %run_scoped3A_228 = tpu.sem_alloc : memref<!tpu.dma_semaphore, #tpu.memory_space<semaphore_mem>>
      %dma_start3A_229 = arith.constant 0 : i32
      %dma_start3A_230 = arith.constant 0 : i32
      %dma_start3A_231 = tpu.memref_slice %arg5[%dma_start3A_229, %dma_start3A_230] : memref<39x128xi32, #tpu.memory_space<vmem>> -> memref<39x128xi32, #tpu.memory_space<vmem>>
      %dma_start3A_232 = arith.constant 0 : i32
      %dma_start3A_233 = tpu.memref_slice %arg3[%run_scoped3A_119, %add3A_118, %dma_start3A_232] : memref<2x2500x128xi32, #tpu.memory_space<hbm>> -> memref<1x39x128xi32, #tpu.memory_space<hbm>>
      %dma_start3A_234 = tpu.memref_squeeze %dma_start3A_233 : memref<1x39x128xi32, #tpu.memory_space<hbm>> -> memref<39x128xi32, #tpu.memory_space<hbm>>
      %dma_start3A_235 = arith.constant 0 : i32
      %dma_start3A_236 = arith.constant 0 : i32
      %dma_start3A_237 = tpu.memref_slice %arg5[%dma_start3A_235, %dma_start3A_236] : memref<39x128xi32, #tpu.memory_space<vmem>> -> memref<39x128xi32, #tpu.memory_space<vmem>>
      %dma_start3A_238 = arith.constant 0 : i32
      %dma_start3A_239 = tpu.memref_slice %arg3[%run_scoped3A_119, %add3A_118, %dma_start3A_238] : memref<2x2500x128xi32, #tpu.memory_space<hbm>> -> memref<1x39x128xi32, #tpu.memory_space<hbm>>
      %dma_start3A_240 = tpu.memref_squeeze %dma_start3A_239 : memref<1x39x128xi32, #tpu.memory_space<hbm>> -> memref<39x128xi32, #tpu.memory_space<hbm>>
      tpu.enqueue_dma source(%dma_start3A_240 : memref<39x128xi32, #tpu.memory_space<hbm>>) target(%dma_start3A_237 : memref<39x128xi32, #tpu.memory_space<vmem>>) target_semaphore(%run_scoped3A_228 : memref<!tpu.dma_semaphore, #tpu.memory_space<semaphore_mem>>)
      %dma_wait3A_241 = arith.constant 0 : i32
      %dma_wait3A_242 = arith.constant 0 : i32
      %dma_wait3A_243 = tpu.memref_slice %arg5[%dma_wait3A_241, %dma_wait3A_242] : memref<39x128xi32, #tpu.memory_space<vmem>> -> memref<39x128xi32, #tpu.memory_space<vmem>>
      %dma_wait3A_244 = arith.constant 0 : i32
      %dma_wait3A_245 = tpu.memref_slice %arg3[%run_scoped3A_119, %add3A_118, %dma_wait3A_244] : memref<2x2500x128xi32, #tpu.memory_space<hbm>> -> memref<1x39x128xi32, #tpu.memory_space<hbm>>
      %dma_wait3A_246 = tpu.memref_squeeze %dma_wait3A_245 : memref<1x39x128xi32, #tpu.memory_space<hbm>> -> memref<39x128xi32, #tpu.memory_space<hbm>>
      %dma_wait3A_247 = arith.constant 0 : i32
      %dma_wait3A_248 = arith.constant 0 : i32
      %dma_wait3A_249 = tpu.memref_slice %arg5[%dma_wait3A_247, %dma_wait3A_248] : memref<39x128xi32, #tpu.memory_space<vmem>> -> memref<39x128xi32, #tpu.memory_space<vmem>>
      %dma_wait3A_250 = arith.constant 0 : i32
      %dma_wait3A_251 = tpu.memref_slice %arg3[%run_scoped3A_119, %add3A_118, %dma_wait3A_250] : memref<2x2500x128xi32, #tpu.memory_space<hbm>> -> memref<1x39x128xi32, #tpu.memory_space<hbm>>
      %dma_wait3A_252 = tpu.memref_squeeze %dma_wait3A_251 : memref<1x39x128xi32, #tpu.memory_space<hbm>> -> memref<39x128xi32, #tpu.memory_space<hbm>>
      tpu.wait_dma2 semaphore(%run_scoped3A_228 : memref<!tpu.dma_semaphore, #tpu.memory_space<semaphore_mem>>) src(%dma_wait3A_252 : memref<39x128xi32, #tpu.memory_space<hbm>>) dst(%dma_wait3A_249 : memref<39x128xi32, #tpu.memory_space<vmem>>)
      tpu.yield
    }) : () -> ()
    %mul3A_120 = arith.constant 78 : i32
    %mul3A_121 = arith.muli %add3A, %mul3A_120 : i32
    %add3A_122 = arith.constant 39 : i32
    %add3A_123 = arith.addi %mul3A_121, %add3A_122 : i32
    %run_scoped3A_124 = arith.constant 1 : i32
    "tpu.region"() ({
      %run_scoped3A_228 = tpu.sem_alloc : memref<!tpu.dma_semaphore, #tpu.memory_space<semaphore_mem>>
      %dma_start3A_229 = arith.constant 0 : i32
      %dma_start3A_230 = arith.constant 0 : i32
      %dma_start3A_231 = tpu.memref_slice %arg6[%dma_start3A_229, %dma_start3A_230] : memref<39x128xi32, #tpu.memory_space<vmem>> -> memref<39x128xi32, #tpu.memory_space<vmem>>
      %dma_start3A_232 = arith.constant 0 : i32
      %dma_start3A_233 = tpu.memref_slice %arg3[%run_scoped3A_124, %add3A_123, %dma_start3A_232] : memref<2x2500x128xi32, #tpu.memory_space<hbm>> -> memref<1x39x128xi32, #tpu.memory_space<hbm>>
      %dma_start3A_234 = tpu.memref_squeeze %dma_start3A_233 : memref<1x39x128xi32, #tpu.memory_space<hbm>> -> memref<39x128xi32, #tpu.memory_space<hbm>>
      %dma_start3A_235 = arith.constant 0 : i32
      %dma_start3A_236 = arith.constant 0 : i32
      %dma_start3A_237 = tpu.memref_slice %arg6[%dma_start3A_235, %dma_start3A_236] : memref<39x128xi32, #tpu.memory_space<vmem>> -> memref<39x128xi32, #tpu.memory_space<vmem>>
      %dma_start3A_238 = arith.constant 0 : i32
      %dma_start3A_239 = tpu.memref_slice %arg3[%run_scoped3A_124, %add3A_123, %dma_start3A_238] : memref<2x2500x128xi32, #tpu.memory_space<hbm>> -> memref<1x39x128xi32, #tpu.memory_space<hbm>>
      %dma_start3A_240 = tpu.memref_squeeze %dma_start3A_239 : memref<1x39x128xi32, #tpu.memory_space<hbm>> -> memref<39x128xi32, #tpu.memory_space<hbm>>
      tpu.enqueue_dma source(%dma_start3A_240 : memref<39x128xi32, #tpu.memory_space<hbm>>) target(%dma_start3A_237 : memref<39x128xi32, #tpu.memory_space<vmem>>) target_semaphore(%run_scoped3A_228 : memref<!tpu.dma_semaphore, #tpu.memory_space<semaphore_mem>>)
      %dma_wait3A_241 = arith.constant 0 : i32
      %dma_wait3A_242 = arith.constant 0 : i32
      %dma_wait3A_243 = tpu.memref_slice %arg6[%dma_wait3A_241, %dma_wait3A_242] : memref<39x128xi32, #tpu.memory_space<vmem>> -> memref<39x128xi32, #tpu.memory_space<vmem>>
      %dma_wait3A_244 = arith.constant 0 : i32
      %dma_wait3A_245 = tpu.memref_slice %arg3[%run_scoped3A_124, %add3A_123, %dma_wait3A_244] : memref<2x2500x128xi32, #tpu.memory_space<hbm>> -> memref<1x39x128xi32, #tpu.memory_space<hbm>>
      %dma_wait3A_246 = tpu.memref_squeeze %dma_wait3A_245 : memref<1x39x128xi32, #tpu.memory_space<hbm>> -> memref<39x128xi32, #tpu.memory_space<hbm>>
      %dma_wait3A_247 = arith.constant 0 : i32
      %dma_wait3A_248 = arith.constant 0 : i32
      %dma_wait3A_249 = tpu.memref_slice %arg6[%dma_wait3A_247, %dma_wait3A_248] : memref<39x128xi32, #tpu.memory_space<vmem>> -> memref<39x128xi32, #tpu.memory_space<vmem>>
      %dma_wait3A_250 = arith.constant 0 : i32
      %dma_wait3A_251 = tpu.memref_slice %arg3[%run_scoped3A_124, %add3A_123, %dma_wait3A_250] : memref<2x2500x128xi32, #tpu.memory_space<hbm>> -> memref<1x39x128xi32, #tpu.memory_space<hbm>>
      %dma_wait3A_252 = tpu.memref_squeeze %dma_wait3A_251 : memref<1x39x128xi32, #tpu.memory_space<hbm>> -> memref<39x128xi32, #tpu.memory_space<hbm>>
      tpu.wait_dma2 semaphore(%run_scoped3A_228 : memref<!tpu.dma_semaphore, #tpu.memory_space<semaphore_mem>>) src(%dma_wait3A_252 : memref<39x128xi32, #tpu.memory_space<hbm>>) dst(%dma_wait3A_249 : memref<39x128xi32, #tpu.memory_space<vmem>>)
      tpu.yield
    }) : () -> ()
    %dma_start3A_125 = arith.constant 0 : i32
    %dma_start3A_126 = arith.constant 0 : i32
    %dma_start3A_127 = arith.constant 0 : i32
    %dma_start3A_128 = arith.constant 0 : i32
    %dma_start3A_129 = arith.constant 0 : i32
    %dma_start3A_130 = tpu.memref_slice %arg8[%dma_start3A_126, %dma_start3A_128, %dma_start3A_129] : memref<6x128x32xf32, #tpu.memory_space<vmem>> -> memref<1x128x32xf32, #tpu.memory_space<vmem>>
    %dma_start3A_131 = tpu.memref_squeeze %dma_start3A_130 : memref<1x128x32xf32, #tpu.memory_space<vmem>> -> memref<128x32xf32, #tpu.memory_space<vmem>>
    %dma_start3A_132 = arith.constant 0 : i32
    %dma_start3A_133 = tpu.memref_slice %arg5[%dma_start3A_125, %dma_start3A_132] : memref<39x128xi32, #tpu.memory_space<vmem>> -> memref<1x128xi32, #tpu.memory_space<vmem>>
    %dma_start3A_134 = tpu.memref_squeeze %dma_start3A_133 : memref<1x128xi32, #tpu.memory_space<vmem>> -> memref<128xi32, #tpu.memory_space<vmem>>
    %dma_start3A_135 = arith.constant 0 : i32
    %dma_start3A_136 = arith.constant 0 : i32
    %dma_start3A_137 = tpu.memref_slice %arg10[%dma_start3A_135, %dma_start3A_136] : memref<10240x32xf32, #tpu.memory_space<vmem_shared>> -> memref<10240x32xf32, #tpu.memory_space<vmem_shared>>
    %dma_start3A_138 = tpu.memref_slice %arg12[%dma_start3A_127] : memref<6x!tpu.dma_semaphore, #tpu.memory_space<semaphore_mem>> -> memref<1x!tpu.dma_semaphore, #tpu.memory_space<semaphore_mem>>
    %dma_start3A_139 = tpu.memref_squeeze %dma_start3A_138 : memref<1x!tpu.dma_semaphore, #tpu.memory_space<semaphore_mem>> -> memref<!tpu.dma_semaphore, #tpu.memory_space<semaphore_mem>>
    tpu.enqueue_indirect_dma source(%dma_start3A_137 : memref<10240x32xf32, #tpu.memory_space<vmem_shared>>) target(%dma_start3A_131 : memref<128x32xf32, #tpu.memory_space<vmem>>) offsets(%dma_start3A_134 : memref<128xi32, #tpu.memory_space<vmem>>) semaphore(%dma_start3A_139 : memref<!tpu.dma_semaphore, #tpu.memory_space<semaphore_mem>>)
    %dma_start3A_140 = arith.constant 1 : i32
    %dma_start3A_141 = arith.constant 1 : i32
    %dma_start3A_142 = arith.constant 1 : i32
    %dma_start3A_143 = arith.constant 0 : i32
    %dma_start3A_144 = arith.constant 0 : i32
    %dma_start3A_145 = tpu.memref_slice %arg8[%dma_start3A_141, %dma_start3A_143, %dma_start3A_144] : memref<6x128x32xf32, #tpu.memory_space<vmem>> -> memref<1x128x32xf32, #tpu.memory_space<vmem>>
    %dma_start3A_146 = tpu.memref_squeeze %dma_start3A_145 : memref<1x128x32xf32, #tpu.memory_space<vmem>> -> memref<128x32xf32, #tpu.memory_space<vmem>>
    %dma_start3A_147 = arith.constant 0 : i32
    %dma_start3A_148 = tpu.memref_slice %arg5[%dma_start3A_140, %dma_start3A_147] : memref<39x128xi32, #tpu.memory_space<vmem>> -> memref<1x128xi32, #tpu.memory_space<vmem>>
    %dma_start3A_149 = tpu.memref_squeeze %dma_start3A_148 : memref<1x128xi32, #tpu.memory_space<vmem>> -> memref<128xi32, #tpu.memory_space<vmem>>
    %dma_start3A_150 = arith.constant 0 : i32
    %dma_start3A_151 = arith.constant 0 : i32
    %dma_start3A_152 = tpu.memref_slice %arg10[%dma_start3A_150, %dma_start3A_151] : memref<10240x32xf32, #tpu.memory_space<vmem_shared>> -> memref<10240x32xf32, #tpu.memory_space<vmem_shared>>
    %dma_start3A_153 = tpu.memref_slice %arg12[%dma_start3A_142] : memref<6x!tpu.dma_semaphore, #tpu.memory_space<semaphore_mem>> -> memref<1x!tpu.dma_semaphore, #tpu.memory_space<semaphore_mem>>
    %dma_start3A_154 = tpu.memref_squeeze %dma_start3A_153 : memref<1x!tpu.dma_semaphore, #tpu.memory_space<semaphore_mem>> -> memref<!tpu.dma_semaphore, #tpu.memory_space<semaphore_mem>>
    tpu.enqueue_indirect_dma source(%dma_start3A_152 : memref<10240x32xf32, #tpu.memory_space<vmem_shared>>) target(%dma_start3A_146 : memref<128x32xf32, #tpu.memory_space<vmem>>) offsets(%dma_start3A_149 : memref<128xi32, #tpu.memory_space<vmem>>) semaphore(%dma_start3A_154 : memref<!tpu.dma_semaphore, #tpu.memory_space<semaphore_mem>>)
    %dma_start3A_155 = arith.constant 2 : i32
    %dma_start3A_156 = arith.constant 2 : i32
    %dma_start3A_157 = arith.constant 2 : i32
    %dma_start3A_158 = arith.constant 0 : i32
    %dma_start3A_159 = arith.constant 0 : i32
    %dma_start3A_160 = tpu.memref_slice %arg8[%dma_start3A_156, %dma_start3A_158, %dma_start3A_159] : memref<6x128x32xf32, #tpu.memory_space<vmem>> -> memref<1x128x32xf32, #tpu.memory_space<vmem>>
    %dma_start3A_161 = tpu.memref_squeeze %dma_start3A_160 : memref<1x128x32xf32, #tpu.memory_space<vmem>> -> memref<128x32xf32, #tpu.memory_space<vmem>>
    %dma_start3A_162 = arith.constant 0 : i32
    %dma_start3A_163 = tpu.memref_slice %arg5[%dma_start3A_155, %dma_start3A_162] : memref<39x128xi32, #tpu.memory_space<vmem>> -> memref<1x128xi32, #tpu.memory_space<vmem>>
    %dma_start3A_164 = tpu.memref_squeeze %dma_start3A_163 : memref<1x128xi32, #tpu.memory_space<vmem>> -> memref<128xi32, #tpu.memory_space<vmem>>
    %dma_start3A_165 = arith.constant 0 : i32
    %dma_start3A_166 = arith.constant 0 : i32
    %dma_start3A_167 = tpu.memref_slice %arg10[%dma_start3A_165, %dma_start3A_166] : memref<10240x32xf32, #tpu.memory_space<vmem_shared>> -> memref<10240x32xf32, #tpu.memory_space<vmem_shared>>
    %dma_start3A_168 = tpu.memref_slice %arg12[%dma_start3A_157] : memref<6x!tpu.dma_semaphore, #tpu.memory_space<semaphore_mem>> -> memref<1x!tpu.dma_semaphore, #tpu.memory_space<semaphore_mem>>
    %dma_start3A_169 = tpu.memref_squeeze %dma_start3A_168 : memref<1x!tpu.dma_semaphore, #tpu.memory_space<semaphore_mem>> -> memref<!tpu.dma_semaphore, #tpu.memory_space<semaphore_mem>>
    tpu.enqueue_indirect_dma source(%dma_start3A_167 : memref<10240x32xf32, #tpu.memory_space<vmem_shared>>) target(%dma_start3A_161 : memref<128x32xf32, #tpu.memory_space<vmem>>) offsets(%dma_start3A_164 : memref<128xi32, #tpu.memory_space<vmem>>) semaphore(%dma_start3A_169 : memref<!tpu.dma_semaphore, #tpu.memory_space<semaphore_mem>>)
    %scan3A_170 = arith.constant 0 : i32
    %scan3A_171 = arith.constant 39 : i32
    %scan3A_172 = arith.addi %scan3A_170, %scan3A_171 : i32
    %scan3A_173 = arith.constant 1 : i32
    scf.for %scan3A_228 = %scan3A_170 to %scan3A_172 step %scan3A_173  : i32 {
      %rem3A = arith.constant 6 : i32
      %rem3A_229 = arith.remsi %scan3A_228, %rem3A : i32
      %dma_wait3A_230 = arith.constant 0 : i32
      %dma_wait3A_231 = arith.constant 0 : i32
      %dma_wait3A_232 = tpu.memref_slice %arg8[%rem3A_229, %dma_wait3A_230, %dma_wait3A_231] : memref<6x128x32xf32, #tpu.memory_space<vmem>> -> memref<1x128x32xf32, #tpu.memory_space<vmem>>
      %dma_wait3A_233 = tpu.memref_squeeze %dma_wait3A_232 : memref<1x128x32xf32, #tpu.memory_space<vmem>> -> memref<128x32xf32, #tpu.memory_space<vmem>>
      %dma_wait3A_234 = arith.constant 0 : i32
      %dma_wait3A_235 = tpu.memref_slice %arg5[%scan3A_228, %dma_wait3A_234] : memref<39x128xi32, #tpu.memory_space<vmem>> -> memref<1x128xi32, #tpu.memory_space<vmem>>
      %dma_wait3A_236 = tpu.memref_squeeze %dma_wait3A_235 : memref<1x128xi32, #tpu.memory_space<vmem>> -> memref<128xi32, #tpu.memory_space<vmem>>
      %dma_wait3A_237 = arith.constant 0 : i32
      %dma_wait3A_238 = arith.constant 0 : i32
      %dma_wait3A_239 = tpu.memref_slice %arg10[%dma_wait3A_237, %dma_wait3A_238] : memref<10240x32xf32, #tpu.memory_space<vmem_shared>> -> memref<10240x32xf32, #tpu.memory_space<vmem_shared>>
      %dma_wait3A_240 = tpu.memref_slice %arg12[%rem3A_229] : memref<6x!tpu.dma_semaphore, #tpu.memory_space<semaphore_mem>> -> memref<1x!tpu.dma_semaphore, #tpu.memory_space<semaphore_mem>>
      %dma_wait3A_241 = tpu.memref_squeeze %dma_wait3A_240 : memref<1x!tpu.dma_semaphore, #tpu.memory_space<semaphore_mem>> -> memref<!tpu.dma_semaphore, #tpu.memory_space<semaphore_mem>>
      tpu.wait_indirect_dma semaphore(%dma_wait3A_241 : memref<!tpu.dma_semaphore, #tpu.memory_space<semaphore_mem>>) src(%dma_wait3A_239 : memref<10240x32xf32, #tpu.memory_space<vmem_shared>>) dst(%dma_wait3A_233 : memref<128x32xf32, #tpu.memory_space<vmem>>)
      %dma_start3A_242 = arith.constant 0 : i32
      %dma_start3A_243 = arith.constant 0 : i32
      %dma_start3A_244 = tpu.memref_slice %arg8[%rem3A_229, %dma_start3A_242, %dma_start3A_243] : memref<6x128x32xf32, #tpu.memory_space<vmem>> -> memref<1x128x32xf32, #tpu.memory_space<vmem>>
      %dma_start3A_245 = tpu.memref_squeeze %dma_start3A_244 : memref<1x128x32xf32, #tpu.memory_space<vmem>> -> memref<128x32xf32, #tpu.memory_space<vmem>>
      %dma_start3A_246 = arith.constant 0 : i32
      %dma_start3A_247 = tpu.memref_slice %arg6[%scan3A_228, %dma_start3A_246] : memref<39x128xi32, #tpu.memory_space<vmem>> -> memref<1x128xi32, #tpu.memory_space<vmem>>
      %dma_start3A_248 = tpu.memref_squeeze %dma_start3A_247 : memref<1x128xi32, #tpu.memory_space<vmem>> -> memref<128xi32, #tpu.memory_space<vmem>>
      %dma_start3A_249 = arith.constant 0 : i32
      %dma_start3A_250 = arith.constant 0 : i32
      %dma_start3A_251 = tpu.memref_slice %arg11[%dma_start3A_249, %dma_start3A_250] : memref<10240x32xf32, #tpu.memory_space<vmem_shared>> -> memref<10240x32xf32, #tpu.memory_space<vmem_shared>>
      %dma_start3A_252 = tpu.memref_slice %arg13[%rem3A_229] : memref<6x!tpu.dma_semaphore, #tpu.memory_space<semaphore_mem>> -> memref<1x!tpu.dma_semaphore, #tpu.memory_space<semaphore_mem>>
      %dma_start3A_253 = tpu.memref_squeeze %dma_start3A_252 : memref<1x!tpu.dma_semaphore, #tpu.memory_space<semaphore_mem>> -> memref<!tpu.dma_semaphore, #tpu.memory_space<semaphore_mem>>
      tpu.enqueue_indirect_dma source(%dma_start3A_245 : memref<128x32xf32, #tpu.memory_space<vmem>>) target(%dma_start3A_251 : memref<10240x32xf32, #tpu.memory_space<vmem_shared>>) offsets(%dma_start3A_248 : memref<128xi32, #tpu.memory_space<vmem>>) semaphore(%dma_start3A_253 : memref<!tpu.dma_semaphore, #tpu.memory_space<semaphore_mem>>) {add = true}
      %ge3A = arith.constant 3 : i32
      %ge3A_254 = arith.cmpi sge, %scan3A_228, %ge3A : i32
      %convert_element_type3A_255 = arith.extui %ge3A_254 : i1 to i32
      %cond3A_256 = arith.constant 0 : i32
      %cond3A_257 = arith.cmpi ne, %convert_element_type3A_255, %cond3A_256 : i32
      scf.if %cond3A_257 {
        %sub3A_266 = arith.constant 3 : i32
        %sub3A_267 = arith.subi %scan3A_228, %sub3A_266 : i32
        %rem3A_268 = arith.constant 6 : i32
        %rem3A_269 = arith.remsi %sub3A_267, %rem3A_268 : i32
        %sub3A_270 = arith.constant 3 : i32
        %sub3A_271 = arith.subi %scan3A_228, %sub3A_270 : i32
        %dma_wait3A_272 = arith.constant 0 : i32
        %dma_wait3A_273 = arith.constant 0 : i32
        %dma_wait3A_274 = tpu.memref_slice %arg8[%rem3A_269, %dma_wait3A_272, %dma_wait3A_273] : memref<6x128x32xf32, #tpu.memory_space<vmem>> -> memref<1x128x32xf32, #tpu.memory_space<vmem>>
        %dma_wait3A_275 = tpu.memref_squeeze %dma_wait3A_274 : memref<1x128x32xf32, #tpu.memory_space<vmem>> -> memref<128x32xf32, #tpu.memory_space<vmem>>
        %dma_wait3A_276 = arith.constant 0 : i32
        %dma_wait3A_277 = tpu.memref_slice %arg6[%sub3A_271, %dma_wait3A_276] : memref<39x128xi32, #tpu.memory_space<vmem>> -> memref<1x128xi32, #tpu.memory_space<vmem>>
        %dma_wait3A_278 = tpu.memref_squeeze %dma_wait3A_277 : memref<1x128xi32, #tpu.memory_space<vmem>> -> memref<128xi32, #tpu.memory_space<vmem>>
        %dma_wait3A_279 = arith.constant 0 : i32
        %dma_wait3A_280 = arith.constant 0 : i32
        %dma_wait3A_281 = tpu.memref_slice %arg11[%dma_wait3A_279, %dma_wait3A_280] : memref<10240x32xf32, #tpu.memory_space<vmem_shared>> -> memref<10240x32xf32, #tpu.memory_space<vmem_shared>>
        %dma_wait3A_282 = tpu.memref_slice %arg13[%rem3A_269] : memref<6x!tpu.dma_semaphore, #tpu.memory_space<semaphore_mem>> -> memref<1x!tpu.dma_semaphore, #tpu.memory_space<semaphore_mem>>
        %dma_wait3A_283 = tpu.memref_squeeze %dma_wait3A_282 : memref<1x!tpu.dma_semaphore, #tpu.memory_space<semaphore_mem>> -> memref<!tpu.dma_semaphore, #tpu.memory_space<semaphore_mem>>
        tpu.wait_indirect_dma semaphore(%dma_wait3A_283 : memref<!tpu.dma_semaphore, #tpu.memory_space<semaphore_mem>>) src(%dma_wait3A_275 : memref<128x32xf32, #tpu.memory_space<vmem>>) dst(%dma_wait3A_281 : memref<10240x32xf32, #tpu.memory_space<vmem_shared>>)
      } else {
      }
      %add3A_258 = arith.constant 6 : i32
      %add3A_259 = arith.addi %scan3A_228, %add3A_258 : i32
      %sub3A = arith.constant 3 : i32
      %sub3A_260 = arith.subi %add3A_259, %sub3A : i32
      %lt3A_261 = arith.constant 39 : i32
      %lt3A_262 = arith.cmpi slt, %sub3A_260, %lt3A_261 : i32
      %convert_element_type3A_263 = arith.extui %lt3A_262 : i1 to i32
      %cond3A_264 = arith.constant 0 : i32
      %cond3A_265 = arith.cmpi ne, %convert_element_type3A_263, %cond3A_264 : i32
      scf.if %cond3A_265 {
        %add3A_266 = arith.constant 6 : i32
        %add3A_267 = arith.addi %scan3A_228, %add3A_266 : i32
        %sub3A_268 = arith.constant 3 : i32
        %sub3A_269 = arith.subi %add3A_267, %sub3A_268 : i32
        %rem3A_270 = arith.constant 6 : i32
        %rem3A_271 = arith.remsi %sub3A_269, %rem3A_270 : i32
        %add3A_272 = arith.constant 6 : i32
        %add3A_273 = arith.addi %scan3A_228, %add3A_272 : i32
        %sub3A_274 = arith.constant 3 : i32
        %sub3A_275 = arith.subi %add3A_273, %sub3A_274 : i32
        %dma_start3A_276 = arith.constant 0 : i32
        %dma_start3A_277 = arith.constant 0 : i32
        %dma_start3A_278 = tpu.memref_slice %arg8[%rem3A_271, %dma_start3A_276, %dma_start3A_277] : memref<6x128x32xf32, #tpu.memory_space<vmem>> -> memref<1x128x32xf32, #tpu.memory_space<vmem>>
        %dma_start3A_279 = tpu.memref_squeeze %dma_start3A_278 : memref<1x128x32xf32, #tpu.memory_space<vmem>> -> memref<128x32xf32, #tpu.memory_space<vmem>>
        %dma_start3A_280 = arith.constant 0 : i32
        %dma_start3A_281 = tpu.memref_slice %arg5[%sub3A_275, %dma_start3A_280] : memref<39x128xi32, #tpu.memory_space<vmem>> -> memref<1x128xi32, #tpu.memory_space<vmem>>
        %dma_start3A_282 = tpu.memref_squeeze %dma_start3A_281 : memref<1x128xi32, #tpu.memory_space<vmem>> -> memref<128xi32, #tpu.memory_space<vmem>>
        %dma_start3A_283 = arith.constant 0 : i32
        %dma_start3A_284 = arith.constant 0 : i32
        %dma_start3A_285 = tpu.memref_slice %arg10[%dma_start3A_283, %dma_start3A_284] : memref<10240x32xf32, #tpu.memory_space<vmem_shared>> -> memref<10240x32xf32, #tpu.memory_space<vmem_shared>>
        %dma_start3A_286 = tpu.memref_slice %arg12[%rem3A_271] : memref<6x!tpu.dma_semaphore, #tpu.memory_space<semaphore_mem>> -> memref<1x!tpu.dma_semaphore, #tpu.memory_space<semaphore_mem>>
        %dma_start3A_287 = tpu.memref_squeeze %dma_start3A_286 : memref<1x!tpu.dma_semaphore, #tpu.memory_space<semaphore_mem>> -> memref<!tpu.dma_semaphore, #tpu.memory_space<semaphore_mem>>
        tpu.enqueue_indirect_dma source(%dma_start3A_285 : memref<10240x32xf32, #tpu.memory_space<vmem_shared>>) target(%dma_start3A_279 : memref<128x32xf32, #tpu.memory_space<vmem>>) offsets(%dma_start3A_282 : memref<128xi32, #tpu.memory_space<vmem>>) semaphore(%dma_start3A_287 : memref<!tpu.dma_semaphore, #tpu.memory_space<semaphore_mem>>)
      } else {
      }
    }
    %scan3A_174 = arith.constant 39 : i32
    %dma_wait3A_175 = arith.constant 0 : i32
    %dma_wait3A_176 = arith.constant 36 : i32
    %dma_wait3A_177 = arith.constant 0 : i32
    %dma_wait3A_178 = arith.constant 0 : i32
    %dma_wait3A_179 = arith.constant 0 : i32
    %dma_wait3A_180 = tpu.memref_slice %arg8[%dma_wait3A_175, %dma_wait3A_178, %dma_wait3A_179] : memref<6x128x32xf32, #tpu.memory_space<vmem>> -> memref<1x128x32xf32, #tpu.memory_space<vmem>>
    %dma_wait3A_181 = tpu.memref_squeeze %dma_wait3A_180 : memref<1x128x32xf32, #tpu.memory_space<vmem>> -> memref<128x32xf32, #tpu.memory_space<vmem>>
    %dma_wait3A_182 = arith.constant 0 : i32
    %dma_wait3A_183 = tpu.memref_slice %arg6[%dma_wait3A_176, %dma_wait3A_182] : memref<39x128xi32, #tpu.memory_space<vmem>> -> memref<1x128xi32, #tpu.memory_space<vmem>>
    %dma_wait3A_184 = tpu.memref_squeeze %dma_wait3A_183 : memref<1x128xi32, #tpu.memory_space<vmem>> -> memref<128xi32, #tpu.memory_space<vmem>>
    %dma_wait3A_185 = arith.constant 0 : i32
    %dma_wait3A_186 = arith.constant 0 : i32
    %dma_wait3A_187 = tpu.memref_slice %arg11[%dma_wait3A_185, %dma_wait3A_186] : memref<10240x32xf32, #tpu.memory_space<vmem_shared>> -> memref<10240x32xf32, #tpu.memory_space<vmem_shared>>
    %dma_wait3A_188 = tpu.memref_slice %arg13[%dma_wait3A_177] : memref<6x!tpu.dma_semaphore, #tpu.memory_space<semaphore_mem>> -> memref<1x!tpu.dma_semaphore, #tpu.memory_space<semaphore_mem>>
    %dma_wait3A_189 = tpu.memref_squeeze %dma_wait3A_188 : memref<1x!tpu.dma_semaphore, #tpu.memory_space<semaphore_mem>> -> memref<!tpu.dma_semaphore, #tpu.memory_space<semaphore_mem>>
    tpu.wait_indirect_dma semaphore(%dma_wait3A_189 : memref<!tpu.dma_semaphore, #tpu.memory_space<semaphore_mem>>) src(%dma_wait3A_181 : memref<128x32xf32, #tpu.memory_space<vmem>>) dst(%dma_wait3A_187 : memref<10240x32xf32, #tpu.memory_space<vmem_shared>>)
    %dma_wait3A_190 = arith.constant 1 : i32
    %dma_wait3A_191 = arith.constant 37 : i32
    %dma_wait3A_192 = arith.constant 1 : i32
    %dma_wait3A_193 = arith.constant 0 : i32
    %dma_wait3A_194 = arith.constant 0 : i32
    %dma_wait3A_195 = tpu.memref_slice %arg8[%dma_wait3A_190, %dma_wait3A_193, %dma_wait3A_194] : memref<6x128x32xf32, #tpu.memory_space<vmem>> -> memref<1x128x32xf32, #tpu.memory_space<vmem>>
    %dma_wait3A_196 = tpu.memref_squeeze %dma_wait3A_195 : memref<1x128x32xf32, #tpu.memory_space<vmem>> -> memref<128x32xf32, #tpu.memory_space<vmem>>
    %dma_wait3A_197 = arith.constant 0 : i32
    %dma_wait3A_198 = tpu.memref_slice %arg6[%dma_wait3A_191, %dma_wait3A_197] : memref<39x128xi32, #tpu.memory_space<vmem>> -> memref<1x128xi32, #tpu.memory_space<vmem>>
    %dma_wait3A_199 = tpu.memref_squeeze %dma_wait3A_198 : memref<1x128xi32, #tpu.memory_space<vmem>> -> memref<128xi32, #tpu.memory_space<vmem>>
    %dma_wait3A_200 = arith.constant 0 : i32
    %dma_wait3A_201 = arith.constant 0 : i32
    %dma_wait3A_202 = tpu.memref_slice %arg11[%dma_wait3A_200, %dma_wait3A_201] : memref<10240x32xf32, #tpu.memory_space<vmem_shared>> -> memref<10240x32xf32, #tpu.memory_space<vmem_shared>>
    %dma_wait3A_203 = tpu.memref_slice %arg13[%dma_wait3A_192] : memref<6x!tpu.dma_semaphore, #tpu.memory_space<semaphore_mem>> -> memref<1x!tpu.dma_semaphore, #tpu.memory_space<semaphore_mem>>
    %dma_wait3A_204 = tpu.memref_squeeze %dma_wait3A_203 : memref<1x!tpu.dma_semaphore, #tpu.memory_space<semaphore_mem>> -> memref<!tpu.dma_semaphore, #tpu.memory_space<semaphore_mem>>
    tpu.wait_indirect_dma semaphore(%dma_wait3A_204 : memref<!tpu.dma_semaphore, #tpu.memory_space<semaphore_mem>>) src(%dma_wait3A_196 : memref<128x32xf32, #tpu.memory_space<vmem>>) dst(%dma_wait3A_202 : memref<10240x32xf32, #tpu.memory_space<vmem_shared>>)
    %dma_wait3A_205 = arith.constant 2 : i32
    %dma_wait3A_206 = arith.constant 38 : i32
    %dma_wait3A_207 = arith.constant 2 : i32
    %dma_wait3A_208 = arith.constant 0 : i32
    %dma_wait3A_209 = arith.constant 0 : i32
    %dma_wait3A_210 = tpu.memref_slice %arg8[%dma_wait3A_205, %dma_wait3A_208, %dma_wait3A_209] : memref<6x128x32xf32, #tpu.memory_space<vmem>> -> memref<1x128x32xf32, #tpu.memory_space<vmem>>
    %dma_wait3A_211 = tpu.memref_squeeze %dma_wait3A_210 : memref<1x128x32xf32, #tpu.memory_space<vmem>> -> memref<128x32xf32, #tpu.memory_space<vmem>>
    %dma_wait3A_212 = arith.constant 0 : i32
    %dma_wait3A_213 = tpu.memref_slice %arg6[%dma_wait3A_206, %dma_wait3A_212] : memref<39x128xi32, #tpu.memory_space<vmem>> -> memref<1x128xi32, #tpu.memory_space<vmem>>
    %dma_wait3A_214 = tpu.memref_squeeze %dma_wait3A_213 : memref<1x128xi32, #tpu.memory_space<vmem>> -> memref<128xi32, #tpu.memory_space<vmem>>
    %dma_wait3A_215 = arith.constant 0 : i32
    %dma_wait3A_216 = arith.constant 0 : i32
    %dma_wait3A_217 = tpu.memref_slice %arg11[%dma_wait3A_215, %dma_wait3A_216] : memref<10240x32xf32, #tpu.memory_space<vmem_shared>> -> memref<10240x32xf32, #tpu.memory_space<vmem_shared>>
    %dma_wait3A_218 = tpu.memref_slice %arg13[%dma_wait3A_207] : memref<6x!tpu.dma_semaphore, #tpu.memory_space<semaphore_mem>> -> memref<1x!tpu.dma_semaphore, #tpu.memory_space<semaphore_mem>>
    %dma_wait3A_219 = tpu.memref_squeeze %dma_wait3A_218 : memref<1x!tpu.dma_semaphore, #tpu.memory_space<semaphore_mem>> -> memref<!tpu.dma_semaphore, #tpu.memory_space<semaphore_mem>>
    tpu.wait_indirect_dma semaphore(%dma_wait3A_219 : memref<!tpu.dma_semaphore, #tpu.memory_space<semaphore_mem>>) src(%dma_wait3A_211 : memref<128x32xf32, #tpu.memory_space<vmem>>) dst(%dma_wait3A_217 : memref<10240x32xf32, #tpu.memory_space<vmem_shared>>)
    %lt3A = arith.constant 4 : i32
    %lt3A_220 = arith.cmpi slt, %add3A, %lt3A : i32
    %convert_element_type3A = arith.extui %lt3A_220 : i1 to i32
    %cond3A = arith.constant 0 : i32
    %cond3A_221 = arith.cmpi ne, %convert_element_type3A, %cond3A : i32
    scf.if %cond3A_221 {
      %add3A_228 = arith.constant 2496 : i32
      %add3A_229 = arith.addi %add3A_228, %add3A : i32
      %run_scoped3A_230 = arith.constant 0 : i32
      "tpu.region"() ({
        %run_scoped3A_238 = tpu.sem_alloc : memref<!tpu.dma_semaphore, #tpu.memory_space<semaphore_mem>>
        %dma_start3A_239 = arith.constant 0 : i32
        %dma_start3A_240 = arith.constant 0 : i32
        %dma_start3A_241 = tpu.memref_slice %arg7[%dma_start3A_239, %dma_start3A_240] : memref<2x128xi32, #tpu.memory_space<vmem>> -> memref<1x128xi32, #tpu.memory_space<vmem>>
        %dma_start3A_242 = arith.constant 0 : i32
        %dma_start3A_243 = tpu.memref_slice %arg3[%run_scoped3A_230, %add3A_229, %dma_start3A_242] : memref<2x2500x128xi32, #tpu.memory_space<hbm>> -> memref<1x1x128xi32, #tpu.memory_space<hbm>>
        %dma_start3A_244 = tpu.memref_squeeze %dma_start3A_243 : memref<1x1x128xi32, #tpu.memory_space<hbm>> -> memref<1x128xi32, #tpu.memory_space<hbm>>
        %dma_start3A_245 = arith.constant 0 : i32
        %dma_start3A_246 = arith.constant 0 : i32
        %dma_start3A_247 = tpu.memref_slice %arg7[%dma_start3A_245, %dma_start3A_246] : memref<2x128xi32, #tpu.memory_space<vmem>> -> memref<1x128xi32, #tpu.memory_space<vmem>>
        %dma_start3A_248 = arith.constant 0 : i32
        %dma_start3A_249 = tpu.memref_slice %arg3[%run_scoped3A_230, %add3A_229, %dma_start3A_248] : memref<2x2500x128xi32, #tpu.memory_space<hbm>> -> memref<1x1x128xi32, #tpu.memory_space<hbm>>
        %dma_start3A_250 = tpu.memref_squeeze %dma_start3A_249 : memref<1x1x128xi32, #tpu.memory_space<hbm>> -> memref<1x128xi32, #tpu.memory_space<hbm>>
        tpu.enqueue_dma source(%dma_start3A_250 : memref<1x128xi32, #tpu.memory_space<hbm>>) target(%dma_start3A_247 : memref<1x128xi32, #tpu.memory_space<vmem>>) target_semaphore(%run_scoped3A_238 : memref<!tpu.dma_semaphore, #tpu.memory_space<semaphore_mem>>)
        %dma_wait3A_251 = arith.constant 0 : i32
        %dma_wait3A_252 = arith.constant 0 : i32
        %dma_wait3A_253 = tpu.memref_slice %arg7[%dma_wait3A_251, %dma_wait3A_252] : memref<2x128xi32, #tpu.memory_space<vmem>> -> memref<1x128xi32, #tpu.memory_space<vmem>>
        %dma_wait3A_254 = arith.constant 0 : i32
        %dma_wait3A_255 = tpu.memref_slice %arg3[%run_scoped3A_230, %add3A_229, %dma_wait3A_254] : memref<2x2500x128xi32, #tpu.memory_space<hbm>> -> memref<1x1x128xi32, #tpu.memory_space<hbm>>
        %dma_wait3A_256 = tpu.memref_squeeze %dma_wait3A_255 : memref<1x1x128xi32, #tpu.memory_space<hbm>> -> memref<1x128xi32, #tpu.memory_space<hbm>>
        %dma_wait3A_257 = arith.constant 0 : i32
        %dma_wait3A_258 = arith.constant 0 : i32
        %dma_wait3A_259 = tpu.memref_slice %arg7[%dma_wait3A_257, %dma_wait3A_258] : memref<2x128xi32, #tpu.memory_space<vmem>> -> memref<1x128xi32, #tpu.memory_space<vmem>>
        %dma_wait3A_260 = arith.constant 0 : i32
        %dma_wait3A_261 = tpu.memref_slice %arg3[%run_scoped3A_230, %add3A_229, %dma_wait3A_260] : memref<2x2500x128xi32, #tpu.memory_space<hbm>> -> memref<1x1x128xi32, #tpu.memory_space<hbm>>
        %dma_wait3A_262 = tpu.memref_squeeze %dma_wait3A_261 : memref<1x1x128xi32, #tpu.memory_space<hbm>> -> memref<1x128xi32, #tpu.memory_space<hbm>>
        tpu.wait_dma2 semaphore(%run_scoped3A_238 : memref<!tpu.dma_semaphore, #tpu.memory_space<semaphore_mem>>) src(%dma_wait3A_262 : memref<1x128xi32, #tpu.memory_space<hbm>>) dst(%dma_wait3A_259 : memref<1x128xi32, #tpu.memory_space<vmem>>)
        tpu.yield
      }) : () -> ()
      %add3A_231 = arith.constant 2496 : i32
      %add3A_232 = arith.addi %add3A_231, %add3A : i32
      %run_scoped3A_233 = arith.constant 1 : i32
      "tpu.region"() ({
        %run_scoped3A_238 = tpu.sem_alloc : memref<!tpu.dma_semaphore, #tpu.memory_space<semaphore_mem>>
        %dma_start3A_239 = arith.constant 1 : i32
        %dma_start3A_240 = arith.constant 0 : i32
        %dma_start3A_241 = tpu.memref_slice %arg7[%dma_start3A_239, %dma_start3A_240] : memref<2x128xi32, #tpu.memory_space<vmem>> -> memref<1x128xi32, #tpu.memory_space<vmem>>
        %dma_start3A_242 = arith.constant 0 : i32
        %dma_start3A_243 = tpu.memref_slice %arg3[%run_scoped3A_233, %add3A_232, %dma_start3A_242] : memref<2x2500x128xi32, #tpu.memory_space<hbm>> -> memref<1x1x128xi32, #tpu.memory_space<hbm>>
        %dma_start3A_244 = tpu.memref_squeeze %dma_start3A_243 : memref<1x1x128xi32, #tpu.memory_space<hbm>> -> memref<1x128xi32, #tpu.memory_space<hbm>>
        %dma_start3A_245 = arith.constant 1 : i32
        %dma_start3A_246 = arith.constant 0 : i32
        %dma_start3A_247 = tpu.memref_slice %arg7[%dma_start3A_245, %dma_start3A_246] : memref<2x128xi32, #tpu.memory_space<vmem>> -> memref<1x128xi32, #tpu.memory_space<vmem>>
        %dma_start3A_248 = arith.constant 0 : i32
        %dma_start3A_249 = tpu.memref_slice %arg3[%run_scoped3A_233, %add3A_232, %dma_start3A_248] : memref<2x2500x128xi32, #tpu.memory_space<hbm>> -> memref<1x1x128xi32, #tpu.memory_space<hbm>>
        %dma_start3A_250 = tpu.memref_squeeze %dma_start3A_249 : memref<1x1x128xi32, #tpu.memory_space<hbm>> -> memref<1x128xi32, #tpu.memory_space<hbm>>
        tpu.enqueue_dma source(%dma_start3A_250 : memref<1x128xi32, #tpu.memory_space<hbm>>) target(%dma_start3A_247 : memref<1x128xi32, #tpu.memory_space<vmem>>) target_semaphore(%run_scoped3A_238 : memref<!tpu.dma_semaphore, #tpu.memory_space<semaphore_mem>>)
        %dma_wait3A_251 = arith.constant 1 : i32
        %dma_wait3A_252 = arith.constant 0 : i32
        %dma_wait3A_253 = tpu.memref_slice %arg7[%dma_wait3A_251, %dma_wait3A_252] : memref<2x128xi32, #tpu.memory_space<vmem>> -> memref<1x128xi32, #tpu.memory_space<vmem>>
        %dma_wait3A_254 = arith.constant 0 : i32
        %dma_wait3A_255 = tpu.memref_slice %arg3[%run_scoped3A_233, %add3A_232, %dma_wait3A_254] : memref<2x2500x128xi32, #tpu.memory_space<hbm>> -> memref<1x1x128xi32, #tpu.memory_space<hbm>>
        %dma_wait3A_256 = tpu.memref_squeeze %dma_wait3A_255 : memref<1x1x128xi32, #tpu.memory_space<hbm>> -> memref<1x128xi32, #tpu.memory_space<hbm>>
        %dma_wait3A_257 = arith.constant 1 : i32
        %dma_wait3A_258 = arith.constant 0 : i32
        %dma_wait3A_259 = tpu.memref_slice %arg7[%dma_wait3A_257, %dma_wait3A_258] : memref<2x128xi32, #tpu.memory_space<vmem>> -> memref<1x128xi32, #tpu.memory_space<vmem>>
        %dma_wait3A_260 = arith.constant 0 : i32
        %dma_wait3A_261 = tpu.memref_slice %arg3[%run_scoped3A_233, %add3A_232, %dma_wait3A_260] : memref<2x2500x128xi32, #tpu.memory_space<hbm>> -> memref<1x1x128xi32, #tpu.memory_space<hbm>>
        %dma_wait3A_262 = tpu.memref_squeeze %dma_wait3A_261 : memref<1x1x128xi32, #tpu.memory_space<hbm>> -> memref<1x128xi32, #tpu.memory_space<hbm>>
        tpu.wait_dma2 semaphore(%run_scoped3A_238 : memref<!tpu.dma_semaphore, #tpu.memory_space<semaphore_mem>>) src(%dma_wait3A_262 : memref<1x128xi32, #tpu.memory_space<hbm>>) dst(%dma_wait3A_259 : memref<1x128xi32, #tpu.memory_space<vmem>>)
        tpu.yield
      }) : () -> ()
      %run_scoped3A_234 = arith.constant 0 : i32
      %run_scoped3A_235 = arith.constant 0 : i32
      "tpu.region"() ({
        %run_scoped3A_238 = tpu.sem_alloc : memref<!tpu.dma_semaphore, #tpu.memory_space<semaphore_mem>>
        %dma_start3A_239 = arith.constant 0 : i32
        %dma_start3A_240 = arith.constant 0 : i32
        %dma_start3A_241 = tpu.memref_slice %arg8[%run_scoped3A_235, %dma_start3A_239, %dma_start3A_240] : memref<6x128x32xf32, #tpu.memory_space<vmem>> -> memref<1x128x32xf32, #tpu.memory_space<vmem>>
        %dma_start3A_242 = tpu.memref_squeeze %dma_start3A_241 : memref<1x128x32xf32, #tpu.memory_space<vmem>> -> memref<128x32xf32, #tpu.memory_space<vmem>>
        %dma_start3A_243 = arith.constant 0 : i32
        %dma_start3A_244 = tpu.memref_slice %arg7[%run_scoped3A_234, %dma_start3A_243] : memref<2x128xi32, #tpu.memory_space<vmem>> -> memref<1x128xi32, #tpu.memory_space<vmem>>
        %dma_start3A_245 = tpu.memref_squeeze %dma_start3A_244 : memref<1x128xi32, #tpu.memory_space<vmem>> -> memref<128xi32, #tpu.memory_space<vmem>>
        %dma_start3A_246 = arith.constant 0 : i32
        %dma_start3A_247 = arith.constant 0 : i32
        %dma_start3A_248 = tpu.memref_slice %arg10[%dma_start3A_246, %dma_start3A_247] : memref<10240x32xf32, #tpu.memory_space<vmem_shared>> -> memref<10240x32xf32, #tpu.memory_space<vmem_shared>>
        tpu.enqueue_indirect_dma source(%dma_start3A_248 : memref<10240x32xf32, #tpu.memory_space<vmem_shared>>) target(%dma_start3A_242 : memref<128x32xf32, #tpu.memory_space<vmem>>) offsets(%dma_start3A_245 : memref<128xi32, #tpu.memory_space<vmem>>) semaphore(%run_scoped3A_238 : memref<!tpu.dma_semaphore, #tpu.memory_space<semaphore_mem>>)
        %dma_wait3A_249 = arith.constant 0 : i32
        %dma_wait3A_250 = arith.constant 0 : i32
        %dma_wait3A_251 = tpu.memref_slice %arg8[%run_scoped3A_235, %dma_wait3A_249, %dma_wait3A_250] : memref<6x128x32xf32, #tpu.memory_space<vmem>> -> memref<1x128x32xf32, #tpu.memory_space<vmem>>
        %dma_wait3A_252 = tpu.memref_squeeze %dma_wait3A_251 : memref<1x128x32xf32, #tpu.memory_space<vmem>> -> memref<128x32xf32, #tpu.memory_space<vmem>>
        %dma_wait3A_253 = arith.constant 0 : i32
        %dma_wait3A_254 = tpu.memref_slice %arg7[%run_scoped3A_234, %dma_wait3A_253] : memref<2x128xi32, #tpu.memory_space<vmem>> -> memref<1x128xi32, #tpu.memory_space<vmem>>
        %dma_wait3A_255 = tpu.memref_squeeze %dma_wait3A_254 : memref<1x128xi32, #tpu.memory_space<vmem>> -> memref<128xi32, #tpu.memory_space<vmem>>
        %dma_wait3A_256 = arith.constant 0 : i32
        %dma_wait3A_257 = arith.constant 0 : i32
        %dma_wait3A_258 = tpu.memref_slice %arg10[%dma_wait3A_256, %dma_wait3A_257] : memref<10240x32xf32, #tpu.memory_space<vmem_shared>> -> memref<10240x32xf32, #tpu.memory_space<vmem_shared>>
        tpu.wait_indirect_dma semaphore(%run_scoped3A_238 : memref<!tpu.dma_semaphore, #tpu.memory_space<semaphore_mem>>) src(%dma_wait3A_258 : memref<10240x32xf32, #tpu.memory_space<vmem_shared>>) dst(%dma_wait3A_252 : memref<128x32xf32, #tpu.memory_space<vmem>>)
        tpu.yield
      }) : () -> ()
      %run_scoped3A_236 = arith.constant 0 : i32
      %run_scoped3A_237 = arith.constant 1 : i32
      "tpu.region"() ({
        %run_scoped3A_238 = tpu.sem_alloc : memref<!tpu.dma_semaphore, #tpu.memory_space<semaphore_mem>>
        %dma_start3A_239 = arith.constant 0 : i32
        %dma_start3A_240 = arith.constant 0 : i32
        %dma_start3A_241 = tpu.memref_slice %arg8[%run_scoped3A_236, %dma_start3A_239, %dma_start3A_240] : memref<6x128x32xf32, #tpu.memory_space<vmem>> -> memref<1x128x32xf32, #tpu.memory_space<vmem>>
        %dma_start3A_242 = tpu.memref_squeeze %dma_start3A_241 : memref<1x128x32xf32, #tpu.memory_space<vmem>> -> memref<128x32xf32, #tpu.memory_space<vmem>>
        %dma_start3A_243 = arith.constant 0 : i32
        %dma_start3A_244 = tpu.memref_slice %arg7[%run_scoped3A_237, %dma_start3A_243] : memref<2x128xi32, #tpu.memory_space<vmem>> -> memref<1x128xi32, #tpu.memory_space<vmem>>
        %dma_start3A_245 = tpu.memref_squeeze %dma_start3A_244 : memref<1x128xi32, #tpu.memory_space<vmem>> -> memref<128xi32, #tpu.memory_space<vmem>>
        %dma_start3A_246 = arith.constant 0 : i32
        %dma_start3A_247 = arith.constant 0 : i32
        %dma_start3A_248 = tpu.memref_slice %arg11[%dma_start3A_246, %dma_start3A_247] : memref<10240x32xf32, #tpu.memory_space<vmem_shared>> -> memref<10240x32xf32, #tpu.memory_space<vmem_shared>>
        tpu.enqueue_indirect_dma source(%dma_start3A_242 : memref<128x32xf32, #tpu.memory_space<vmem>>) target(%dma_start3A_248 : memref<10240x32xf32, #tpu.memory_space<vmem_shared>>) offsets(%dma_start3A_245 : memref<128xi32, #tpu.memory_space<vmem>>) semaphore(%run_scoped3A_238 : memref<!tpu.dma_semaphore, #tpu.memory_space<semaphore_mem>>) {add = true}
        %dma_wait3A_249 = arith.constant 0 : i32
        %dma_wait3A_250 = arith.constant 0 : i32
        %dma_wait3A_251 = tpu.memref_slice %arg8[%run_scoped3A_236, %dma_wait3A_249, %dma_wait3A_250] : memref<6x128x32xf32, #tpu.memory_space<vmem>> -> memref<1x128x32xf32, #tpu.memory_space<vmem>>
        %dma_wait3A_252 = tpu.memref_squeeze %dma_wait3A_251 : memref<1x128x32xf32, #tpu.memory_space<vmem>> -> memref<128x32xf32, #tpu.memory_space<vmem>>
        %dma_wait3A_253 = arith.constant 0 : i32
        %dma_wait3A_254 = tpu.memref_slice %arg7[%run_scoped3A_237, %dma_wait3A_253] : memref<2x128xi32, #tpu.memory_space<vmem>> -> memref<1x128xi32, #tpu.memory_space<vmem>>
        %dma_wait3A_255 = tpu.memref_squeeze %dma_wait3A_254 : memref<1x128xi32, #tpu.memory_space<vmem>> -> memref<128xi32, #tpu.memory_space<vmem>>
        %dma_wait3A_256 = arith.constant 0 : i32
        %dma_wait3A_257 = arith.constant 0 : i32
        %dma_wait3A_258 = tpu.memref_slice %arg11[%dma_wait3A_256, %dma_wait3A_257] : memref<10240x32xf32, #tpu.memory_space<vmem_shared>> -> memref<10240x32xf32, #tpu.memory_space<vmem_shared>>
        tpu.wait_indirect_dma semaphore(%run_scoped3A_238 : memref<!tpu.dma_semaphore, #tpu.memory_space<semaphore_mem>>) src(%dma_wait3A_252 : memref<128x32xf32, #tpu.memory_space<vmem>>) dst(%dma_wait3A_258 : memref<10240x32xf32, #tpu.memory_space<vmem_shared>>)
        tpu.yield
      }) : () -> ()
    } else {
    }
    %barrier3A_222 = arith.constant 0 : index
    tpu.barrier barrier_id(%barrier3A_222)
    %scan3A_223 = arith.constant 0 : i32
    %scan3A_224 = arith.constant 5 : i32
    %scan3A_225 = arith.addi %scan3A_223, %scan3A_224 : i32
    %scan3A_226 = arith.constant 1 : i32
    scf.for %scan3A_228 = %scan3A_223 to %scan3A_225 step %scan3A_226  : i32 {
      %mul3A_229 = arith.constant 128 : i32
      %mul3A_230 = arith.muli %scan3A_228, %mul3A_229 : i32
      %add3A_231 = arith.addi %mul3A_7, %mul3A_230 : i32
      "tpu.region"() ({
        %run_scoped3A_232 = tpu.sem_alloc : memref<!tpu.dma_semaphore, #tpu.memory_space<semaphore_mem>>
        %dma_start3A_233 = arith.constant 0 : i32
        %dma_start3A_234 = tpu.memref_slice %arg4[%arg0, %add3A_231, %dma_start3A_233] : memref<2x10240x32xf32, #tpu.memory_space<hbm>> -> memref<1x128x32xf32, #tpu.memory_space<hbm>>
        %dma_start3A_235 = tpu.memref_squeeze %dma_start3A_234 : memref<1x128x32xf32, #tpu.memory_space<hbm>> -> memref<128x32xf32, #tpu.memory_space<hbm>>
        %dma_start3A_236 = arith.constant 0 : i32
        %dma_start3A_237 = tpu.memref_slice %arg11[%add3A_231, %dma_start3A_236] : memref<10240x32xf32, #tpu.memory_space<vmem_shared>> -> memref<128x32xf32, #tpu.memory_space<vmem_shared>>
        tpu.enqueue_dma source(%dma_start3A_237 : memref<128x32xf32, #tpu.memory_space<vmem_shared>>) target(%dma_start3A_235 : memref<128x32xf32, #tpu.memory_space<hbm>>) target_semaphore(%run_scoped3A_232 : memref<!tpu.dma_semaphore, #tpu.memory_space<semaphore_mem>>)
        %dma_wait3A_238 = arith.constant 0 : i32
        %dma_wait3A_239 = tpu.memref_slice %arg4[%arg0, %add3A_231, %dma_wait3A_238] : memref<2x10240x32xf32, #tpu.memory_space<hbm>> -> memref<1x128x32xf32, #tpu.memory_space<hbm>>
        %dma_wait3A_240 = tpu.memref_squeeze %dma_wait3A_239 : memref<1x128x32xf32, #tpu.memory_space<hbm>> -> memref<128x32xf32, #tpu.memory_space<hbm>>
        %dma_wait3A_241 = arith.constant 0 : i32
        %dma_wait3A_242 = tpu.memref_slice %arg11[%add3A_231, %dma_wait3A_241] : memref<10240x32xf32, #tpu.memory_space<vmem_shared>> -> memref<128x32xf32, #tpu.memory_space<vmem_shared>>
        tpu.wait_dma2 semaphore(%run_scoped3A_232 : memref<!tpu.dma_semaphore, #tpu.memory_space<semaphore_mem>>) src(%dma_wait3A_242 : memref<128x32xf32, #tpu.memory_space<vmem_shared>>) dst(%dma_wait3A_240 : memref<128x32xf32, #tpu.memory_space<hbm>>)
        tpu.yield
      }) : () -> ()
    }
    %scan3A_227 = arith.constant 5 : i32
    return
  }
}

module attributes {stable_mosaic.version = 14 : i64} {
  func.func @body(%arg0: i32, %arg1: memref<2000x128xf32, #tpu.memory_space<vmem>>, %arg2: memref<128x64xf32, #tpu.memory_space<vmem>>, %arg3: memref<2000x64xf32, #tpu.memory_space<vmem>>) attributes {dimension_semantics = [#tpu.dimension_semantics<arbitrary>], iteration_bounds = array<i64: 5>, scalar_prefetch = 0 : i64, scratch_operands = 0 : i64, tpu.core_type = #tpu.core_type<tc>, window_params = [{transform_indices = @transform_0, window_bounds = array<i64: 2000, 128>}, {pipeline_mode = #tpu.pipeline_mode<synchronous>, transform_indices = @transform_1, window_bounds = array<i64: 128, 64>}, {transform_indices = @transform_2, window_bounds = array<i64: 2000, 64>}]} {
    %get3A = arith.constant 0 : index
    %get3A_0 = arith.constant 0 : index
    %get3A_1 = vector.load %arg1[%get3A, %get3A_0] : memref<2000x128xf32, #tpu.memory_space<vmem>>, vector<2000x128xf32>
    %get3A_2 = arith.constant 0 : index
    %get3A_3 = arith.constant 0 : index
    %get3A_4 = vector.load %arg2[%get3A_2, %get3A_3] : memref<128x64xf32, #tpu.memory_space<vmem>>, vector<128x64xf32>
    %dot_general3A = arith.constant dense<0.000000e+00> : vector<2000x64xf32>
    %dot_general3A_5 = tpu.matmul %get3A_1, %get3A_4, %dot_general3A {dimension_numbers = #tpu.dot_dimension_numbers<[1], [0], [0], [1], [0, 0, 1, 1], [], []>, transpose_lhs_hint = false} : vector<2000x128xf32>, vector<128x64xf32>, vector<2000x64xf32> -> vector<2000x64xf32>
    %swap3A = arith.constant 0 : index
    %swap3A_6 = arith.constant 0 : index
    %swap3A_7 = vector.load %arg3[%swap3A, %swap3A_6] : memref<2000x64xf32, #tpu.memory_space<vmem>>, vector<2000x64xf32>
    tpu.vector_store %arg3[%swap3A, %swap3A_6], %dot_general3A_5 {strides = array<i32>} : memref<2000x64xf32, #tpu.memory_space<vmem>>, vector<2000x64xf32>,
    return
  }
  func.func @transform_0(%arg0: i32) -> (i32, i32) {
    %c0_i32 = arith.constant 0 : i32
    %c0_i32_0 = arith.constant 0 : i32
    return %arg0, %c0_i32 : i32, i32
  }
  func.func @transform_1(%arg0: i32) -> (i32, i32) {
    %c0_i32 = arith.constant 0 : i32
    %c0_i32_0 = arith.constant 0 : i32
    %c0_i32_1 = arith.constant 0 : i32
    return %c0_i32, %c0_i32_0 : i32, i32
  }
  func.func @transform_2(%arg0: i32) -> (i32, i32) {
    %c0_i32 = arith.constant 0 : i32
    %c0_i32_0 = arith.constant 0 : i32
    return %arg0, %c0_i32 : i32, i32
  }
}

module attributes {stable_mosaic.version = 14 : i64} {
  func.func @body(%arg0: i32, %arg1: memref<2x2000x16xf32, #tpu.memory_space<vmem>>, %arg2: memref<2000x64xf32, #tpu.memory_space<vmem>>, %arg3: memref<2000x64xf32, #tpu.memory_space<vmem>>, %arg4: memref<2000x16xf32, #tpu.memory_space<vmem>>) attributes {dimension_semantics = [#tpu.dimension_semantics<arbitrary>], iteration_bounds = array<i64: 5>, scalar_prefetch = 0 : i64, scratch_operands = 0 : i64, tpu.core_type = #tpu.core_type<tc>, window_params = [{transform_indices = @transform_0, window_bounds = array<i64: 2, 2000, 16>}, {transform_indices = @transform_1, window_bounds = array<i64: 2000, 64>}, {transform_indices = @transform_2, window_bounds = array<i64: 2000, 64>}, {transform_indices = @transform_3, window_bounds = array<i64: 2000, 16>}]} {
    %get3A = arith.constant 0 : index
    %get3A_0 = arith.constant 0 : index
    %get3A_1 = arith.constant 0 : index
    %get3A_2 = vector.load %arg1[%get3A, %get3A_0, %get3A_1] : memref<2x2000x16xf32, #tpu.memory_space<vmem>>, vector<1x2000x1xf32>
    %get3A_3 = vector.shape_cast %get3A_2 : vector<1x2000x1xf32> to vector<2000x1xf32>
    %get3A_4 = arith.constant 1 : index
    %get3A_5 = arith.constant 0 : index
    %get3A_6 = arith.constant 0 : index
    %get3A_7 = vector.load %arg1[%get3A_4, %get3A_5, %get3A_6] : memref<2x2000x16xf32, #tpu.memory_space<vmem>>, vector<1x2000x1xf32>
    %get3A_8 = vector.shape_cast %get3A_7 : vector<1x2000x1xf32> to vector<2000x1xf32>
    %add3A = arith.addf %get3A_3, %get3A_8 : vector<2000x1xf32>
    %add3A_9 = arith.constant 1.000000e+00 : f32
    %add3A_10 = vector.broadcast %add3A_9 : f32 to vector<2000x1xf32>
    %add3A_11 = arith.addf %add3A, %add3A_10 : vector<2000x1xf32>
    %rsqrt3A = math.rsqrt %add3A_11 : vector<2000x1xf32>
    %broadcast_in_dim3A = vector.shape_cast %rsqrt3A : vector<2000x1xf32> to vector<2000x1xf32>
    %broadcast_in_dim3A_12 = vector.broadcast %broadcast_in_dim3A : vector<2000x1xf32> to vector<2000x16xf32>
    %swap3A = arith.constant 0 : index
    %swap3A_13 = arith.constant 0 : index
    %swap3A_14 = vector.load %arg4[%swap3A, %swap3A_13] : memref<2000x16xf32, #tpu.memory_space<vmem>>, vector<2000x16xf32>
    tpu.vector_store %arg4[%swap3A, %swap3A_13], %broadcast_in_dim3A_12 {strides = array<i32>} : memref<2000x16xf32, #tpu.memory_space<vmem>>, vector<2000x16xf32>,
    %get3A_15 = arith.constant 0 : index
    %get3A_16 = arith.constant 0 : index
    %get3A_17 = vector.load %arg2[%get3A_15, %get3A_16] : memref<2000x64xf32, #tpu.memory_space<vmem>>, vector<2000x64xf32>
    %mul3A = vector.broadcast %rsqrt3A : vector<2000x1xf32> to vector<2000x64xf32>
    %mul3A_18 = arith.mulf %mul3A, %get3A_17 : vector<2000x64xf32>
    %swap3A_19 = arith.constant 0 : index
    %swap3A_20 = arith.constant 0 : index
    %swap3A_21 = vector.load %arg3[%swap3A_19, %swap3A_20] : memref<2000x64xf32, #tpu.memory_space<vmem>>, vector<2000x64xf32>
    tpu.vector_store %arg3[%swap3A_19, %swap3A_20], %mul3A_18 {strides = array<i32>} : memref<2000x64xf32, #tpu.memory_space<vmem>>, vector<2000x64xf32>,
    return
  }
  func.func @transform_0(%arg0: i32) -> (i32, i32, i32) {
    %c0_i32 = arith.constant 0 : i32
    %c0_i32_0 = arith.constant 0 : i32
    %c0_i32_1 = arith.constant 0 : i32
    return %c0_i32, %arg0, %c0_i32_0 : i32, i32, i32
  }
  func.func @transform_1(%arg0: i32) -> (i32, i32) {
    %c0_i32 = arith.constant 0 : i32
    %c0_i32_0 = arith.constant 0 : i32
    return %arg0, %c0_i32 : i32, i32
  }
  func.func @transform_2(%arg0: i32) -> (i32, i32) {
    %c0_i32 = arith.constant 0 : i32
    %c0_i32_0 = arith.constant 0 : i32
    return %arg0, %c0_i32 : i32, i32
  }
  func.func @transform_3(%arg0: i32) -> (i32, i32) {
    %c0_i32 = arith.constant 0 : i32
    %c0_i32_0 = arith.constant 0 : i32
    return %arg0, %c0_i32 : i32, i32
  }
}

module attributes {stable_mosaic.version = 14 : i64} {
  func.func @body(%arg0: i32, %arg1: memref<2x2000x64xf32, #tpu.memory_space<vmem>>, %arg2: memref<2000x64xf32, #tpu.memory_space<vmem>>, %arg3: memref<2000x16xf32, #tpu.memory_space<vmem>>, %arg4: memref<1x64xf32, #tpu.memory_space<vmem>>, %arg5: memref<64x32xf32, #tpu.memory_space<vmem>>, %arg6: memref<2000x32xf32, #tpu.memory_space<vmem>>) attributes {dimension_semantics = [#tpu.dimension_semantics<arbitrary>], iteration_bounds = array<i64: 5>, scalar_prefetch = 0 : i64, scratch_operands = 0 : i64, tpu.core_type = #tpu.core_type<tc>, window_params = [{transform_indices = @transform_0, window_bounds = array<i64: 2, 2000, 64>}, {transform_indices = @transform_1, window_bounds = array<i64: 2000, 64>}, {transform_indices = @transform_2, window_bounds = array<i64: 2000, 16>}, {pipeline_mode = #tpu.pipeline_mode<synchronous>, transform_indices = @transform_3, window_bounds = array<i64: 1, 64>}, {pipeline_mode = #tpu.pipeline_mode<synchronous>, transform_indices = @transform_4, window_bounds = array<i64: 64, 32>}, {transform_indices = @transform_5, window_bounds = array<i64: 2000, 32>}]} {
    %get3A = arith.constant 0 : index
    %get3A_0 = arith.constant 0 : index
    %get3A_1 = vector.load %arg3[%get3A, %get3A_0] : memref<2000x16xf32, #tpu.memory_space<vmem>>, vector<2000x1xf32>
    %get3A_2 = arith.constant 0 : index
    %get3A_3 = arith.constant 0 : index
    %get3A_4 = arith.constant 0 : index
    %get3A_5 = vector.load %arg1[%get3A_2, %get3A_3, %get3A_4] : memref<2x2000x64xf32, #tpu.memory_space<vmem>>, vector<1x2000x64xf32>
    %get3A_6 = vector.shape_cast %get3A_5 : vector<1x2000x64xf32> to vector<2000x64xf32>
    %get3A_7 = arith.constant 1 : index
    %get3A_8 = arith.constant 0 : index
    %get3A_9 = arith.constant 0 : index
    %get3A_10 = vector.load %arg1[%get3A_7, %get3A_8, %get3A_9] : memref<2x2000x64xf32, #tpu.memory_space<vmem>>, vector<1x2000x64xf32>
    %get3A_11 = vector.shape_cast %get3A_10 : vector<1x2000x64xf32> to vector<2000x64xf32>
    %add3A = arith.addf %get3A_6, %get3A_11 : vector<2000x64xf32>
    %get3A_12 = arith.constant 0 : index
    %get3A_13 = arith.constant 0 : index
    %get3A_14 = vector.load %arg2[%get3A_12, %get3A_13] : memref<2000x64xf32, #tpu.memory_space<vmem>>, vector<2000x64xf32>
    %add3A_15 = arith.addf %add3A, %get3A_14 : vector<2000x64xf32>
    %mul3A = vector.broadcast %get3A_1 : vector<2000x1xf32> to vector<2000x64xf32>
    %mul3A_16 = arith.mulf %mul3A, %add3A_15 : vector<2000x64xf32>
    %get3A_17 = arith.constant 0 : index
    %get3A_18 = arith.constant 0 : index
    %get3A_19 = vector.load %arg4[%get3A_17, %get3A_18] : memref<1x64xf32, #tpu.memory_space<vmem>>, vector<1x64xf32>
    %add3A_20 = vector.broadcast %get3A_19 : vector<1x64xf32> to vector<2000x64xf32>
    %add3A_21 = arith.addf %mul3A_16, %add3A_20 : vector<2000x64xf32>
    %max3A = arith.constant 0.000000e+00 : f32
    %max3A_22 = vector.broadcast %max3A : f32 to vector<2000x64xf32>
    %max3A_23 = arith.maximumf %add3A_21, %max3A_22 : vector<2000x64xf32>
    %get3A_24 = arith.constant 0 : index
    %get3A_25 = arith.constant 0 : index
    %get3A_26 = vector.load %arg5[%get3A_24, %get3A_25] : memref<64x32xf32, #tpu.memory_space<vmem>>, vector<64x32xf32>
    %dot_general3A = arith.constant dense<0.000000e+00> : vector<2000x32xf32>
    %dot_general3A_27 = tpu.matmul %max3A_23, %get3A_26, %dot_general3A {dimension_numbers = #tpu.dot_dimension_numbers<[1], [0], [0], [1], [0, 0, 1, 1], [], []>, transpose_lhs_hint = false} : vector<2000x64xf32>, vector<64x32xf32>, vector<2000x32xf32> -> vector<2000x32xf32>
    %mul3A_28 = vector.broadcast %get3A_1 : vector<2000x1xf32> to vector<2000x32xf32>
    %mul3A_29 = arith.mulf %mul3A_28, %dot_general3A_27 : vector<2000x32xf32>
    %swap3A = arith.constant 0 : index
    %swap3A_30 = arith.constant 0 : index
    %swap3A_31 = vector.load %arg6[%swap3A, %swap3A_30] : memref<2000x32xf32, #tpu.memory_space<vmem>>, vector<2000x32xf32>
    tpu.vector_store %arg6[%swap3A, %swap3A_30], %mul3A_29 {strides = array<i32>} : memref<2000x32xf32, #tpu.memory_space<vmem>>, vector<2000x32xf32>,
    return
  }
  func.func @transform_0(%arg0: i32) -> (i32, i32, i32) {
    %c0_i32 = arith.constant 0 : i32
    %c0_i32_0 = arith.constant 0 : i32
    %c0_i32_1 = arith.constant 0 : i32
    return %c0_i32, %arg0, %c0_i32_0 : i32, i32, i32
  }
  func.func @transform_1(%arg0: i32) -> (i32, i32) {
    %c0_i32 = arith.constant 0 : i32
    %c0_i32_0 = arith.constant 0 : i32
    return %arg0, %c0_i32 : i32, i32
  }
  func.func @transform_2(%arg0: i32) -> (i32, i32) {
    %c0_i32 = arith.constant 0 : i32
    %c0_i32_0 = arith.constant 0 : i32
    return %arg0, %c0_i32 : i32, i32
  }
  func.func @transform_3(%arg0: i32) -> (i32, i32) {
    %c0_i32 = arith.constant 0 : i32
    %c0_i32_0 = arith.constant 0 : i32
    %c0_i32_1 = arith.constant 0 : i32
    return %c0_i32, %c0_i32_0 : i32, i32
  }
  func.func @transform_4(%arg0: i32) -> (i32, i32) {
    %c0_i32 = arith.constant 0 : i32
    %c0_i32_0 = arith.constant 0 : i32
    %c0_i32_1 = arith.constant 0 : i32
    return %c0_i32, %c0_i32_0 : i32, i32
  }
  func.func @transform_5(%arg0: i32) -> (i32, i32) {
    %c0_i32 = arith.constant 0 : i32
    %c0_i32_0 = arith.constant 0 : i32
    return %arg0, %c0_i32 : i32, i32
  }
}

module attributes {stable_mosaic.version = 14 : i64} {
  func.func @body(%arg0: i32, %arg1: memref<2x2000x32xf32, #tpu.memory_space<vmem>>, %arg2: memref<2000x32xf32, #tpu.memory_space<vmem>>, %arg3: memref<2000x16xf32, #tpu.memory_space<vmem>>, %arg4: memref<1x32xf32, #tpu.memory_space<vmem>>, %arg5: memref<32x10xf32, #tpu.memory_space<vmem>>, %arg6: memref<1x10xf32, #tpu.memory_space<vmem>>, %arg7: memref<1x10xf32, #tpu.memory_space<vmem>>, %arg8: memref<1x32xf32, #tpu.memory_space<vmem>>) attributes {dimension_semantics = [#tpu.dimension_semantics<arbitrary>], iteration_bounds = array<i64: 5>, scalar_prefetch = 0 : i64, scratch_operands = 1 : i64, tpu.core_type = #tpu.core_type<tc>, window_params = [{transform_indices = @transform_0, window_bounds = array<i64: 2, 2000, 32>}, {transform_indices = @transform_1, window_bounds = array<i64: 2000, 32>}, {transform_indices = @transform_2, window_bounds = array<i64: 2000, 16>}, {pipeline_mode = #tpu.pipeline_mode<synchronous>, transform_indices = @transform_3, window_bounds = array<i64: 1, 32>}, {pipeline_mode = #tpu.pipeline_mode<synchronous>, transform_indices = @transform_4, window_bounds = array<i64: 32, 10>}, {pipeline_mode = #tpu.pipeline_mode<synchronous>, transform_indices = @transform_5, window_bounds = array<i64: 1, 10>}, {pipeline_mode = #tpu.pipeline_mode<synchronous>, transform_indices = @transform_6, window_bounds = array<i64: 1, 10>}]} {
    %get3A = arith.constant 0 : index
    %get3A_0 = arith.constant 0 : index
    %get3A_1 = vector.load %arg3[%get3A, %get3A_0] : memref<2000x16xf32, #tpu.memory_space<vmem>>, vector<2000x1xf32>
    %get3A_2 = arith.constant 0 : index
    %get3A_3 = arith.constant 0 : index
    %get3A_4 = arith.constant 0 : index
    %get3A_5 = vector.load %arg1[%get3A_2, %get3A_3, %get3A_4] : memref<2x2000x32xf32, #tpu.memory_space<vmem>>, vector<1x2000x32xf32>
    %get3A_6 = vector.shape_cast %get3A_5 : vector<1x2000x32xf32> to vector<2000x32xf32>
    %get3A_7 = arith.constant 1 : index
    %get3A_8 = arith.constant 0 : index
    %get3A_9 = arith.constant 0 : index
    %get3A_10 = vector.load %arg1[%get3A_7, %get3A_8, %get3A_9] : memref<2x2000x32xf32, #tpu.memory_space<vmem>>, vector<1x2000x32xf32>
    %get3A_11 = vector.shape_cast %get3A_10 : vector<1x2000x32xf32> to vector<2000x32xf32>
    %add3A = arith.addf %get3A_6, %get3A_11 : vector<2000x32xf32>
    %get3A_12 = arith.constant 0 : index
    %get3A_13 = arith.constant 0 : index
    %get3A_14 = vector.load %arg2[%get3A_12, %get3A_13] : memref<2000x32xf32, #tpu.memory_space<vmem>>, vector<2000x32xf32>
    %add3A_15 = arith.addf %add3A, %get3A_14 : vector<2000x32xf32>
    %mul3A = vector.broadcast %get3A_1 : vector<2000x1xf32> to vector<2000x32xf32>
    %mul3A_16 = arith.mulf %mul3A, %add3A_15 : vector<2000x32xf32>
    %get3A_17 = arith.constant 0 : index
    %get3A_18 = arith.constant 0 : index
    %get3A_19 = vector.load %arg4[%get3A_17, %get3A_18] : memref<1x32xf32, #tpu.memory_space<vmem>>, vector<1x32xf32>
    %add3A_20 = vector.broadcast %get3A_19 : vector<1x32xf32> to vector<2000x32xf32>
    %add3A_21 = arith.addf %mul3A_16, %add3A_20 : vector<2000x32xf32>
    %max3A = arith.constant 0.000000e+00 : f32
    %max3A_22 = vector.broadcast %max3A : f32 to vector<2000x32xf32>
    %max3A_23 = arith.maximumf %add3A_21, %max3A_22 : vector<2000x32xf32>
    %reduce_sum3A = arith.constant dense<0.000000e+00> : vector<32xf32>
    %reduce_sum3A_24 = vector.multi_reduction <add>, %max3A_23, %reduce_sum3A [0] : vector<2000x32xf32> to vector<32xf32>
    %broadcast_in_dim3A = vector.shape_cast %reduce_sum3A_24 : vector<32xf32> to vector<1x32xf32>
    %eq3A = arith.constant 0 : i32
    %eq3A_25 = arith.cmpi eq, %arg0, %eq3A : i32
    %convert_element_type3A = arith.extui %eq3A_25 : i1 to i32
    %cond3A = arith.constant 0 : i32
    %cond3A_26 = arith.cmpi ne, %convert_element_type3A, %cond3A : i32
    scf.if %cond3A_26 {
      %broadcast_in_dim3A_38 = arith.constant 0.000000e+00 : f32
      %broadcast_in_dim3A_39 = vector.broadcast %broadcast_in_dim3A_38 : f32 to vector<1x32xf32>
      %swap3A_40 = arith.constant 0 : index
      %swap3A_41 = arith.constant 0 : index
      %swap3A_42 = vector.load %arg8[%swap3A_40, %swap3A_41] : memref<1x32xf32, #tpu.memory_space<vmem>>, vector<1x32xf32>
      tpu.vector_store %arg8[%swap3A_40, %swap3A_41], %broadcast_in_dim3A_39 {strides = array<i32>} : memref<1x32xf32, #tpu.memory_space<vmem>>, vector<1x32xf32>,
    } else {
    }
    %get3A_27 = arith.constant 0 : index
    %get3A_28 = arith.constant 0 : index
    %get3A_29 = vector.load %arg8[%get3A_27, %get3A_28] : memref<1x32xf32, #tpu.memory_space<vmem>>, vector<1x32xf32>
    %add3A_30 = arith.addf %get3A_29, %broadcast_in_dim3A : vector<1x32xf32>
    %swap3A = arith.constant 0 : index
    %swap3A_31 = arith.constant 0 : index
    %swap3A_32 = vector.load %arg8[%swap3A, %swap3A_31] : memref<1x32xf32, #tpu.memory_space<vmem>>, vector<1x32xf32>
    tpu.vector_store %arg8[%swap3A, %swap3A_31], %add3A_30 {strides = array<i32>} : memref<1x32xf32, #tpu.memory_space<vmem>>, vector<1x32xf32>,
    %eq3A_33 = arith.constant 4 : i32
    %eq3A_34 = arith.cmpi eq, %arg0, %eq3A_33 : i32
    %convert_element_type3A_35 = arith.extui %eq3A_34 : i1 to i32
    %cond3A_36 = arith.constant 0 : i32
    %cond3A_37 = arith.cmpi ne, %convert_element_type3A_35, %cond3A_36 : i32
    scf.if %cond3A_37 {
      %get3A_38 = arith.constant 0 : index
      %get3A_39 = arith.constant 0 : index
      %get3A_40 = vector.load %arg8[%get3A_38, %get3A_39] : memref<1x32xf32, #tpu.memory_space<vmem>>, vector<1x32xf32>
      %mul3A_41 = arith.constant 9.99999974E-5 : f32
      %mul3A_42 = vector.broadcast %mul3A_41 : f32 to vector<1x32xf32>
      %mul3A_43 = arith.mulf %get3A_40, %mul3A_42 : vector<1x32xf32>
      %get3A_44 = arith.constant 0 : index
      %get3A_45 = arith.constant 0 : index
      %get3A_46 = vector.load %arg5[%get3A_44, %get3A_45] : memref<32x10xf32, #tpu.memory_space<vmem>>, vector<32x10xf32>
      %dot_general3A = arith.constant dense<0.000000e+00> : vector<1x10xf32>
      %dot_general3A_47 = tpu.matmul %mul3A_43, %get3A_46, %dot_general3A {dimension_numbers = #tpu.dot_dimension_numbers<[1], [0], [0], [1], [0, 0, 1, 1], [], []>, transpose_lhs_hint = false} : vector<1x32xf32>, vector<32x10xf32>, vector<1x10xf32> -> vector<1x10xf32>
      %get3A_48 = arith.constant 0 : index
      %get3A_49 = arith.constant 0 : index
      %get3A_50 = vector.load %arg6[%get3A_48, %get3A_49] : memref<1x10xf32, #tpu.memory_space<vmem>>, vector<1x10xf32>
      %add3A_51 = arith.addf %dot_general3A_47, %get3A_50 : vector<1x10xf32>
      %swap3A_52 = arith.constant 0 : index
      %swap3A_53 = arith.constant 0 : index
      %swap3A_54 = vector.load %arg7[%swap3A_52, %swap3A_53] : memref<1x10xf32, #tpu.memory_space<vmem>>, vector<1x10xf32>
      tpu.vector_store %arg7[%swap3A_52, %swap3A_53], %add3A_51 {strides = array<i32>} : memref<1x10xf32, #tpu.memory_space<vmem>>, vector<1x10xf32>,
    } else {
    }
    return
  }
  func.func @transform_0(%arg0: i32) -> (i32, i32, i32) {
    %c0_i32 = arith.constant 0 : i32
    %c0_i32_0 = arith.constant 0 : i32
    %c0_i32_1 = arith.constant 0 : i32
    return %c0_i32, %arg0, %c0_i32_0 : i32, i32, i32
  }
  func.func @transform_1(%arg0: i32) -> (i32, i32) {
    %c0_i32 = arith.constant 0 : i32
    %c0_i32_0 = arith.constant 0 : i32
    return %arg0, %c0_i32 : i32, i32
  }
  func.func @transform_2(%arg0: i32) -> (i32, i32) {
    %c0_i32 = arith.constant 0 : i32
    %c0_i32_0 = arith.constant 0 : i32
    return %arg0, %c0_i32 : i32, i32
  }
  func.func @transform_3(%arg0: i32) -> (i32, i32) {
    %c0_i32 = arith.constant 0 : i32
    %c0_i32_0 = arith.constant 0 : i32
    %c0_i32_1 = arith.constant 0 : i32
    return %c0_i32, %c0_i32_0 : i32, i32
  }
  func.func @transform_4(%arg0: i32) -> (i32, i32) {
    %c0_i32 = arith.constant 0 : i32
    %c0_i32_0 = arith.constant 0 : i32
    %c0_i32_1 = arith.constant 0 : i32
    return %c0_i32, %c0_i32_0 : i32, i32
  }
  func.func @transform_5(%arg0: i32) -> (i32, i32) {
    %c0_i32 = arith.constant 0 : i32
    %c0_i32_0 = arith.constant 0 : i32
    %c0_i32_1 = arith.constant 0 : i32
    return %c0_i32, %c0_i32_0 : i32, i32
  }
  func.func @transform_6(%arg0: i32) -> (i32, i32) {
    %c0_i32 = arith.constant 0 : i32
    %c0_i32_0 = arith.constant 0 : i32
    %c0_i32_1 = arith.constant 0 : i32
    return %c0_i32, %c0_i32_0 : i32, i32
  }
}

</mosaic_0001>

<sc_bundles>
// kernel: kernel.12.cloned.1.call-start
scs
__scs_entry_jumppad:
0x0: {  	(pc) =	sbr.rel $0x88, $3  }
0x1: {  	(tag) =	ssettag $0x0;
	lr =	simm.s32 $0x1  }
0x2: {  	[smem:$0x3F99] =	sst lr;
	_ =	strace $0xD0000000  }
0x3: {  	_ = 	snop  }
0x4: {  	_ = 	snop  }
0x5: {  	_ = 	snop  }
0x6: {  	_ = 	snop  }
0x7: {  	_ = 	snop  }
__scs_overlays_trampoline_lowered:
0x8: {  	[smem:$0x3FA8] =	sst s0  }
0x9: {  	[smem:$0x3FA9] =	sst s1  }
0xa: {  	[smem:$0x3FAA] =	sst s2  }
0xb: {  	[smem:$0x3FAB] =	sst s3  }
0xc: {  	[smem:$0x3FAC] =	sst s4  }
0xd: {  	[smem:$0x3FAD] =	sst s5  }
0xe: {  	[smem:$0x3FAE] =	sst s6  }
0xf: {  	[smem:$0x3FAF] =	sst s7  }
0x10: {  	[smem:$0x3FB0] =	sst s8  }
0x11: {  	[smem:$0x3FB1] =	sst s9;
	s0 =	simm.s32 @!p0 $0x0  }
0x12: {  	s1 =	sld [smem:$0x3F97];
	s0 =	simm.s32 @p0 $0x1  }
0x13: {  	[smem:$0x3FB2] =	sst s0;
	s0 =	simm.s32 @!p1 $0x0  }
0x14: {  	s2 =	sld [smem:$0x3F96];
	s0 =	simm.s32 @p1 $0x1  }
0x15: {  	[smem:$0x3FB3] =	sst s0;
	s0 =	simm.s32 @!p2 $0x0  }
0x16: {  	s3 =	sld [smem:$0x3FDB];
	s0 =	simm.s32 @p2 $0x1  }
0x17: {  	s4 =	simm.s32 $0x1BF5;
	[smem:$0x3FB5] =	sst s0  }
0x18: {  	s0 =	sld [smem:$0x3F98];
	_ =	swait.ge [sflag:s4], $0x0  }
0x19: {  	s7 =	sld [smem:$0x3F99]  }
0x1a: {  	s8 =	sadd.s32 $0xFFFFE003, lr  }
0x1b: {  	s9 =	sadd.s32 $0xFFFFFEF7, lr;
	s5 =	simm.s32 $0xFFFFFFFF;
	p2 =	slt.u32 s8, $0xFFFFF086  }
0x1c: {  	p1 =	slt.u32 s9, $0xF7A;
	s5 =	simm.s32 @!p2 $0x0  }
0x1d: {  	s5 =	simm.s32 @p1 $0x1;
	p0 =	seq.s32 s7, s2  }
0x1e: {  	s7 =	smul.u32 @!p0 $0xF7A, s2;
	p2 =	seq.s32 @!p0 s5, $0x0  }
0x1f: {  	s9 =	smul.u32 $0xF7A, s1;
	s8 =	simm.s32 @!p0 $0x1BF5;
	p2 =	por !p2, p0  }
0x20: {  	[sflag:s8] =	ssyncset.s32 @!p0 $0xFFFFF086;
	s6 =	sadd.s32 @!p0 s3, s7;
	s7 =	simm.s32 @!p0 $0x108  }
0x21: {  	s3 =	sadd.s32 s3, s9;
	s6 =	sadd.s32 @!p0 $0x88, s6;
	s7 =	simm.s32 @p2 $0x1082  }
0x22: {  	[simem:s7], [sflag:s8] =	dma.local @!p0 [hbm:s6], $0xF7A  }
0x23: {  	s9 =	sor.u32 $0xD0000000, s2;
	s6 =	simm.s32 $0x108;
	_ =	swait.ge @!p0 [sflag:s8], $0x0  }
0x24: {  	s3 =	sadd.s32 $0x88, s3;
	s6 =	simm.s32 @!p1 $0x1082;
	[sflag:s4] =	ssyncset.s32 $0xFFFFF086  }
0x25: {  	[simem:s6], [sflag:s4] =	dma.local [hbm:s3], $0xF7A  }
0x26: {  	[smem:$0x3F99] =	sst s1;
	(tag) =	ssettag s2;
	_ =	strace s9  }
0x27: {  	s1 =	sld [smem:$0x3FA9]  }
0x28: {  	s2 =	sld [smem:$0x3FAA]  }
0x29: {  	s4 =	sld [smem:$0x3FAC]  }
0x2a: {  	p0 =	seq.s32 s5, $0x0;
	s5 =	sld [smem:$0x3FAD]  }
0x2b: {  	s6 =	sld [smem:$0x3FAE]  }
0x2c: {  	s7 =	sld [smem:$0x3FAF]  }
0x2d: {  	s3 =	simm.s32 $0x108;
	s8 =	sld [smem:$0x3FB0]  }
0x2e: {  	s3 =	simm.s32 @!p0 $0x1082;
	s9 =	sld [smem:$0x3FB1]  }
0x2f: {  	lr =	sadd.s32 s0, s3;
	s0 =	sld [smem:$0x3FA8]  }
0x30: {  	s3 =	sld [smem:$0x3FAB]  }
0x31: {  	[smem:$0x3FB4] =	sst s10  }
0x32: {  	s10 =	sld [smem:$0x3FB2];
	_ =	sdelay $0x3  }
0x33: {  	p0 =	seq.s32 s10, $0x1;
	s10 =	sld [smem:$0x3FB4];
	_ =	sdelay $0x3  }
0x34: {  	[smem:$0x3FB4] =	sst s10  }
0x35: {  	s10 =	sld [smem:$0x3FB3];
	_ =	sdelay $0x3  }
0x36: {  	p1 =	seq.s32 s10, $0x1;
	s10 =	sld [smem:$0x3FB4];
	_ =	sdelay $0x3  }
0x37: {  	[smem:$0x3FB4] =	sst s10  }
0x38: {  	s10 =	sld [smem:$0x3FB5]  }
0x39: {  	_ = 	snop;
	(pc) =	sbr.ind lr, $3  }
0x3a: {  	_ = 	snop  }
0x3b: {  	_ = 	snop  }
0x3c: {  	p2 =	seq.s32 s10, $0x1;
	s10 =	sld [smem:$0x3FB4]  }
0x3d: {  	_ =	shalt  }
0x3e: {  	_ =	shalt  }
0x3f: {  	_ =	shalt  }
0x40: {  	_ =	shalt  }
0x41: {  	_ =	shalt  }
0x42: {  	_ =	shalt  }
0x43: {  	_ =	shalt  }
0x44: {  	_ =	shalt  }
0x45: {  	_ =	shalt  }
0x46: {  	_ =	shalt  }
0x47: {  	_ =	shalt  }
0x48: {  	_ =	shalt  }
0x49: {  	_ =	shalt  }
0x4a: {  	_ =	shalt  }
0x4b: {  	_ =	shalt  }
0x4c: {  	_ =	shalt  }
0x4d: {  	_ =	shalt  }
0x4e: {  	_ =	shalt  }
0x4f: {  	_ =	shalt  }
0x50: {  	_ =	shalt  }
0x51: {  	_ =	shalt  }
0x52: {  	_ =	shalt  }
0x53: {  	_ =	shalt  }
0x54: {  	_ =	shalt  }
0x55: {  	_ =	shalt  }
0x56: {  	_ =	shalt  }
0x57: {  	_ =	shalt  }
0x58: {  	_ =	shalt  }
0x59: {  	_ =	shalt  }
0x5a: {  	_ =	shalt  }
0x5b: {  	_ =	shalt  }
0x5c: {  	_ =	shalt  }
0x5d: {  	_ =	shalt  }
0x5e: {  	_ =	shalt  }
0x5f: {  	_ =	shalt  }
0x60: {  	_ =	shalt  }
0x61: {  	_ =	shalt  }
0x62: {  	_ =	shalt  }
0x63: {  	_ =	shalt  }
0x64: {  	_ =	shalt  }
0x65: {  	_ =	shalt  }
0x66: {  	_ =	shalt  }
0x67: {  	_ =	shalt  }
0x68: {  	_ =	shalt  }
0x69: {  	_ =	shalt  }
0x6a: {  	_ =	shalt  }
0x6b: {  	_ =	shalt  }
0x6c: {  	_ =	shalt  }
0x6d: {  	_ =	shalt  }
0x6e: {  	_ =	shalt  }
0x6f: {  	_ =	shalt  }
0x70: {  	_ =	shalt  }
0x71: {  	_ =	shalt  }
0x72: {  	_ =	shalt  }
0x73: {  	_ =	shalt  }
0x74: {  	_ =	shalt  }
0x75: {  	_ =	shalt  }
0x76: {  	_ =	shalt  }
0x77: {  	_ =	shalt  }
0x78: {  	_ =	shalt  }
0x79: {  	_ =	shalt  }
0x7a: {  	_ =	shalt  }
0x7b: {  	_ =	shalt  }
0x7c: {  	_ =	shalt  }
0x7d: {  	_ =	shalt  }
0x7e: {  	_ =	shalt  }
0x7f: {  	_ =	shalt  }
0x80: {  	_ =	shalt  }
0x81: {  	_ =	shalt  }
0x82: {  	_ =	shalt  }
0x83: {  	_ =	shalt  }
0x84: {  	_ =	shalt  }
0x85: {  	_ =	shalt  }
0x86: {  	_ =	shalt  }
0x87: {  	_ =	shalt  }
.Lfunc_end0:
.L_simem_size_0:
called_computation.1_lowered:
.L_overlay_start_0:
0x88: {  	s2 =	sld [smem:$0x3FD9]  }
0x89: {  	s3 =	sld [smem:$0x3FFE];
	_ =	sdelay $0x1  }
0x8a: {  	s1 =	srdreg.scid  }
0x8b: {  	s0 =	sand.u32 $0x1, s1  }
0x8c: {  	s16 =	sshll.u32 s0, $0xA;
	s2 =	sadd.s32 s3, s2  }
0x8d: {  	s2 =	sadd.s32 s2, s16  }
0x8e: {  	[smem:$0x3FC0] =	sst s2  }
0x8f: {  	_ = 	snop  }
0x90: {  	(tm) =	ssettm $0x1  }
0x91: {  	s17 =	sld [smem:$0x3FFB];
	_ =	sdelay $0x3  }
0x92: {  	_ =	strace s17  }
0x93: {  	s2 =	sld [smem:$0x3FFC];
	_ =	sdelay $0x3  }
0x94: {  	_ =	strace s2  }
0x95: {  	s2 =	sld [smem:$0x3FFD];
	_ =	sdelay $0x3  }
0x96: {  	_ =	strace s2  }
0x97: {  	_ =	strace $0x8FFFFFFF  }
0x98: {  	s18 =	sld [smem:$0x3FDB];
	_ =	sdelay $0x1  }
0x99: {  	s19 =	simm.s32 $_scs_section_size  }
0x9a: {  	s4 =	simm.s32 $_size__tile_overlayer_lowered;
	s5 =	simm.s32 $_tile_overlayer_lowered  }
0x9b: {  	s22 =	simm.s32 $0x1BFF;
	s21 =	sshll.u32 s5, $0x1;
	s2 =	sadd.s32 s19, s18  }
0x9c: {  	s6 =	simm.s32 $0x0;
	s20 =	sshll.u32 s4, $0x1;
	s4 =	sadd.s32 s21, s2  }
0x9d: {  	[timem:s6], [sflag:s22] =	dma.local [hbm:s4], s20  }
0x9e: {  	_ =	swait.ge [sflag:s22], s20  }
0x9f: {  	s3 =	ssub.s32 $0x0, s20;
	[sflag:s22] =	ssyncset.done $0x0  }
0xa0: {  	[sflag:s22] =	ssyncadd.s32 s3;
	_ =	sdelay $0x1  }
0xa1: {  	s23 =	simm.s32 $0x1B8B  }
0xa2: {  	_ =	swait.ge [sflag:s23], $0x1  }
0xa3: {  	[sflag:s23] =	ssyncset.done $0x0  }
0xa4: {  	s25 =	simm.s32 $0x1B8E;
	s24 =	sld [smem:$0x3FFE];
	[sflag:s23] =	ssyncadd.s32 $0xFFFFFFFF  }
0xa5: {  	s26 =	simm.s32 $execute0_lowered;
	[smem:$0x3FD2] =	sst s25  }
0xa6: {  	s4 =	sshll.u32 s26, $0x1;
	_ =	strace $0x80000049;
	[dreg:$0x1] =	wrdreg $0xFFFFFFFF  }
0xa7: {  	s28 =	simm.s32 $_size_execute0_lowered;
	s2 =	sadd.s32 s2, s4;
	[dreg:$0x0] =	wrdreg $0x0  }
0xa8: {  	s4 =	sshll.u32 s28, $0x1;
	[dreg:$0x2] =	wrdreg s2  }
0xa9: {  	[dreg:$0x3] =	wrdreg s4  }
0xaa: {  	[dreg:$0x4] =	wrdreg $0xC0  }
0xab: {  	_ =	task [dreg:s6], $0x5FFFF  }
0xac: {  	[dreg:$0x1] =	wrdreg $0xFFFFFFFF  }
0xad: {  	[dreg:$0x0] =	wrdreg $0x60  }
0xae: {  	[dreg:$0x2] =	wrdreg s24  }
0xaf: {  	[dreg:$0x3] =	wrdreg $0x98000  }
0xb0: {  	[dreg:$0x4] =	wrdreg $0x138000  }
0xb1: {  	[dreg:$0x5] =	wrdreg $0x9  }
0xb2: {  	_ =	task.clear_ibuf [dreg:s6], $0x6FFFF;
	_ =	strace $0x90000049  }
0xb3: {  	s29 =	simm.s32 $0x9;
	_ =	strace $0x8000004B  }
0xb4: {  	_ =	swait.ge [sflag:s29], $0x1  }
0xb5: {  	[sflag:s29] =	ssyncadd.s32 $0xFFFFFFFF  }
0xb6: {  	_ =	strace $0x9000004B  }
0xb7: {  	_ =	sfence  }
0xb8: {  	s30 =	sld [smem:$0x0];
	_ =	sdelay $0x2  }
0xb9: {  	s31 =	sshll.u32 s1, $0xD;
	s1 =	sshrl.u32 s1, $0x2  }
0xba: {  	s3 =	sand.u32 $0x4000, s31;
	s1 =	sadd.s32 s1, s30  }
0xbb: {  	s0 =	sor.u32 s3, s0;
	s1 =	sshll.u32 s1, $0x11  }
0xbc: {  	s0 =	sor.u32 s1, s0  }
0xbd: {  	s0 =	sadd.s32 $0x8F2B, s0  }
0xbe: {  	[sflag:s0] =	ssyncadd.remote.s32 $0x1  }
0xbf: {  	_ =	sfence.sel $0xFFFF  }
0xc0: {  	[dreg:$0x0] =	wrdreg $0xFFFFFFFF;
	(pc) =	sbr.abs _section_cstart, $3  }
0xc1: {  	[dreg:$0x1] =	wrdreg $0xFFFFFFFF  }
0xc2: {  	_ =	task.clear_ibuf [dreg:s6], $0x2FFFF;
	_ =	strace $0x9FFFFFFF  }
0xc3: {  	(tm) =	ssettm $0x7FFFFFFF  }
tec
execute0_lowered:
.L_overlay_start_1:
0x0: {  	(tag) =	ssettag $0x1  }
0x1: {  	s0 =	rddreg [dreg:$0x0]  }
0x2: {  	s2 =	rddreg [dreg:$0x1]  }
0x3: {  	s3 =	rddreg [dreg:$0x2];
	s17 =	stileid.u32  }
0x4: {  	s4 =	simm.s32 $0x0;
	s5 =	srdreg.scid;
	s1 =	smul.u32 $0xA000, s17  }
0x5: {  	[smem:$0x7FF] =	sst s4;
	s5 =	sand.u32 $0x1, s5;
	s6 =	sshll.u32 s17, $0x1  }
0x6: {  	s9 =	sadd.s32 $0x2200, s0;
	s21 =	smul.u32 $0x28000, s17;
	s22 =	sshll.u32 s17, $0x6  }
0x7: {  	p0 =	sgt.u32 s17, $0x1;
	_ =	strace $0x8000004A;
	s7 =	ssub.s32 $0x2, s5  }
0x8: {  	s10 =	sor.u32 s5, s6;
	s6 =	sor.u32 $0x1C07, s22;
	s26 =	smul.u32 $0xA0000, s5  }
0x9: {  	s19 =	sshrl.u32 s1, $0x3;
	s20 =	sshrl.u32 s7, $0x1;
	s8 =	smul.u32 $0x2700, s10  }
0xa: {  	s12 =	sadd.s32 s1, s2;
	s23 =	sshrl.u32 s21, $0x2;
	s5 =	sadd.s32 $0x2000, s1  }
0xb: {  	s10 =	sshll.u32 s10, $0x4;
	s15 =	sadd.s32 $0x8000, s1;
	s4 =	sadd.s32 s19, s0  }
0xc: {  	s0 =	sadd.s32 $0x29C00, s0;
	s11 =	ssub.s32 s7, s20;
	s13 =	sadd.s32 s26, s1  }
0xd: {  	s14 =	sadd.s32 s26, s5;
	s4 =	sadd.s32 $0x15C00, s4;
	s8 =	sshrl.u32 s8, $0x3  }
0xe: {  	s19 =	sshrl.u32 s13, $0x3;
	s20 =	sshrl.u32 s14, $0x3;
	s14 =	simm.s32 $0x6  }
0xf: {  	[dreg:$0x4] =	wrdreg s4;
	s24 =	sadd.s32 s9, s8;
	s8 =	sadd.s32 s23, s3  }
0x10: {  	s9 =	sadd.s32 s10, s9;
	s21 =	sadd.s32 s0, s19;
	s22 =	sadd.s32 s0, s20  }
0x11: {  	s23 =	sadd.s32 $0x4000, s1;
	s4 =	sadd.s32 s26, s15;
	s20 =	smax.u32 s11, $0x1  }
0x12: {  	s10 =	simm.s32 $0x8800;
	s11 =	simm.s32 $0x80;
	[dreg:$0x5] =	wrdreg s24  }
0x13: {  	s25 =	sadd.s32 $0x9C40, s24;
	s16 =	sadd.s32 $0x270, s24;
	[dreg:$0x9] =	wrdreg s21  }
0x14: {  	s18 =	sadd.s32 $0x9EB0, s24;
	[dreg:$0xa] =	wrdreg s22;
	s24 =	sadd.s32 s26, s23  }
0x15: {  	s4 =	sshrl.u32 s4, $0x3;
	s19 =	sadd.s32 $0x13840, s9;
	[dreg:$0x10] =	wrdreg s20  }
0x16: {  	s21 =	sadd.s32 s1, s3;
	s22 =	sadd.s32 s5, s3;
	s23 =	sadd.s32 s23, s3  }
0x17: {  	s28 =	sadd.s32 $0x2000, s8;
	s29 =	sadd.s32 $0x3000, s8;
	[dreg:$0x6] =	wrdreg s25  }
0x18: {  	s30 =	sadd.s32 $0x4000, s8;
	s31 =	sadd.s32 $0x5000, s8;
	[dreg:$0x7] =	wrdreg s16  }
0x19: {  	s5 =	sadd.s32 $0x9000, s8;
	[dreg:$0x8] =	wrdreg s18;
	s25 =	sadd.s32 $0x6000, s1  }
0x1a: {  	s13 =	sshrl.u32 s24, $0x3;
	s18 =	sadd.s32 $0x9C00, s9;
	[dreg:$0xf] =	wrdreg s19  }
0x1b: {  	s22 =	sshrl.u32 s22, $0x3;
	s23 =	sshrl.u32 s23, $0x3;
	s1 =	sadd.s32 $0x7000, s8  }
0x1c: {  	s9 =	simm.s32 $0x7;
	s16 =	sadd.s32 s26, s25;
	s26 =	sadd.s32 s0, s13  }
0x1d: {  	[dreg:$0xe] =	wrdreg s18;
	s24 =	sadd.s32 s25, s3;
	s25 =	sadd.s32 s15, s3  }
0x1e: {  	s13 =	simm.s32 $0x4800;
	s15 =	simm.s32 $0x0;
	[dreg:$0xb] =	wrdreg s26  }
0x1f: {  	s7 =	sshrl.u32 s16, $0x3;
	s26 =	sshrl.u32 s12, $0x3;
	s24 =	sshrl.u32 s24, $0x3  }
0x20: {  	s25 =	sshrl.u32 s25, $0x3;
	s16 =	sadd.s32 s0, s7;
	[dreg:$0x11] =	wrdreg s26  }
0x21: {  	s12 =	simm.s32 $0x2800;
	s0 =	sadd.s32 s0, s4;
	[dreg:$0xc] =	wrdreg s16  }
0x22: {  	s26 =	sadd.s32 $0x1000, s8;
	[dreg:$0xd] =	wrdreg s0;
	s0 =	sshrl.u32 s21, $0x3  }
0x23: {  	v0 =	vimm.f32 $0.0e+00;
	s4 =	sadd.s32 $0x8000, s8;
	[dreg:$0x12] =	wrdreg s0;
	s0 =	sadd.s32 $0x6000, s8  }
.LBB2_1:
0x24: {  	s7 =	simm.s32 $0x0  }
0x25: {  	s16 =	sand.u32 $0x3F00, s7  }
0x26: {  	s17 =	sand.u32 $0x30, s7;
	s18 =	sshrl.u32 s16, $0x2  }
0x27: {  	s16 =	simm.s32 $0x40;
	s18 =	sor.u32 s17, s18;
	s17 =	simm.s32 $0x0  }
.LBB2_2:
0x28: {  	p1 =	sne.s32 s16, $0x3FC0  }
0x29: {  	[tilespmem:s18+$0x8800] =	vst v0;
	s17 =	sadd.s32 $0x10, s17;
	s18 =	smov.u32 s16;
	s16 =	sadd.s32 $0x40, s16  }
.Ltmp0:
0x2a: {  	(pc) =	sbr.rel @p1 .LBB2_2-.Ltmp0, $4  }
0x2b: {  	_ = 	snop  }
0x2c: {  	s18 =	sand.u32 $0x3F00, s18  }
0x2d: {  	s7 =	sand.u32 $0x30, s17;
	s18 =	sshrl.u32 s18, $0x2  }
0x2e: {  	s18 =	sor.u32 s7, s18  }
0x2f: {  	s7 =	rddreg [dreg:$0x4]  }
0x30: {  	[tilespmem:s18+$0x8800] =	vst v0;
	s16 =	rddreg [dreg:$0x11]  }
0x31: {  	[spmem:s16], [sflag:s6] =	dma.local [hbm:s7], $0x1400  }
0x32: {  	_ =	swait.ge [sflag:s9], $0x1400  }
0x33: {  	[sflag:s9] =	ssyncset.done $0x0  }
0x34: {  	[sflag:s9] =	ssyncadd.s32 $0xFFFFEC00  }
0x35: {  	[spmem:s8] =	stream.linear.scatter [tilespmem:s10], [sflag:$0x7], $0x1000, $0x38;
	[tilespmem:$0x1D800] =	vst v63  }
0x36: {  	_ =	swait.ge [sflag:s9], $0x1000  }
0x37: {  	[sflag:s9] =	ssyncset.done $0x0  }
0x38: {  	[sflag:s9] =	ssyncadd.s32 $0xFFFFF000  }
0x39: {  	[spmem:s26] =	stream.linear.scatter [tilespmem:s10], [sflag:$0x7], $0x1000, $0x38;
	[tilespmem:$0x1D800] =	vst v63  }
0x3a: {  	_ =	swait.ge [sflag:s9], $0x1000  }
0x3b: {  	[sflag:s9] =	ssyncset.done $0x0  }
0x3c: {  	[sflag:s9] =	ssyncadd.s32 $0xFFFFF000  }
0x3d: {  	[spmem:s28] =	stream.linear.scatter [tilespmem:s10], [sflag:$0x7], $0x1000, $0x38;
	[tilespmem:$0x1D800] =	vst v63  }
0x3e: {  	_ =	swait.ge [sflag:s9], $0x1000  }
0x3f: {  	[sflag:s9] =	ssyncset.done $0x0  }
0x40: {  	[sflag:s9] =	ssyncadd.s32 $0xFFFFF000  }
0x41: {  	[spmem:s29] =	stream.linear.scatter [tilespmem:s10], [sflag:$0x7], $0x1000, $0x38;
	[tilespmem:$0x1D800] =	vst v63  }
0x42: {  	_ =	swait.ge [sflag:s9], $0x1000  }
0x43: {  	[sflag:s9] =	ssyncset.done $0x0  }
0x44: {  	[sflag:s9] =	ssyncadd.s32 $0xFFFFF000  }
0x45: {  	[spmem:s30] =	stream.linear.scatter [tilespmem:s10], [sflag:$0x7], $0x1000, $0x38;
	[tilespmem:$0x1D800] =	vst v63  }
0x46: {  	_ =	swait.ge [sflag:s9], $0x1000  }
0x47: {  	[sflag:s9] =	ssyncset.done $0x0  }
0x48: {  	[sflag:s9] =	ssyncadd.s32 $0xFFFFF000  }
0x49: {  	[spmem:s31] =	stream.linear.scatter [tilespmem:s10], [sflag:$0x7], $0x1000, $0x38;
	[tilespmem:$0x1D800] =	vst v63  }
0x4a: {  	_ =	swait.ge [sflag:s9], $0x1000  }
0x4b: {  	[sflag:s9] =	ssyncset.done $0x0  }
0x4c: {  	[sflag:s9] =	ssyncadd.s32 $0xFFFFF000  }
0x4d: {  	[spmem:s0] =	stream.linear.scatter [tilespmem:s10], [sflag:$0x7], $0x1000, $0x38;
	[tilespmem:$0x1D800] =	vst v63  }
0x4e: {  	_ =	swait.ge [sflag:s9], $0x1000  }
0x4f: {  	[sflag:s9] =	ssyncset.done $0x0  }
0x50: {  	[sflag:s9] =	ssyncadd.s32 $0xFFFFF000  }
0x51: {  	[spmem:s1] =	stream.linear.scatter [tilespmem:s10], [sflag:$0x7], $0x1000, $0x38;
	[tilespmem:$0x1D800] =	vst v63  }
0x52: {  	_ =	swait.ge [sflag:s9], $0x1000  }
0x53: {  	[sflag:s9] =	ssyncset.done $0x0  }
0x54: {  	[sflag:s9] =	ssyncadd.s32 $0xFFFFF000  }
0x55: {  	[spmem:s4] =	stream.linear.scatter [tilespmem:s10], [sflag:$0x7], $0x1000, $0x38;
	[tilespmem:$0x1D800] =	vst v63  }
0x56: {  	_ =	swait.ge [sflag:s9], $0x1000  }
0x57: {  	[sflag:s9] =	ssyncset.done $0x0  }
0x58: {  	[sflag:s9] =	ssyncadd.s32 $0xFFFFF000  }
0x59: {  	[spmem:s5] =	stream.linear.scatter [tilespmem:s10], [sflag:$0x7], $0x1000, $0x38;
	[tilespmem:$0x1D800] =	vst v63  }
0x5a: {  	_ =	swait.ge [sflag:s9], $0x1000  }
0x5b: {  	[sflag:s9] =	ssyncset.done $0x0  }
0x5c: {  	[sflag:s9] =	ssyncadd.s32 $0xFFFFF000  }
0x5d: {  	[bflag:$0x0] =	sbarrier.arrive $0xFFFF  }
0x5e: {  	s16 =	simm.s32 $0x0;
	s20 =	rddreg [dreg:$0x5]  }
0x5f: {  	[tilespmem:s16], [sflag:$0x7] =	stream.linear.gather [hbm4b:s20+s16], $0x1380, $0x38;
	[tilespmem:$0x1D800] =	vst v63  }
0x60: {  	_ =	swait.ge [sflag:s9], $0x1380  }
0x61: {  	[sflag:s9] =	ssyncset.done $0x0  }
0x62: {  	s17 =	simm.s32 $0x1380;
	s21 =	rddreg [dreg:$0x6];
	[sflag:s9] =	ssyncadd.s32 $0xFFFFEC80  }
0x63: {  	[tilespmem:s17], [sflag:$0x7] =	stream.linear.gather [hbm4b:s21+s16], $0x1380, $0x38;
	[tilespmem:$0x1D800] =	vst v63  }
0x64: {  	_ =	swait.ge [sflag:s9], $0x1380  }
0x65: {  	[sflag:s9] =	ssyncset.done $0x0  }
0x66: {  	[sflag:s9] =	ssyncadd.s32 $0xFFFFEC80  }
0x67: {  	[tilespmem:s12], [sflag:$0x1] =	stream.indirect.gather [spmem:s2], $0x40, s16, s11, $0xb8;
	[tilespmem:$0x1D800] =	vst v63  }
0x68: {  	s18 =	simm.s32 $0x100  }
0x69: {  	[tilespmem:s13], [sflag:$0x2] =	stream.indirect.gather [spmem:s2], $0x40, s11, s11, $0xb8;
	[tilespmem:$0x1D800] =	vst v63  }
.LBB2_4:
0x6a: {  	s7 =	smul.u32 $0xAB, s16;
	_ =	sdelay $0x1  }
0x6b: {  	s7 =	sshrl.u32 s7, $0x9  }
0x6c: {  	s7 =	sand.u32 $0x7F, s7  }
0x6d: {  	s7 =	smul.u32 $0x3, s7;
	_ =	sdelay $0x1  }
0x6e: {  	p1 =	seq.s32 s16, $0x0;
	s7 =	ssub.s32 s16, s7  }
0x6f: {  	s19 =	sadd.s32 @!p1 $0xFFFFFFFF, s16;
	s7 =	sand.u32 $0xFF, s7  }
0x70: {  	s21 =	sand.u32 @!p1 $0xFF, s19;
	s20 =	sadd.s32 $0x1, s7  }
0x71: {  	s21 =	smul.u32 @!p1 $0xAB, s21;
	_ =	swait.ge [sflag:s20], $0x2000  }
0x72: {  	[sflag:s20] =	ssyncset.done $0x0  }
0x73: {  	s21 =	sshrl.u32 @!p1 s21, $0x9;
	[sflag:s20] =	ssyncadd.s32 $0xFFFFE000;
	s20 =	sshll.u32 s7, $0xD  }
0x74: {  	s21 =	smul.u32 @!p1 $0x3, s21;
	s7 =	sor.u32 $0x4, s7;
	s20 =	sadd.s32 $0x2800, s20  }
0x75: {  	[spmem:s3] =	stream.indirect.scatter.add.f32 [tilespmem:s20], [sflag:s7], $0x40, s17, s11, $0xb8;
	[tilespmem:$0x1D800] =	vst v63  }
0x76: {  	s7 =	ssub.s32 @!p1 s19, s21  }
0x77: {  	s7 =	sor.u32 @!p1 $0x4, s7  }
0x78: {  	s7 =	sand.u32 @!p1 $0xFF, s7  }
0x79: {  	p2 =	sgt.u32 @!p1 s16, $0x24;
	_ =	swait.ge @!p1 [sflag:s7], $0x2000  }
0x7a: {  	p2 =	por p1, !p2;
	[sflag:s7] =	ssyncset.done @!p1 $0x0  }
0x7b: {  	[sflag:s7] =	ssyncadd.s32 @!p1 $0xFFFFE000;
	s7 =	sadd.s32 @p2 $0x2, s16  }
0x7c: {  	s19 =	smul.u32 @p2 $0xAB, s7;
	_ =	sdelay $0x1  }
0x7d: {  	s19 =	sshrl.u32 @p2 s19, $0x9  }
0x7e: {  	s19 =	sand.u32 @p2 $0x7F, s19  }
0x7f: {  	s19 =	smul.u32 @p2 $0x3, s19  }
0x80: {  	s16 =	sadd.s32 $0x1, s16  }
0x81: {  	p1 =	sne.s32 s16, $0x27;
	s7 =	ssub.s32 @p2 s7, s19  }
.Ltmp1:
0x82: {  	s7 =	sand.u32 @p2 $0xFF, s7;
	(pc) =	sbr.rel @p1 .LBB2_4-.Ltmp1, $4  }
0x83: {  	s19 =	sshll.u32 @p2 s7, $0xD  }
0x84: {  	s7 =	sadd.s32 @p2 $0x1, s7;
	s19 =	sadd.s32 @p2 $0x2800, s19  }
0x85: {  	[tilespmem:s19], [sflag:s7] =	stream.indirect.gather @p2 [spmem:s2], $0x40, s18, s11, $0xb8;
	[tilespmem:$0x1D800] =	vst v63  }
0x86: {  	s17 =	sadd.s32 $0x80, s17;
	s18 =	sadd.s32 $0x80, s18  }
0x87: {  	_ =	swait.ge [sflag:s14], $0x2000  }
0x88: {  	[sflag:s14] =	ssyncset.done $0x0  }
0x89: {  	s16 =	simm.s32 $0x0;
	s7 =	rddreg [dreg:$0x7];
	[sflag:s14] =	ssyncadd.s32 $0xFFFFE000  }
0x8a: {  	[tilespmem:s16], [sflag:$0x7] =	stream.linear.gather [hbm4b:s7+s16], $0x1380, $0x38;
	[tilespmem:$0x1D800] =	vst v63  }
0x8b: {  	_ =	swait.ge [sflag:s9], $0x1380  }
0x8c: {  	[sflag:s9] =	ssyncset.done $0x0  }
0x8d: {  	s17 =	simm.s32 $0x1380;
	s21 =	rddreg [dreg:$0x8];
	[sflag:s9] =	ssyncadd.s32 $0xFFFFEC80  }
0x8e: {  	[tilespmem:s17], [sflag:$0x7] =	stream.linear.gather [hbm4b:s21+s16], $0x1380, $0x38;
	[tilespmem:$0x1D800] =	vst v63  }
0x8f: {  	_ =	swait.ge [sflag:s9], $0x1380  }
0x90: {  	[sflag:s9] =	ssyncset.done $0x0  }
0x91: {  	[sflag:s9] =	ssyncadd.s32 $0xFFFFEC80  }
0x92: {  	[tilespmem:s12], [sflag:$0x1] =	stream.indirect.gather [spmem:s2], $0x40, s16, s11, $0xb8;
	[tilespmem:$0x1D800] =	vst v63  }
0x93: {  	s18 =	simm.s32 $0x100  }
0x94: {  	[tilespmem:s13], [sflag:$0x2] =	stream.indirect.gather [spmem:s2], $0x40, s11, s11, $0xb8;
	[tilespmem:$0x1D800] =	vst v63  }
.LBB2_6:
0x95: {  	s7 =	smul.u32 $0xAB, s16;
	_ =	sdelay $0x1  }
0x96: {  	s7 =	sshrl.u32 s7, $0x9  }
0x97: {  	s7 =	sand.u32 $0x7F, s7  }
0x98: {  	s7 =	smul.u32 $0x3, s7;
	_ =	sdelay $0x1  }
0x99: {  	p1 =	seq.s32 s16, $0x0;
	s7 =	ssub.s32 s16, s7  }
0x9a: {  	s19 =	sadd.s32 @!p1 $0xFFFFFFFF, s16;
	s7 =	sand.u32 $0xFF, s7  }
0x9b: {  	s21 =	sand.u32 @!p1 $0xFF, s19;
	s20 =	sadd.s32 $0x1, s7  }
0x9c: {  	s21 =	smul.u32 @!p1 $0xAB, s21;
	_ =	swait.ge [sflag:s20], $0x2000  }
0x9d: {  	[sflag:s20] =	ssyncset.done $0x0  }
0x9e: {  	s21 =	sshrl.u32 @!p1 s21, $0x9;
	[sflag:s20] =	ssyncadd.s32 $0xFFFFE000;
	s20 =	sshll.u32 s7, $0xD  }
0x9f: {  	s21 =	smul.u32 @!p1 $0x3, s21;
	s7 =	sor.u32 $0x4, s7;
	s20 =	sadd.s32 $0x2800, s20  }
0xa0: {  	[spmem:s3] =	stream.indirect.scatter.add.f32 [tilespmem:s20], [sflag:s7], $0x40, s17, s11, $0xb8;
	[tilespmem:$0x1D800] =	vst v63  }
0xa1: {  	s7 =	ssub.s32 @!p1 s19, s21  }
0xa2: {  	s7 =	sor.u32 @!p1 $0x4, s7  }
0xa3: {  	s7 =	sand.u32 @!p1 $0xFF, s7  }
0xa4: {  	p2 =	sgt.u32 @!p1 s16, $0x24;
	_ =	swait.ge @!p1 [sflag:s7], $0x2000  }
0xa5: {  	p2 =	por p1, !p2;
	[sflag:s7] =	ssyncset.done @!p1 $0x0  }
0xa6: {  	[sflag:s7] =	ssyncadd.s32 @!p1 $0xFFFFE000;
	s7 =	sadd.s32 @p2 $0x2, s16  }
0xa7: {  	s19 =	smul.u32 @p2 $0xAB, s7;
	_ =	sdelay $0x1  }
0xa8: {  	s19 =	sshrl.u32 @p2 s19, $0x9  }
0xa9: {  	s19 =	sand.u32 @p2 $0x7F, s19  }
0xaa: {  	s19 =	smul.u32 @p2 $0x3, s19  }
0xab: {  	s16 =	sadd.s32 $0x1, s16  }
0xac: {  	p1 =	sne.s32 s16, $0x27;
	s7 =	ssub.s32 @p2 s7, s19  }
.Ltmp2:
0xad: {  	s7 =	sand.u32 @p2 $0xFF, s7;
	(pc) =	sbr.rel @p1 .LBB2_6-.Ltmp2, $4  }
0xae: {  	s19 =	sshll.u32 @p2 s7, $0xD  }
0xaf: {  	s7 =	sadd.s32 @p2 $0x1, s7;
	s19 =	sadd.s32 @p2 $0x2800, s19  }
0xb0: {  	[tilespmem:s19], [sflag:s7] =	stream.indirect.gather @p2 [spmem:s2], $0x40, s18, s11, $0xb8;
	[tilespmem:$0x1D800] =	vst v63  }
0xb1: {  	s17 =	sadd.s32 $0x80, s17;
	s18 =	sadd.s32 $0x80, s18  }
0xb2: {  	_ =	swait.ge [sflag:s14], $0x2000  }
0xb3: {  	s7 =	simm.s32 @!p0 $0x0;
	[sflag:s14] =	ssyncset.done $0x0  }
0xb4: {  	s16 =	simm.s32 @!p0 $0x2700;
	s17 =	rddreg [dreg:$0xe];
	[sflag:s14] =	ssyncadd.s32 $0xFFFFE000  }
0xb5: {  	[tilespmem:s16], [sflag:$0x7] =	stream.linear.gather @!p0 [hbm4b:s17+s7], $0x80, $0x38;
	[tilespmem:$0x1D800] =	vst v63  }
0xb6: {  	s17 =	simm.s32 @!p0 $0x7  }
0xb7: {  	_ =	swait.ge @!p0 [sflag:s17], $0x80  }
0xb8: {  	[sflag:s17] =	ssyncset.done @!p0 $0x0  }
0xb9: {  	s18 =	simm.s32 @!p0 $0x2780;
	s19 =	rddreg [dreg:$0xf];
	[sflag:s17] =	ssyncadd.s32 @!p0 $0xFFFFFF80  }
0xba: {  	[tilespmem:s18], [sflag:$0x7] =	stream.linear.gather @!p0 [hbm4b:s19+s7], $0x80, $0x38;
	[tilespmem:$0x1D800] =	vst v63  }
0xbb: {  	_ =	swait.ge @!p0 [sflag:s17], $0x80  }
0xbc: {  	[sflag:s17] =	ssyncset.done @!p0 $0x0  }
0xbd: {  	s7 =	simm.s32 @!p0 $0x80;
	s19 =	simm.s32 @!p0 $0x2800;
	[sflag:s17] =	ssyncadd.s32 @!p0 $0xFFFFFF80  }
0xbe: {  	[tilespmem:s19], [sflag:$0x7] =	stream.indirect.gather @!p0 [spmem:s2], $0x40, s16, s7, $0xb8;
	[tilespmem:$0x1D800] =	vst v63  }
0xbf: {  	_ =	swait.ge @!p0 [sflag:s17], $0x2000  }
0xc0: {  	[sflag:s17] =	ssyncset.done @!p0 $0x0  }
0xc1: {  	[sflag:s17] =	ssyncadd.s32 @!p0 $0xFFFFE000  }
0xc2: {  	[spmem:s3] =	stream.indirect.scatter.add.f32 @!p0 [tilespmem:s19], [sflag:$0x7], $0x40, s18, s7, $0xb8;
	[tilespmem:$0x1D800] =	vst v63  }
0xc3: {  	_ =	swait.ge @!p0 [sflag:s17], $0x2000  }
0xc4: {  	[sflag:s17] =	ssyncset.done @!p0 $0x0  }
0xc5: {  	[sflag:s17] =	ssyncadd.s32 @!p0 $0xFFFFE000  }
0xc6: {  	[bflag:$0x0] =	sbarrier.arrive $0xFFFF  }
0xc7: {  	s20 =	rddreg [dreg:$0x9]  }
0xc8: {  	s21 =	rddreg [dreg:$0x12]  }
0xc9: {  	[hbm:s20], [sflag:s6] =	dma.local [spmem:s21], $0x400  }
0xca: {  	_ =	swait.ge [sflag:s9], $0x400  }
0xcb: {  	[sflag:s9] =	ssyncset.done $0x0  }
0xcc: {  	s17 =	rddreg [dreg:$0xa];
	[sflag:s9] =	ssyncadd.s32 $0xFFFFFC00  }
0xcd: {  	[hbm:s17], [sflag:s6] =	dma.local [spmem:s22], $0x400  }
0xce: {  	_ =	swait.ge [sflag:s9], $0x400  }
0xcf: {  	[sflag:s9] =	ssyncset.done $0x0  }
0xd0: {  	s18 =	rddreg [dreg:$0xb];
	[sflag:s9] =	ssyncadd.s32 $0xFFFFFC00  }
0xd1: {  	[hbm:s18], [sflag:s6] =	dma.local [spmem:s23], $0x400  }
0xd2: {  	_ =	swait.ge [sflag:s9], $0x400  }
0xd3: {  	[sflag:s9] =	ssyncset.done $0x0  }
0xd4: {  	s19 =	rddreg [dreg:$0xc];
	[sflag:s9] =	ssyncadd.s32 $0xFFFFFC00  }
0xd5: {  	[hbm:s19], [sflag:s6] =	dma.local [spmem:s24], $0x400  }
0xd6: {  	_ =	swait.ge [sflag:s9], $0x400  }
0xd7: {  	[sflag:s9] =	ssyncset.done $0x0  }
0xd8: {  	s20 =	rddreg [dreg:$0xd];
	[sflag:s9] =	ssyncadd.s32 $0xFFFFFC00  }
0xd9: {  	[hbm:s20], [sflag:s6] =	dma.local [spmem:s25], $0x400  }
0xda: {  	_ =	swait.ge [sflag:s9], $0x400  }
0xdb: {  	s15 =	sadd.s32 $0x1, s15;
	s21 =	rddreg [dreg:$0x10]  }
0xdc: {  	p1 =	sne.s32 s15, s21  }
.Ltmp3:
0xdd: {  	_ = 	snop;
	(pc) =	sbr.rel @p1 .LBB2_1-.Ltmp3, $3  }
0xde: {  	_ =	sdelay $0x1  }
0xdf: {  	[sflag:s9] =	ssyncset.done $0x0  }
0xe0: {  	[sflag:s9] =	ssyncadd.s32 $0xFFFFFC00  }
0xe1: {  	_ =	sfence.sel $0x180000  }
0xe2: {  	[bflag:$0x0] =	sbarrier.arrive $0xFFFF  }
0xe3: {  	_ =	strace $0x9000004A  }
0xe4: {  	s0 =	stileid.u32;
	[bflag:$0x2] =	sbarrier.arrive $0xFFFF  }
0xe5: {  	p0 =	sne.s32 s0, $0x0;
	s0 =	rddreg [dreg:$0x3]  }
0xe6: {  	s0 =	sadd.s32 @!p0 $0x100000, s0  }
0xe7: {  	[sflag:s0] =	ssyncadd.tile.s32 @!p0 $0x1;
	_ =	shalt  }
.Lfunc_end2:
_tile_overlayer_lowered:
.L_overlay_start_2:
0xe8: {  	(tag) =	ssettag $0x2  }
0xe9: {  	s0 =	rddreg [dreg:$0x0];
	s2 =	stileid.u32  }
0xea: {  	s1 =	rddreg [dreg:$0x1];
	p0 =	sne.s32 s2, $0x0  }
0xeb: {  	s3 =	rddreg [dreg:$0x2];
	[bflag:$0x3] =	sbarrier.arrive $0xFFFF;
	s2 =	simm.s32 @!p0 $0x1C07  }
0xec: {  	[timem:s3], [sflag:s2] =	dma.local @!p0 [hbm:s0], s1  }
0xed: {  	s0 =	simm.s32 @!p0 $0x7  }
0xee: {  	_ =	swait.ge @!p0 [sflag:s0], s1  }
0xef: {  	s1 =	ssub.s32 @!p0 $0x0, s1;
	[sflag:s0] =	ssyncset.done @!p0 $0x0  }
0xf0: {  	[sflag:s0] =	ssyncadd.s32 @!p0 s1  }
0xf1: {  	[bflag:$0x3] =	sbarrier.arrive $0xFFFF  }
0xf2: {  	_ =	shalt  }

// kernel: kernel.15.cloned.1.call-start
scs
__scs_entry_jumppad:
0x0: {  	(pc) =	sbr.rel $0x88, $3  }
0x1: {  	(tag) =	ssettag $0x0;
	lr =	simm.s32 $0x1  }
0x2: {  	[smem:$0x3F99] =	sst lr;
	_ =	strace $0xD0000000  }
0x3: {  	_ = 	snop  }
0x4: {  	_ = 	snop  }
0x5: {  	_ = 	snop  }
0x6: {  	_ = 	snop  }
0x7: {  	_ = 	snop  }
__scs_overlays_trampoline_lowered:
0x8: {  	[smem:$0x3FA8] =	sst s0  }
0x9: {  	[smem:$0x3FA9] =	sst s1  }
0xa: {  	[smem:$0x3FAA] =	sst s2  }
0xb: {  	[smem:$0x3FAB] =	sst s3  }
0xc: {  	[smem:$0x3FAC] =	sst s4  }
0xd: {  	[smem:$0x3FAD] =	sst s5  }
0xe: {  	[smem:$0x3FAE] =	sst s6  }
0xf: {  	[smem:$0x3FAF] =	sst s7  }
0x10: {  	[smem:$0x3FB0] =	sst s8  }
0x11: {  	[smem:$0x3FB1] =	sst s9;
	s0 =	simm.s32 @!p0 $0x0  }
0x12: {  	s1 =	sld [smem:$0x3F97];
	s0 =	simm.s32 @p0 $0x1  }
0x13: {  	[smem:$0x3FB2] =	sst s0;
	s0 =	simm.s32 @!p1 $0x0  }
0x14: {  	s2 =	sld [smem:$0x3F96];
	s0 =	simm.s32 @p1 $0x1  }
0x15: {  	[smem:$0x3FB3] =	sst s0;
	s0 =	simm.s32 @!p2 $0x0  }
0x16: {  	s3 =	sld [smem:$0x3FDB];
	s0 =	simm.s32 @p2 $0x1  }
0x17: {  	s4 =	simm.s32 $0x1BF5;
	[smem:$0x3FB5] =	sst s0  }
0x18: {  	s0 =	sld [smem:$0x3F98];
	_ =	swait.ge [sflag:s4], $0x0  }
0x19: {  	s7 =	sld [smem:$0x3F99]  }
0x1a: {  	s8 =	sadd.s32 $0xFFFFE003, lr  }
0x1b: {  	s9 =	sadd.s32 $0xFFFFFEF7, lr;
	s5 =	simm.s32 $0xFFFFFFFF;
	p2 =	slt.u32 s8, $0xFFFFF086  }
0x1c: {  	p1 =	slt.u32 s9, $0xF7A;
	s5 =	simm.s32 @!p2 $0x0  }
0x1d: {  	s5 =	simm.s32 @p1 $0x1;
	p0 =	seq.s32 s7, s2  }
0x1e: {  	s7 =	smul.u32 @!p0 $0xF7A, s2;
	p2 =	seq.s32 @!p0 s5, $0x0  }
0x1f: {  	s9 =	smul.u32 $0xF7A, s1;
	s8 =	simm.s32 @!p0 $0x1BF5;
	p2 =	por !p2, p0  }
0x20: {  	[sflag:s8] =	ssyncset.s32 @!p0 $0xFFFFF086;
	s6 =	sadd.s32 @!p0 s3, s7;
	s7 =	simm.s32 @!p0 $0x108  }
0x21: {  	s3 =	sadd.s32 s3, s9;
	s6 =	sadd.s32 @!p0 $0x88, s6;
	s7 =	simm.s32 @p2 $0x1082  }
0x22: {  	[simem:s7], [sflag:s8] =	dma.local @!p0 [hbm:s6], $0xF7A  }
0x23: {  	s9 =	sor.u32 $0xD0000000, s2;
	s6 =	simm.s32 $0x108;
	_ =	swait.ge @!p0 [sflag:s8], $0x0  }
0x24: {  	s3 =	sadd.s32 $0x88, s3;
	s6 =	simm.s32 @!p1 $0x1082;
	[sflag:s4] =	ssyncset.s32 $0xFFFFF086  }
0x25: {  	[simem:s6], [sflag:s4] =	dma.local [hbm:s3], $0xF7A  }
0x26: {  	[smem:$0x3F99] =	sst s1;
	(tag) =	ssettag s2;
	_ =	strace s9  }
0x27: {  	s1 =	sld [smem:$0x3FA9]  }
0x28: {  	s2 =	sld [smem:$0x3FAA]  }
0x29: {  	s4 =	sld [smem:$0x3FAC]  }
0x2a: {  	p0 =	seq.s32 s5, $0x0;
	s5 =	sld [smem:$0x3FAD]  }
0x2b: {  	s6 =	sld [smem:$0x3FAE]  }
0x2c: {  	s7 =	sld [smem:$0x3FAF]  }
0x2d: {  	s3 =	simm.s32 $0x108;
	s8 =	sld [smem:$0x3FB0]  }
0x2e: {  	s3 =	simm.s32 @!p0 $0x1082;
	s9 =	sld [smem:$0x3FB1]  }
0x2f: {  	lr =	sadd.s32 s0, s3;
	s0 =	sld [smem:$0x3FA8]  }
0x30: {  	s3 =	sld [smem:$0x3FAB]  }
0x31: {  	[smem:$0x3FB4] =	sst s10  }
0x32: {  	s10 =	sld [smem:$0x3FB2];
	_ =	sdelay $0x3  }
0x33: {  	p0 =	seq.s32 s10, $0x1;
	s10 =	sld [smem:$0x3FB4];
	_ =	sdelay $0x3  }
0x34: {  	[smem:$0x3FB4] =	sst s10  }
0x35: {  	s10 =	sld [smem:$0x3FB3];
	_ =	sdelay $0x3  }
0x36: {  	p1 =	seq.s32 s10, $0x1;
	s10 =	sld [smem:$0x3FB4];
	_ =	sdelay $0x3  }
0x37: {  	[smem:$0x3FB4] =	sst s10  }
0x38: {  	s10 =	sld [smem:$0x3FB5]  }
0x39: {  	_ = 	snop;
	(pc) =	sbr.ind lr, $3  }
0x3a: {  	_ = 	snop  }
0x3b: {  	_ = 	snop  }
0x3c: {  	p2 =	seq.s32 s10, $0x1;
	s10 =	sld [smem:$0x3FB4]  }
0x3d: {  	_ =	shalt  }
0x3e: {  	_ =	shalt  }
0x3f: {  	_ =	shalt  }
0x40: {  	_ =	shalt  }
0x41: {  	_ =	shalt  }
0x42: {  	_ =	shalt  }
0x43: {  	_ =	shalt  }
0x44: {  	_ =	shalt  }
0x45: {  	_ =	shalt  }
0x46: {  	_ =	shalt  }
0x47: {  	_ =	shalt  }
0x48: {  	_ =	shalt  }
0x49: {  	_ =	shalt  }
0x4a: {  	_ =	shalt  }
0x4b: {  	_ =	shalt  }
0x4c: {  	_ =	shalt  }
0x4d: {  	_ =	shalt  }
0x4e: {  	_ =	shalt  }
0x4f: {  	_ =	shalt  }
0x50: {  	_ =	shalt  }
0x51: {  	_ =	shalt  }
0x52: {  	_ =	shalt  }
0x53: {  	_ =	shalt  }
0x54: {  	_ =	shalt  }
0x55: {  	_ =	shalt  }
0x56: {  	_ =	shalt  }
0x57: {  	_ =	shalt  }
0x58: {  	_ =	shalt  }
0x59: {  	_ =	shalt  }
0x5a: {  	_ =	shalt  }
0x5b: {  	_ =	shalt  }
0x5c: {  	_ =	shalt  }
0x5d: {  	_ =	shalt  }
0x5e: {  	_ =	shalt  }
0x5f: {  	_ =	shalt  }
0x60: {  	_ =	shalt  }
0x61: {  	_ =	shalt  }
0x62: {  	_ =	shalt  }
0x63: {  	_ =	shalt  }
0x64: {  	_ =	shalt  }
0x65: {  	_ =	shalt  }
0x66: {  	_ =	shalt  }
0x67: {  	_ =	shalt  }
0x68: {  	_ =	shalt  }
0x69: {  	_ =	shalt  }
0x6a: {  	_ =	shalt  }
0x6b: {  	_ =	shalt  }
0x6c: {  	_ =	shalt  }
0x6d: {  	_ =	shalt  }
0x6e: {  	_ =	shalt  }
0x6f: {  	_ =	shalt  }
0x70: {  	_ =	shalt  }
0x71: {  	_ =	shalt  }
0x72: {  	_ =	shalt  }
0x73: {  	_ =	shalt  }
0x74: {  	_ =	shalt  }
0x75: {  	_ =	shalt  }
0x76: {  	_ =	shalt  }
0x77: {  	_ =	shalt  }
0x78: {  	_ =	shalt  }
0x79: {  	_ =	shalt  }
0x7a: {  	_ =	shalt  }
0x7b: {  	_ =	shalt  }
0x7c: {  	_ =	shalt  }
0x7d: {  	_ =	shalt  }
0x7e: {  	_ =	shalt  }
0x7f: {  	_ =	shalt  }
0x80: {  	_ =	shalt  }
0x81: {  	_ =	shalt  }
0x82: {  	_ =	shalt  }
0x83: {  	_ =	shalt  }
0x84: {  	_ =	shalt  }
0x85: {  	_ =	shalt  }
0x86: {  	_ =	shalt  }
0x87: {  	_ =	shalt  }
.Lfunc_end0:
.L_simem_size_0:
called_computation.2_lowered:
.L_overlay_start_0:
0x88: {  	s2 =	sld [smem:$0x3FD9]  }
0x89: {  	s3 =	sld [smem:$0x3FFE];
	_ =	sdelay $0x1  }
0x8a: {  	s1 =	srdreg.scid  }
0x8b: {  	s0 =	sand.u32 $0x1, s1  }
0x8c: {  	s16 =	sshll.u32 s0, $0xA;
	s2 =	sadd.s32 s3, s2  }
0x8d: {  	s2 =	sadd.s32 s2, s16  }
0x8e: {  	[smem:$0x3FC0] =	sst s2  }
0x8f: {  	_ = 	snop  }
0x90: {  	(tm) =	ssettm $0x1  }
0x91: {  	s17 =	sld [smem:$0x3FFB];
	_ =	sdelay $0x3  }
0x92: {  	_ =	strace s17  }
0x93: {  	s2 =	sld [smem:$0x3FFC];
	_ =	sdelay $0x3  }
0x94: {  	_ =	strace s2  }
0x95: {  	s2 =	sld [smem:$0x3FFD];
	_ =	sdelay $0x3  }
0x96: {  	_ =	strace s2  }
0x97: {  	_ =	strace $0x8FFFFFFF  }
0x98: {  	s18 =	sld [smem:$0x3FDB];
	_ =	sdelay $0x1  }
0x99: {  	s19 =	simm.s32 $_scs_section_size  }
0x9a: {  	s4 =	simm.s32 $_size__tile_overlayer_lowered;
	s5 =	simm.s32 $_tile_overlayer_lowered  }
0x9b: {  	s22 =	simm.s32 $0x1BFF;
	s21 =	sshll.u32 s5, $0x1;
	s2 =	sadd.s32 s19, s18  }
0x9c: {  	s6 =	simm.s32 $0x0;
	s20 =	sshll.u32 s4, $0x1;
	s4 =	sadd.s32 s21, s2  }
0x9d: {  	[timem:s6], [sflag:s22] =	dma.local [hbm:s4], s20  }
0x9e: {  	_ =	swait.ge [sflag:s22], s20  }
0x9f: {  	s3 =	ssub.s32 $0x0, s20;
	[sflag:s22] =	ssyncset.done $0x0  }
0xa0: {  	[sflag:s22] =	ssyncadd.s32 s3;
	_ =	sdelay $0x1  }
0xa1: {  	s23 =	simm.s32 $0x1B8B  }
0xa2: {  	_ =	swait.ge [sflag:s23], $0x1  }
0xa3: {  	[sflag:s23] =	ssyncset.done $0x0  }
0xa4: {  	s25 =	simm.s32 $0x1B8E;
	s24 =	sld [smem:$0x3FFE];
	[sflag:s23] =	ssyncadd.s32 $0xFFFFFFFF  }
0xa5: {  	s26 =	simm.s32 $execute0_lowered;
	[smem:$0x3FD2] =	sst s25  }
0xa6: {  	s4 =	sshll.u32 s26, $0x1;
	_ =	strace $0x8000004C;
	[dreg:$0x1] =	wrdreg $0xFFFFFFFF  }
0xa7: {  	s28 =	simm.s32 $_size_execute0_lowered;
	s2 =	sadd.s32 s2, s4;
	[dreg:$0x0] =	wrdreg $0x0  }
0xa8: {  	s4 =	sshll.u32 s28, $0x1;
	[dreg:$0x2] =	wrdreg s2  }
0xa9: {  	[dreg:$0x3] =	wrdreg s4  }
0xaa: {  	[dreg:$0x4] =	wrdreg $0xC0  }
0xab: {  	_ =	task [dreg:s6], $0x5FFFF  }
0xac: {  	[dreg:$0x1] =	wrdreg $0xFFFFFFFF  }
0xad: {  	[dreg:$0x0] =	wrdreg $0x60  }
0xae: {  	[dreg:$0x2] =	wrdreg s24  }
0xaf: {  	[dreg:$0x3] =	wrdreg $0x90000  }
0xb0: {  	[dreg:$0x4] =	wrdreg $0xE0000  }
0xb1: {  	[dreg:$0x5] =	wrdreg $0x9  }
0xb2: {  	_ =	task.clear_ibuf [dreg:s6], $0x6FFFF;
	_ =	strace $0x9000004C  }
0xb3: {  	s29 =	simm.s32 $0x9;
	_ =	strace $0x8000004E  }
0xb4: {  	_ =	swait.ge [sflag:s29], $0x1  }
0xb5: {  	[sflag:s29] =	ssyncadd.s32 $0xFFFFFFFF  }
0xb6: {  	_ =	strace $0x9000004E  }
0xb7: {  	_ =	sfence  }
0xb8: {  	s30 =	sld [smem:$0x0];
	_ =	sdelay $0x2  }
0xb9: {  	s31 =	sshll.u32 s1, $0xD;
	s1 =	sshrl.u32 s1, $0x2  }
0xba: {  	s3 =	sand.u32 $0x4000, s31;
	s1 =	sadd.s32 s1, s30  }
0xbb: {  	s0 =	sor.u32 s3, s0;
	s1 =	sshll.u32 s1, $0x11  }
0xbc: {  	s0 =	sor.u32 s1, s0  }
0xbd: {  	s0 =	sadd.s32 $0x8F2B, s0  }
0xbe: {  	[sflag:s0] =	ssyncadd.remote.s32 $0x1  }
0xbf: {  	_ =	sfence.sel $0xFFFF  }
0xc0: {  	[dreg:$0x0] =	wrdreg $0xFFFFFFFF;
	(pc) =	sbr.abs _section_cstart, $3  }
0xc1: {  	[dreg:$0x1] =	wrdreg $0xFFFFFFFF  }
0xc2: {  	_ =	task.clear_ibuf [dreg:s6], $0x2FFFF;
	_ =	strace $0x9FFFFFFF  }
0xc3: {  	(tm) =	ssettm $0x7FFFFFFF  }
tec
execute0_lowered:
.L_overlay_start_1:
0x0: {  	(tag) =	ssettag $0x1  }
0x1: {  	s0 =	rddreg [dreg:$0x0]  }
0x2: {  	s2 =	rddreg [dreg:$0x1]  }
0x3: {  	s3 =	rddreg [dreg:$0x2]  }
0x4: {  	s16 =	stileid.u32;
	s4 =	simm.s32 $0x0;
	s12 =	srdreg.scid  }
0x5: {  	s1 =	smul.u32 $0x5000, s16;
	[smem:$0x7FF] =	sst s4;
	s4 =	sand.u32 $0x1, s12  }
0x6: {  	s7 =	sshll.u32 s16, $0x1;
	s9 =	sadd.s32 $0x2200, s0;
	s14 =	sshll.u32 s16, $0x6  }
0x7: {  	s12 =	smul.u32 $0x14000, s16;
	p0 =	sgt.u32 s16, $0x1;
	s16 =	simm.s32 $0x7  }
0x8: {  	_ =	strace $0x8000004D;
	s6 =	ssub.s32 $0x2, s4;
	s7 =	sor.u32 s4, s7  }
0x9: {  	s4 =	smul.u32 $0x50000, s4;
	s5 =	sshrl.u32 s1, $0x3;
	s8 =	sshrl.u32 s6, $0x1  }
0xa: {  	s13 =	smul.u32 $0x2700, s7;
	s11 =	sadd.s32 s1, s2;
	s17 =	sshrl.u32 s12, $0x2  }
0xb: {  	s21 =	sadd.s32 $0x1000, s1;
	s7 =	sshll.u32 s7, $0x4;
	s23 =	sadd.s32 $0x2000, s1  }
0xc: {  	s24 =	sadd.s32 $0x3000, s1;
	s12 =	simm.s32 $0x2800;
	s5 =	sadd.s32 s5, s0  }
0xd: {  	s0 =	sadd.s32 $0x1FC00, s0;
	s10 =	ssub.s32 s6, s8;
	s6 =	sor.u32 $0x1C0D, s14  }
0xe: {  	s8 =	sadd.s32 s17, s3;
	s20 =	sadd.s32 s4, s1;
	s7 =	sadd.s32 s7, s9  }
0xf: {  	s25 =	sadd.s32 s4, s23;
	s14 =	sadd.s32 s4, s24;
	s17 =	sadd.s32 s1, s3  }
0x10: {  	s5 =	sadd.s32 $0x15C00, s5;
	s15 =	sshrl.u32 s13, $0x3;
	s13 =	sadd.s32 s4, s21  }
0x11: {  	s14 =	sshrl.u32 s14, $0x3;
	s28 =	sadd.s32 $0x1000, s8;
	s29 =	sadd.s32 $0x1800, s8  }
0x12: {  	s30 =	sadd.s32 $0x2000, s8;
	s31 =	sadd.s32 $0x2800, s8;
	[dreg:$0x4] =	wrdreg s5  }
0x13: {  	s5 =	sadd.s32 s9, s15;
	s22 =	sshrl.u32 s13, $0x3;
	s15 =	sadd.s32 $0x4000, s1  }
0x14: {  	s13 =	sshrl.u32 s25, $0x3;
	s26 =	sadd.s32 s0, s14;
	[dreg:$0x5] =	wrdreg s5  }
0x15: {  	s14 =	smax.u32 s10, $0x1;
	s1 =	sadd.s32 $0x3800, s8;
	[dreg:$0xc] =	wrdreg s26  }
0x16: {  	s9 =	simm.s32 $0xD;
	s18 =	sadd.s32 $0x9C40, s5;
	[dreg:$0x10] =	wrdreg s14  }
0x17: {  	s10 =	simm.s32 $0x8800;
	s19 =	sadd.s32 $0x270, s5;
	[dreg:$0x6] =	wrdreg s18  }
0x18: {  	s5 =	sadd.s32 $0x9EB0, s5;
	s4 =	sadd.s32 s4, s15;
	[dreg:$0x7] =	wrdreg s19  }
0x19: {  	s13 =	sadd.s32 s0, s13;
	s14 =	simm.s32 $0x100;
	[dreg:$0x8] =	wrdreg s5  }
0x1a: {  	s5 =	sshrl.u32 s20, $0x3;
	[dreg:$0xb] =	wrdreg s13;
	s13 =	sadd.s32 $0x13840, s7  }
0x1b: {  	s18 =	sadd.s32 s21, s3;
	s5 =	sadd.s32 s0, s5;
	[dreg:$0xf] =	wrdreg s13  }
0x1c: {  	s19 =	sadd.s32 s23, s3;
	s23 =	sshrl.u32 s18, $0x3;
	[dreg:$0x9] =	wrdreg s5  }
0x1d: {  	s20 =	sadd.s32 s24, s3;
	s24 =	sshrl.u32 s19, $0x3;
	[dreg:$0x13] =	wrdreg s23  }
0x1e: {  	s21 =	sadd.s32 s15, s3;
	s25 =	sshrl.u32 s20, $0x3;
	[dreg:$0x14] =	wrdreg s24  }
0x1f: {  	s4 =	sshrl.u32 s4, $0x3;
	s26 =	sshrl.u32 s21, $0x3;
	[dreg:$0x15] =	wrdreg s25  }
0x20: {  	s15 =	simm.s32 $0x4800;
	s5 =	sadd.s32 s0, s22;
	[dreg:$0x16] =	wrdreg s26  }
0x21: {  	s13 =	simm.s32 $0x3800;
	s0 =	sadd.s32 s0, s4;
	[dreg:$0xa] =	wrdreg s5  }
0x22: {  	s18 =	simm.s32 $0x9;
	s4 =	sadd.s32 $0x9C00, s7;
	[dreg:$0xd] =	wrdreg s0  }
0x23: {  	s19 =	simm.s32 $0x0;
	s22 =	sshrl.u32 s11, $0x3;
	[dreg:$0xe] =	wrdreg s4  }
0x24: {  	s26 =	sadd.s32 $0x800, s8;
	s11 =	simm.s32 $0x80;
	[dreg:$0x11] =	wrdreg s22  }
0x25: {  	s0 =	sshrl.u32 s17, $0x3;
	s4 =	sadd.s32 $0x4000, s8;
	s5 =	sadd.s32 $0x4800, s8  }
0x26: {  	v0 =	vimm.f32 $0.0e+00;
	s17 =	simm.s32 $0x8;
	[dreg:$0x12] =	wrdreg s0;
	s0 =	sadd.s32 $0x3000, s8  }
.LBB2_1:
0x27: {  	s20 =	simm.s32 $0x0  }
0x28: {  	s7 =	sand.u32 $0x1F80, s20  }
0x29: {  	s20 =	sand.u32 $0x10, s20;
	s21 =	sshrl.u32 s7, $0x2  }
0x2a: {  	s7 =	simm.s32 $0x40;
	s21 =	sor.u32 s20, s21;
	s20 =	simm.s32 $0x0  }
.LBB2_2:
0x2b: {  	p1 =	sne.s32 s7, $0x1FC0  }
0x2c: {  	[tilespmem:s21+$0x8800] =	vst v0;
	s20 =	sadd.s32 $0x10, s20;
	s21 =	smov.u32 s7;
	s7 =	sadd.s32 $0x40, s7  }
.Ltmp0:
0x2d: {  	(pc) =	sbr.rel @p1 .LBB2_2-.Ltmp0, $4  }
0x2e: {  	_ = 	snop  }
0x2f: {  	s21 =	sand.u32 $0x1F80, s21  }
0x30: {  	s22 =	sand.u32 $0x10, s20;
	s21 =	sshrl.u32 s21, $0x2  }
0x31: {  	s21 =	sor.u32 s22, s21  }
0x32: {  	s7 =	rddreg [dreg:$0x4]  }
0x33: {  	[tilespmem:s21+$0x8800] =	vst v0;
	s20 =	rddreg [dreg:$0x11]  }
0x34: {  	[spmem:s20], [sflag:s6] =	dma.local [hbm:s7], $0xA00  }
0x35: {  	_ =	swait.ge [sflag:s9], $0xA00  }
0x36: {  	[sflag:s9] =	ssyncset.done $0x0  }
0x37: {  	[sflag:s9] =	ssyncadd.s32 $0xFFFFF600  }
0x38: {  	[spmem:s8] =	stream.linear.scatter [tilespmem:s10], [sflag:$0xD], $0x800, $0x38;
	[tilespmem:$0x13000] =	vst v63  }
0x39: {  	_ =	swait.ge [sflag:s9], $0x800  }
0x3a: {  	[sflag:s9] =	ssyncset.done $0x0  }
0x3b: {  	[sflag:s9] =	ssyncadd.s32 $0xFFFFF800  }
0x3c: {  	[spmem:s26] =	stream.linear.scatter [tilespmem:s10], [sflag:$0xD], $0x800, $0x38;
	[tilespmem:$0x13000] =	vst v63  }
0x3d: {  	_ =	swait.ge [sflag:s9], $0x800  }
0x3e: {  	[sflag:s9] =	ssyncset.done $0x0  }
0x3f: {  	[sflag:s9] =	ssyncadd.s32 $0xFFFFF800  }
0x40: {  	[spmem:s28] =	stream.linear.scatter [tilespmem:s10], [sflag:$0xD], $0x800, $0x38;
	[tilespmem:$0x13000] =	vst v63  }
0x41: {  	_ =	swait.ge [sflag:s9], $0x800  }
0x42: {  	[sflag:s9] =	ssyncset.done $0x0  }
0x43: {  	[sflag:s9] =	ssyncadd.s32 $0xFFFFF800  }
0x44: {  	[spmem:s29] =	stream.linear.scatter [tilespmem:s10], [sflag:$0xD], $0x800, $0x38;
	[tilespmem:$0x13000] =	vst v63  }
0x45: {  	_ =	swait.ge [sflag:s9], $0x800  }
0x46: {  	[sflag:s9] =	ssyncset.done $0x0  }
0x47: {  	[sflag:s9] =	ssyncadd.s32 $0xFFFFF800  }
0x48: {  	[spmem:s30] =	stream.linear.scatter [tilespmem:s10], [sflag:$0xD], $0x800, $0x38;
	[tilespmem:$0x13000] =	vst v63  }
0x49: {  	_ =	swait.ge [sflag:s9], $0x800  }
0x4a: {  	[sflag:s9] =	ssyncset.done $0x0  }
0x4b: {  	[sflag:s9] =	ssyncadd.s32 $0xFFFFF800  }
0x4c: {  	[spmem:s31] =	stream.linear.scatter [tilespmem:s10], [sflag:$0xD], $0x800, $0x38;
	[tilespmem:$0x13000] =	vst v63  }
0x4d: {  	_ =	swait.ge [sflag:s9], $0x800  }
0x4e: {  	[sflag:s9] =	ssyncset.done $0x0  }
0x4f: {  	[sflag:s9] =	ssyncadd.s32 $0xFFFFF800  }
0x50: {  	[spmem:s0] =	stream.linear.scatter [tilespmem:s10], [sflag:$0xD], $0x800, $0x38;
	[tilespmem:$0x13000] =	vst v63  }
0x51: {  	_ =	swait.ge [sflag:s9], $0x800  }
0x52: {  	[sflag:s9] =	ssyncset.done $0x0  }
0x53: {  	[sflag:s9] =	ssyncadd.s32 $0xFFFFF800  }
0x54: {  	[spmem:s1] =	stream.linear.scatter [tilespmem:s10], [sflag:$0xD], $0x800, $0x38;
	[tilespmem:$0x13000] =	vst v63  }
0x55: {  	_ =	swait.ge [sflag:s9], $0x800  }
0x56: {  	[sflag:s9] =	ssyncset.done $0x0  }
0x57: {  	[sflag:s9] =	ssyncadd.s32 $0xFFFFF800  }
0x58: {  	[spmem:s4] =	stream.linear.scatter [tilespmem:s10], [sflag:$0xD], $0x800, $0x38;
	[tilespmem:$0x13000] =	vst v63  }
0x59: {  	_ =	swait.ge [sflag:s9], $0x800  }
0x5a: {  	[sflag:s9] =	ssyncset.done $0x0  }
0x5b: {  	[sflag:s9] =	ssyncadd.s32 $0xFFFFF800  }
0x5c: {  	[spmem:s5] =	stream.linear.scatter [tilespmem:s10], [sflag:$0xD], $0x800, $0x38;
	[tilespmem:$0x13000] =	vst v63  }
0x5d: {  	_ =	swait.ge [sflag:s9], $0x800  }
0x5e: {  	[sflag:s9] =	ssyncset.done $0x0  }
0x5f: {  	[sflag:s9] =	ssyncadd.s32 $0xFFFFF800  }
0x60: {  	[bflag:$0x0] =	sbarrier.arrive $0xFFFF  }
0x61: {  	s7 =	simm.s32 $0x0;
	s24 =	rddreg [dreg:$0x5]  }
0x62: {  	[tilespmem:s7], [sflag:$0xD] =	stream.linear.gather [hbm4b:s24+s7], $0x1380, $0x38;
	[tilespmem:$0x13000] =	vst v63  }
0x63: {  	_ =	swait.ge [sflag:s9], $0x1380  }
0x64: {  	[sflag:s9] =	ssyncset.done $0x0  }
0x65: {  	s20 =	simm.s32 $0x1380;
	s25 =	rddreg [dreg:$0x6];
	[sflag:s9] =	ssyncadd.s32 $0xFFFFEC80  }
0x66: {  	[tilespmem:s20], [sflag:$0xD] =	stream.linear.gather [hbm4b:s25+s7], $0x1380, $0x38;
	[tilespmem:$0x13000] =	vst v63  }
0x67: {  	_ =	swait.ge [sflag:s9], $0x1380  }
0x68: {  	[sflag:s9] =	ssyncset.done $0x0  }
0x69: {  	[sflag:s9] =	ssyncadd.s32 $0xFFFFEC80  }
0x6a: {  	[tilespmem:s12], [sflag:$0x1] =	stream.indirect.gather [spmem:s2], $0x20, s7, s11, $0xb8;
	[tilespmem:$0x13000] =	vst v63  }
0x6b: {  	_ = 	snop  }
0x6c: {  	[tilespmem:s13], [sflag:$0x2] =	stream.indirect.gather [spmem:s2], $0x20, s11, s11, $0xb8;
	[tilespmem:$0x13000] =	vst v63  }
0x6d: {  	s21 =	simm.s32 $0x180  }
0x6e: {  	[tilespmem:s15], [sflag:$0x3] =	stream.indirect.gather [spmem:s2], $0x20, s14, s11, $0xb8;
	[tilespmem:$0x13000] =	vst v63  }
.LBB2_4:
0x6f: {  	s22 =	smul.u32 $0xAB, s7;
	_ =	sdelay $0x1  }
0x70: {  	s22 =	sshrl.u32 s22, $0xA  }
0x71: {  	s22 =	sand.u32 $0x3F, s22  }
0x72: {  	s22 =	smul.u32 $0x6, s22;
	_ =	sdelay $0x1  }
0x73: {  	p1 =	slt.u32 s7, $0x3;
	s22 =	ssub.s32 s7, s22  }
0x74: {  	s23 =	sadd.s32 @!p1 $0xFFFFFFFD, s7;
	s22 =	sand.u32 $0xFF, s22  }
0x75: {  	s25 =	sand.u32 @!p1 $0xFF, s23;
	s24 =	sadd.s32 $0x1, s22  }
0x76: {  	s25 =	smul.u32 @!p1 $0xAB, s25;
	_ =	swait.ge [sflag:s24], $0x1000  }
0x77: {  	[sflag:s24] =	ssyncset.done $0x0  }
0x78: {  	s25 =	sshrl.u32 @!p1 s25, $0xA;
	[sflag:s24] =	ssyncadd.s32 $0xFFFFF000;
	s24 =	sshll.u32 s22, $0xC  }
0x79: {  	s25 =	smul.u32 @!p1 $0x6, s25;
	s22 =	sadd.s32 $0x7, s22;
	s24 =	sadd.s32 $0x2800, s24  }
0x7a: {  	[spmem:s3] =	stream.indirect.scatter.add.f32 [tilespmem:s24], [sflag:s22], $0x20, s20, s11, $0xb8;
	[tilespmem:$0x13000] =	vst v63  }
0x7b: {  	s22 =	ssub.s32 @!p1 s23, s25  }
0x7c: {  	s22 =	sand.u32 @!p1 $0xFF, s22  }
0x7d: {  	s22 =	sadd.s32 @!p1 $0x7, s22  }
0x7e: {  	p2 =	sgt.u32 @!p1 s7, $0x23;
	_ =	swait.ge @!p1 [sflag:s22], $0x1000  }
0x7f: {  	p2 =	por p1, !p2;
	[sflag:s22] =	ssyncset.done @!p1 $0x0  }
0x80: {  	[sflag:s22] =	ssyncadd.s32 @!p1 $0xFFFFF000;
	s22 =	sadd.s32 @p2 $0x3, s7  }
0x81: {  	s23 =	smul.u32 @p2 $0xAB, s22;
	_ =	sdelay $0x1  }
0x82: {  	s23 =	sshrl.u32 @p2 s23, $0xA  }
0x83: {  	s23 =	sand.u32 @p2 $0x3F, s23  }
0x84: {  	s23 =	smul.u32 @p2 $0x6, s23  }
0x85: {  	s7 =	sadd.s32 $0x1, s7  }
0x86: {  	p1 =	sne.s32 s7, $0x27;
	s22 =	ssub.s32 @p2 s22, s23  }
.Ltmp1:
0x87: {  	s22 =	sand.u32 @p2 $0xFF, s22;
	(pc) =	sbr.rel @p1 .LBB2_4-.Ltmp1, $4  }
0x88: {  	s23 =	sshll.u32 @p2 s22, $0xC  }
0x89: {  	s22 =	sadd.s32 @p2 $0x1, s22;
	s23 =	sadd.s32 @p2 $0x2800, s23  }
0x8a: {  	[tilespmem:s23], [sflag:s22] =	stream.indirect.gather @p2 [spmem:s2], $0x20, s21, s11, $0xb8;
	[tilespmem:$0x13000] =	vst v63  }
0x8b: {  	s20 =	sadd.s32 $0x80, s20;
	s21 =	sadd.s32 $0x80, s21  }
0x8c: {  	_ =	swait.ge [sflag:s16], $0x1000  }
0x8d: {  	[sflag:s16] =	ssyncset.done $0x0  }
0x8e: {  	[sflag:s16] =	ssyncadd.s32 $0xFFFFF000  }
0x8f: {  	_ =	swait.ge [sflag:s17], $0x1000  }
0x90: {  	[sflag:s17] =	ssyncset.done $0x0  }
0x91: {  	[sflag:s17] =	ssyncadd.s32 $0xFFFFF000  }
0x92: {  	_ =	swait.ge [sflag:s18], $0x1000  }
0x93: {  	[sflag:s18] =	ssyncset.done $0x0  }
0x94: {  	s7 =	simm.s32 $0x0;
	s20 =	rddreg [dreg:$0x7];
	[sflag:s18] =	ssyncadd.s32 $0xFFFFF000  }
0x95: {  	[tilespmem:s7], [sflag:$0xD] =	stream.linear.gather [hbm4b:s20+s7], $0x1380, $0x38;
	[tilespmem:$0x13000] =	vst v63  }
0x96: {  	_ =	swait.ge [sflag:s9], $0x1380  }
0x97: {  	[sflag:s9] =	ssyncset.done $0x0  }
0x98: {  	s20 =	simm.s32 $0x1380;
	s21 =	rddreg [dreg:$0x8];
	[sflag:s9] =	ssyncadd.s32 $0xFFFFEC80  }
0x99: {  	[tilespmem:s20], [sflag:$0xD] =	stream.linear.gather [hbm4b:s21+s7], $0x1380, $0x38;
	[tilespmem:$0x13000] =	vst v63  }
0x9a: {  	_ =	swait.ge [sflag:s9], $0x1380  }
0x9b: {  	[sflag:s9] =	ssyncset.done $0x0  }
0x9c: {  	[sflag:s9] =	ssyncadd.s32 $0xFFFFEC80  }
0x9d: {  	[tilespmem:s12], [sflag:$0x1] =	stream.indirect.gather [spmem:s2], $0x20, s7, s11, $0xb8;
	[tilespmem:$0x13000] =	vst v63  }
0x9e: {  	_ = 	snop  }
0x9f: {  	[tilespmem:s13], [sflag:$0x2] =	stream.indirect.gather [spmem:s2], $0x20, s11, s11, $0xb8;
	[tilespmem:$0x13000] =	vst v63  }
0xa0: {  	s21 =	simm.s32 $0x180  }
0xa1: {  	[tilespmem:s15], [sflag:$0x3] =	stream.indirect.gather [spmem:s2], $0x20, s14, s11, $0xb8;
	[tilespmem:$0x13000] =	vst v63  }
.LBB2_6:
0xa2: {  	s22 =	smul.u32 $0xAB, s7;
	_ =	sdelay $0x1  }
0xa3: {  	s22 =	sshrl.u32 s22, $0xA  }
0xa4: {  	s22 =	sand.u32 $0x3F, s22  }
0xa5: {  	s22 =	smul.u32 $0x6, s22;
	_ =	sdelay $0x1  }
0xa6: {  	p1 =	slt.u32 s7, $0x3;
	s22 =	ssub.s32 s7, s22  }
0xa7: {  	s23 =	sadd.s32 @!p1 $0xFFFFFFFD, s7;
	s22 =	sand.u32 $0xFF, s22  }
0xa8: {  	s25 =	sand.u32 @!p1 $0xFF, s23;
	s24 =	sadd.s32 $0x1, s22  }
0xa9: {  	s25 =	smul.u32 @!p1 $0xAB, s25;
	_ =	swait.ge [sflag:s24], $0x1000  }
0xaa: {  	[sflag:s24] =	ssyncset.done $0x0  }
0xab: {  	s25 =	sshrl.u32 @!p1 s25, $0xA;
	[sflag:s24] =	ssyncadd.s32 $0xFFFFF000;
	s24 =	sshll.u32 s22, $0xC  }
0xac: {  	s25 =	smul.u32 @!p1 $0x6, s25;
	s22 =	sadd.s32 $0x7, s22;
	s24 =	sadd.s32 $0x2800, s24  }
0xad: {  	[spmem:s3] =	stream.indirect.scatter.add.f32 [tilespmem:s24], [sflag:s22], $0x20, s20, s11, $0xb8;
	[tilespmem:$0x13000] =	vst v63  }
0xae: {  	s22 =	ssub.s32 @!p1 s23, s25  }
0xaf: {  	s22 =	sand.u32 @!p1 $0xFF, s22  }
0xb0: {  	s22 =	sadd.s32 @!p1 $0x7, s22  }
0xb1: {  	p2 =	sgt.u32 @!p1 s7, $0x23;
	_ =	swait.ge @!p1 [sflag:s22], $0x1000  }
0xb2: {  	p2 =	por p1, !p2;
	[sflag:s22] =	ssyncset.done @!p1 $0x0  }
0xb3: {  	[sflag:s22] =	ssyncadd.s32 @!p1 $0xFFFFF000;
	s22 =	sadd.s32 @p2 $0x3, s7  }
0xb4: {  	s23 =	smul.u32 @p2 $0xAB, s22;
	_ =	sdelay $0x1  }
0xb5: {  	s23 =	sshrl.u32 @p2 s23, $0xA  }
0xb6: {  	s23 =	sand.u32 @p2 $0x3F, s23  }
0xb7: {  	s23 =	smul.u32 @p2 $0x6, s23  }
0xb8: {  	s7 =	sadd.s32 $0x1, s7  }
0xb9: {  	p1 =	sne.s32 s7, $0x27;
	s22 =	ssub.s32 @p2 s22, s23  }
.Ltmp2:
0xba: {  	s22 =	sand.u32 @p2 $0xFF, s22;
	(pc) =	sbr.rel @p1 .LBB2_6-.Ltmp2, $4  }
0xbb: {  	s23 =	sshll.u32 @p2 s22, $0xC  }
0xbc: {  	s22 =	sadd.s32 @p2 $0x1, s22;
	s23 =	sadd.s32 @p2 $0x2800, s23  }
0xbd: {  	[tilespmem:s23], [sflag:s22] =	stream.indirect.gather @p2 [spmem:s2], $0x20, s21, s11, $0xb8;
	[tilespmem:$0x13000] =	vst v63  }
0xbe: {  	s20 =	sadd.s32 $0x80, s20;
	s21 =	sadd.s32 $0x80, s21  }
0xbf: {  	_ =	swait.ge [sflag:s16], $0x1000  }
0xc0: {  	[sflag:s16] =	ssyncset.done $0x0  }
0xc1: {  	[sflag:s16] =	ssyncadd.s32 $0xFFFFF000  }
0xc2: {  	_ =	swait.ge [sflag:s17], $0x1000  }
0xc3: {  	[sflag:s17] =	ssyncset.done $0x0  }
0xc4: {  	[sflag:s17] =	ssyncadd.s32 $0xFFFFF000  }
0xc5: {  	_ =	swait.ge [sflag:s18], $0x1000  }
0xc6: {  	s7 =	simm.s32 @!p0 $0x0;
	[sflag:s18] =	ssyncset.done $0x0  }
0xc7: {  	s20 =	simm.s32 @!p0 $0x2700;
	s21 =	rddreg [dreg:$0xe];
	[sflag:s18] =	ssyncadd.s32 $0xFFFFF000  }
0xc8: {  	[tilespmem:s20], [sflag:$0xD] =	stream.linear.gather @!p0 [hbm4b:s21+s7], $0x80, $0x38;
	[tilespmem:$0x13000] =	vst v63  }
0xc9: {  	s21 =	simm.s32 @!p0 $0xD  }
0xca: {  	_ =	swait.ge @!p0 [sflag:s21], $0x80  }
0xcb: {  	[sflag:s21] =	ssyncset.done @!p0 $0x0  }
0xcc: {  	s22 =	simm.s32 @!p0 $0x2780;
	s23 =	rddreg [dreg:$0xf];
	[sflag:s21] =	ssyncadd.s32 @!p0 $0xFFFFFF80  }
0xcd: {  	[tilespmem:s22], [sflag:$0xD] =	stream.linear.gather @!p0 [hbm4b:s23+s7], $0x80, $0x38;
	[tilespmem:$0x13000] =	vst v63  }
0xce: {  	_ =	swait.ge @!p0 [sflag:s21], $0x80  }
0xcf: {  	[sflag:s21] =	ssyncset.done @!p0 $0x0  }
0xd0: {  	s7 =	simm.s32 @!p0 $0x80;
	s23 =	simm.s32 @!p0 $0x2800;
	[sflag:s21] =	ssyncadd.s32 @!p0 $0xFFFFFF80  }
0xd1: {  	[tilespmem:s23], [sflag:$0xD] =	stream.indirect.gather @!p0 [spmem:s2], $0x20, s20, s7, $0xb8;
	[tilespmem:$0x13000] =	vst v63  }
0xd2: {  	_ =	swait.ge @!p0 [sflag:s21], $0x1000  }
0xd3: {  	[sflag:s21] =	ssyncset.done @!p0 $0x0  }
0xd4: {  	[sflag:s21] =	ssyncadd.s32 @!p0 $0xFFFFF000  }
0xd5: {  	[spmem:s3] =	stream.indirect.scatter.add.f32 @!p0 [tilespmem:s23], [sflag:$0xD], $0x20, s22, s7, $0xb8;
	[tilespmem:$0x13000] =	vst v63  }
0xd6: {  	_ =	swait.ge @!p0 [sflag:s21], $0x1000  }
0xd7: {  	[sflag:s21] =	ssyncset.done @!p0 $0x0  }
0xd8: {  	[sflag:s21] =	ssyncadd.s32 @!p0 $0xFFFFF000  }
0xd9: {  	[bflag:$0x0] =	sbarrier.arrive $0xFFFF  }
0xda: {  	s20 =	rddreg [dreg:$0x9]  }
0xdb: {  	s21 =	rddreg [dreg:$0x12]  }
0xdc: {  	[hbm:s20], [sflag:s6] =	dma.local [spmem:s21], $0x200  }
0xdd: {  	_ =	swait.ge [sflag:s9], $0x200  }
0xde: {  	[sflag:s9] =	ssyncset.done $0x0;
	s22 =	rddreg [dreg:$0xa]  }
0xdf: {  	s23 =	rddreg [dreg:$0x13];
	[sflag:s9] =	ssyncadd.s32 $0xFFFFFE00  }
0xe0: {  	[hbm:s22], [sflag:s6] =	dma.local [spmem:s23], $0x200  }
0xe1: {  	_ =	swait.ge [sflag:s9], $0x200  }
0xe2: {  	[sflag:s9] =	ssyncset.done $0x0;
	s24 =	rddreg [dreg:$0xb]  }
0xe3: {  	s25 =	rddreg [dreg:$0x14];
	[sflag:s9] =	ssyncadd.s32 $0xFFFFFE00  }
0xe4: {  	[hbm:s24], [sflag:s6] =	dma.local [spmem:s25], $0x200  }
0xe5: {  	_ =	swait.ge [sflag:s9], $0x200  }
0xe6: {  	[sflag:s9] =	ssyncset.done $0x0;
	s21 =	rddreg [dreg:$0xc]  }
0xe7: {  	s22 =	rddreg [dreg:$0x15];
	[sflag:s9] =	ssyncadd.s32 $0xFFFFFE00  }
0xe8: {  	[hbm:s21], [sflag:s6] =	dma.local [spmem:s22], $0x200  }
0xe9: {  	_ =	swait.ge [sflag:s9], $0x200  }
0xea: {  	[sflag:s9] =	ssyncset.done $0x0;
	s23 =	rddreg [dreg:$0xd]  }
0xeb: {  	s24 =	rddreg [dreg:$0x16];
	[sflag:s9] =	ssyncadd.s32 $0xFFFFFE00  }
0xec: {  	[hbm:s23], [sflag:s6] =	dma.local [spmem:s24], $0x200  }
0xed: {  	_ =	swait.ge [sflag:s9], $0x200  }
0xee: {  	s19 =	sadd.s32 $0x1, s19;
	s25 =	rddreg [dreg:$0x10]  }
0xef: {  	p1 =	sne.s32 s19, s25  }
.Ltmp3:
0xf0: {  	_ = 	snop;
	(pc) =	sbr.rel @p1 .LBB2_1-.Ltmp3, $3  }
0xf1: {  	_ =	sdelay $0x1  }
0xf2: {  	[sflag:s9] =	ssyncset.done $0x0  }
0xf3: {  	[sflag:s9] =	ssyncadd.s32 $0xFFFFFE00  }
0xf4: {  	_ =	sfence.sel $0x180000  }
0xf5: {  	[bflag:$0x0] =	sbarrier.arrive $0xFFFF  }
0xf6: {  	_ =	strace $0x9000004D  }
0xf7: {  	s0 =	stileid.u32;
	[bflag:$0x2] =	sbarrier.arrive $0xFFFF  }
0xf8: {  	p0 =	sne.s32 s0, $0x0;
	s0 =	rddreg [dreg:$0x3]  }
0xf9: {  	s0 =	sadd.s32 @!p0 $0x100000, s0  }
0xfa: {  	[sflag:s0] =	ssyncadd.tile.s32 @!p0 $0x1;
	_ =	shalt  }
.Lfunc_end2:
_tile_overlayer_lowered:
.L_overlay_start_2:
0xfb: {  	(tag) =	ssettag $0x2  }
0xfc: {  	s0 =	rddreg [dreg:$0x0];
	s2 =	stileid.u32  }
0xfd: {  	s1 =	rddreg [dreg:$0x1];
	p0 =	sne.s32 s2, $0x0  }
0xfe: {  	s3 =	rddreg [dreg:$0x2];
	[bflag:$0x3] =	sbarrier.arrive $0xFFFF;
	s2 =	simm.s32 @!p0 $0x1C0D  }
0xff: {  	[timem:s3], [sflag:s2] =	dma.local @!p0 [hbm:s0], s1  }
0x100: {  	s0 =	simm.s32 @!p0 $0xD  }
0x101: {  	_ =	swait.ge @!p0 [sflag:s0], s1  }
0x102: {  	s1 =	ssub.s32 @!p0 $0x0, s1;
	[sflag:s0] =	ssyncset.done @!p0 $0x0  }
0x103: {  	[sflag:s0] =	ssyncadd.s32 @!p0 s1  }
0x104: {  	[bflag:$0x3] =	sbarrier.arrive $0xFFFF  }
0x105: {  	_ =	shalt  }

// kernel: kernel.9.cloned.1.call-start
scs
__scs_entry_jumppad:
0x0: {  	(pc) =	sbr.rel $0x88, $3  }
0x1: {  	(tag) =	ssettag $0x0;
	lr =	simm.s32 $0x1  }
0x2: {  	[smem:$0x3F99] =	sst lr;
	_ =	strace $0xD0000000  }
0x3: {  	_ = 	snop  }
0x4: {  	_ = 	snop  }
0x5: {  	_ = 	snop  }
0x6: {  	_ = 	snop  }
0x7: {  	_ = 	snop  }
__scs_overlays_trampoline_lowered:
0x8: {  	[smem:$0x3FA8] =	sst s0  }
0x9: {  	[smem:$0x3FA9] =	sst s1  }
0xa: {  	[smem:$0x3FAA] =	sst s2  }
0xb: {  	[smem:$0x3FAB] =	sst s3  }
0xc: {  	[smem:$0x3FAC] =	sst s4  }
0xd: {  	[smem:$0x3FAD] =	sst s5  }
0xe: {  	[smem:$0x3FAE] =	sst s6  }
0xf: {  	[smem:$0x3FAF] =	sst s7  }
0x10: {  	[smem:$0x3FB0] =	sst s8  }
0x11: {  	[smem:$0x3FB1] =	sst s9;
	s0 =	simm.s32 @!p0 $0x0  }
0x12: {  	s1 =	sld [smem:$0x3F97];
	s0 =	simm.s32 @p0 $0x1  }
0x13: {  	[smem:$0x3FB2] =	sst s0;
	s0 =	simm.s32 @!p1 $0x0  }
0x14: {  	s2 =	sld [smem:$0x3F96];
	s0 =	simm.s32 @p1 $0x1  }
0x15: {  	[smem:$0x3FB3] =	sst s0;
	s0 =	simm.s32 @!p2 $0x0  }
0x16: {  	s3 =	sld [smem:$0x3FDB];
	s0 =	simm.s32 @p2 $0x1  }
0x17: {  	s4 =	simm.s32 $0x1BF5;
	[smem:$0x3FB5] =	sst s0  }
0x18: {  	s0 =	sld [smem:$0x3F98];
	_ =	swait.ge [sflag:s4], $0x0  }
0x19: {  	s7 =	sld [smem:$0x3F99]  }
0x1a: {  	s8 =	sadd.s32 $0xFFFFE003, lr  }
0x1b: {  	s9 =	sadd.s32 $0xFFFFFEF7, lr;
	s5 =	simm.s32 $0xFFFFFFFF;
	p2 =	slt.u32 s8, $0xFFFFF086  }
0x1c: {  	p1 =	slt.u32 s9, $0xF7A;
	s5 =	simm.s32 @!p2 $0x0  }
0x1d: {  	s5 =	simm.s32 @p1 $0x1;
	p0 =	seq.s32 s7, s2  }
0x1e: {  	s7 =	smul.u32 @!p0 $0xF7A, s2;
	p2 =	seq.s32 @!p0 s5, $0x0  }
0x1f: {  	s9 =	smul.u32 $0xF7A, s1;
	s8 =	simm.s32 @!p0 $0x1BF5;
	p2 =	por !p2, p0  }
0x20: {  	[sflag:s8] =	ssyncset.s32 @!p0 $0xFFFFF086;
	s6 =	sadd.s32 @!p0 s3, s7;
	s7 =	simm.s32 @!p0 $0x108  }
0x21: {  	s3 =	sadd.s32 s3, s9;
	s6 =	sadd.s32 @!p0 $0x88, s6;
	s7 =	simm.s32 @p2 $0x1082  }
0x22: {  	[simem:s7], [sflag:s8] =	dma.local @!p0 [hbm:s6], $0xF7A  }
0x23: {  	s9 =	sor.u32 $0xD0000000, s2;
	s6 =	simm.s32 $0x108;
	_ =	swait.ge @!p0 [sflag:s8], $0x0  }
0x24: {  	s3 =	sadd.s32 $0x88, s3;
	s6 =	simm.s32 @!p1 $0x1082;
	[sflag:s4] =	ssyncset.s32 $0xFFFFF086  }
0x25: {  	[simem:s6], [sflag:s4] =	dma.local [hbm:s3], $0xF7A  }
0x26: {  	[smem:$0x3F99] =	sst s1;
	(tag) =	ssettag s2;
	_ =	strace s9  }
0x27: {  	s1 =	sld [smem:$0x3FA9]  }
0x28: {  	s2 =	sld [smem:$0x3FAA]  }
0x29: {  	s4 =	sld [smem:$0x3FAC]  }
0x2a: {  	p0 =	seq.s32 s5, $0x0;
	s5 =	sld [smem:$0x3FAD]  }
0x2b: {  	s6 =	sld [smem:$0x3FAE]  }
0x2c: {  	s7 =	sld [smem:$0x3FAF]  }
0x2d: {  	s3 =	simm.s32 $0x108;
	s8 =	sld [smem:$0x3FB0]  }
0x2e: {  	s3 =	simm.s32 @!p0 $0x1082;
	s9 =	sld [smem:$0x3FB1]  }
0x2f: {  	lr =	sadd.s32 s0, s3;
	s0 =	sld [smem:$0x3FA8]  }
0x30: {  	s3 =	sld [smem:$0x3FAB]  }
0x31: {  	[smem:$0x3FB4] =	sst s10  }
0x32: {  	s10 =	sld [smem:$0x3FB2];
	_ =	sdelay $0x3  }
0x33: {  	p0 =	seq.s32 s10, $0x1;
	s10 =	sld [smem:$0x3FB4];
	_ =	sdelay $0x3  }
0x34: {  	[smem:$0x3FB4] =	sst s10  }
0x35: {  	s10 =	sld [smem:$0x3FB3];
	_ =	sdelay $0x3  }
0x36: {  	p1 =	seq.s32 s10, $0x1;
	s10 =	sld [smem:$0x3FB4];
	_ =	sdelay $0x3  }
0x37: {  	[smem:$0x3FB4] =	sst s10  }
0x38: {  	s10 =	sld [smem:$0x3FB5]  }
0x39: {  	_ = 	snop;
	(pc) =	sbr.ind lr, $3  }
0x3a: {  	_ = 	snop  }
0x3b: {  	_ = 	snop  }
0x3c: {  	p2 =	seq.s32 s10, $0x1;
	s10 =	sld [smem:$0x3FB4]  }
0x3d: {  	_ =	shalt  }
0x3e: {  	_ =	shalt  }
0x3f: {  	_ =	shalt  }
0x40: {  	_ =	shalt  }
0x41: {  	_ =	shalt  }
0x42: {  	_ =	shalt  }
0x43: {  	_ =	shalt  }
0x44: {  	_ =	shalt  }
0x45: {  	_ =	shalt  }
0x46: {  	_ =	shalt  }
0x47: {  	_ =	shalt  }
0x48: {  	_ =	shalt  }
0x49: {  	_ =	shalt  }
0x4a: {  	_ =	shalt  }
0x4b: {  	_ =	shalt  }
0x4c: {  	_ =	shalt  }
0x4d: {  	_ =	shalt  }
0x4e: {  	_ =	shalt  }
0x4f: {  	_ =	shalt  }
0x50: {  	_ =	shalt  }
0x51: {  	_ =	shalt  }
0x52: {  	_ =	shalt  }
0x53: {  	_ =	shalt  }
0x54: {  	_ =	shalt  }
0x55: {  	_ =	shalt  }
0x56: {  	_ =	shalt  }
0x57: {  	_ =	shalt  }
0x58: {  	_ =	shalt  }
0x59: {  	_ =	shalt  }
0x5a: {  	_ =	shalt  }
0x5b: {  	_ =	shalt  }
0x5c: {  	_ =	shalt  }
0x5d: {  	_ =	shalt  }
0x5e: {  	_ =	shalt  }
0x5f: {  	_ =	shalt  }
0x60: {  	_ =	shalt  }
0x61: {  	_ =	shalt  }
0x62: {  	_ =	shalt  }
0x63: {  	_ =	shalt  }
0x64: {  	_ =	shalt  }
0x65: {  	_ =	shalt  }
0x66: {  	_ =	shalt  }
0x67: {  	_ =	shalt  }
0x68: {  	_ =	shalt  }
0x69: {  	_ =	shalt  }
0x6a: {  	_ =	shalt  }
0x6b: {  	_ =	shalt  }
0x6c: {  	_ =	shalt  }
0x6d: {  	_ =	shalt  }
0x6e: {  	_ =	shalt  }
0x6f: {  	_ =	shalt  }
0x70: {  	_ =	shalt  }
0x71: {  	_ =	shalt  }
0x72: {  	_ =	shalt  }
0x73: {  	_ =	shalt  }
0x74: {  	_ =	shalt  }
0x75: {  	_ =	shalt  }
0x76: {  	_ =	shalt  }
0x77: {  	_ =	shalt  }
0x78: {  	_ =	shalt  }
0x79: {  	_ =	shalt  }
0x7a: {  	_ =	shalt  }
0x7b: {  	_ =	shalt  }
0x7c: {  	_ =	shalt  }
0x7d: {  	_ =	shalt  }
0x7e: {  	_ =	shalt  }
0x7f: {  	_ =	shalt  }
0x80: {  	_ =	shalt  }
0x81: {  	_ =	shalt  }
0x82: {  	_ =	shalt  }
0x83: {  	_ =	shalt  }
0x84: {  	_ =	shalt  }
0x85: {  	_ =	shalt  }
0x86: {  	_ =	shalt  }
0x87: {  	_ =	shalt  }
.Lfunc_end0:
.L_simem_size_0:
called_computation_lowered:
.L_overlay_start_0:
0x88: {  	s2 =	sld [smem:$0x3FD9]  }
0x89: {  	s3 =	sld [smem:$0x3FFE];
	_ =	sdelay $0x1  }
0x8a: {  	s1 =	srdreg.scid  }
0x8b: {  	s0 =	sand.u32 $0x1, s1  }
0x8c: {  	s16 =	sshll.u32 s0, $0xA;
	s2 =	sadd.s32 s3, s2  }
0x8d: {  	s2 =	sadd.s32 s2, s16  }
0x8e: {  	[smem:$0x3FC0] =	sst s2  }
0x8f: {  	_ = 	snop  }
0x90: {  	(tm) =	ssettm $0x1  }
0x91: {  	s17 =	sld [smem:$0x3FFB];
	_ =	sdelay $0x3  }
0x92: {  	_ =	strace s17  }
0x93: {  	s2 =	sld [smem:$0x3FFC];
	_ =	sdelay $0x3  }
0x94: {  	_ =	strace s2  }
0x95: {  	s2 =	sld [smem:$0x3FFD];
	_ =	sdelay $0x3  }
0x96: {  	_ =	strace s2  }
0x97: {  	_ =	strace $0x8FFFFFFF  }
0x98: {  	s18 =	sld [smem:$0x3FDB];
	_ =	sdelay $0x1  }
0x99: {  	s19 =	simm.s32 $_scs_section_size  }
0x9a: {  	s4 =	simm.s32 $_size__tile_overlayer_lowered;
	s5 =	simm.s32 $_tile_overlayer_lowered  }
0x9b: {  	s22 =	simm.s32 $0x1BFF;
	s21 =	sshll.u32 s5, $0x1;
	s2 =	sadd.s32 s19, s18  }
0x9c: {  	s6 =	simm.s32 $0x0;
	s20 =	sshll.u32 s4, $0x1;
	s4 =	sadd.s32 s21, s2  }
0x9d: {  	[timem:s6], [sflag:s22] =	dma.local [hbm:s4], s20  }
0x9e: {  	_ =	swait.ge [sflag:s22], s20  }
0x9f: {  	s3 =	ssub.s32 $0x0, s20;
	[sflag:s22] =	ssyncset.done $0x0  }
0xa0: {  	[sflag:s22] =	ssyncadd.s32 s3;
	_ =	sdelay $0x1  }
0xa1: {  	s23 =	simm.s32 $0x1B8B  }
0xa2: {  	_ =	swait.ge [sflag:s23], $0x1  }
0xa3: {  	[sflag:s23] =	ssyncset.done $0x0  }
0xa4: {  	s25 =	simm.s32 $0x1B8E;
	s24 =	sld [smem:$0x3FFE];
	[sflag:s23] =	ssyncadd.s32 $0xFFFFFFFF  }
0xa5: {  	s26 =	simm.s32 $execute0_lowered;
	[smem:$0x3FD2] =	sst s25  }
0xa6: {  	s4 =	sshll.u32 s26, $0x1;
	_ =	strace $0x80000046;
	[dreg:$0x1] =	wrdreg $0xFFFFFFFF  }
0xa7: {  	s28 =	simm.s32 $_size_execute0_lowered;
	s2 =	sadd.s32 s2, s4;
	[dreg:$0x0] =	wrdreg $0x0  }
0xa8: {  	s4 =	sshll.u32 s28, $0x1;
	[dreg:$0x2] =	wrdreg s2  }
0xa9: {  	[dreg:$0x3] =	wrdreg s4  }
0xaa: {  	[dreg:$0x4] =	wrdreg $0xC0  }
0xab: {  	_ =	task [dreg:s6], $0x5FFFF  }
0xac: {  	[dreg:$0x1] =	wrdreg $0xFFFFFFFF  }
0xad: {  	[dreg:$0x0] =	wrdreg $0x60  }
0xae: {  	[dreg:$0x2] =	wrdreg s24  }
0xaf: {  	[dreg:$0x3] =	wrdreg $0x37800  }
0xb0: {  	[dreg:$0x4] =	wrdreg $0x9  }
0xb1: {  	_ =	task.clear_ibuf [dreg:s6], $0x5FFFF;
	_ =	strace $0x90000046  }
0xb2: {  	s29 =	simm.s32 $0x9;
	_ =	strace $0x80000048  }
0xb3: {  	_ =	swait.ge [sflag:s29], $0x1  }
0xb4: {  	[sflag:s29] =	ssyncadd.s32 $0xFFFFFFFF  }
0xb5: {  	_ =	strace $0x90000048  }
0xb6: {  	_ =	sfence  }
0xb7: {  	s30 =	sld [smem:$0x0];
	_ =	sdelay $0x2  }
0xb8: {  	s31 =	sshll.u32 s1, $0xD;
	s1 =	sshrl.u32 s1, $0x2  }
0xb9: {  	s3 =	sand.u32 $0x4000, s31;
	s1 =	sadd.s32 s1, s30  }
0xba: {  	s0 =	sor.u32 s3, s0;
	s1 =	sshll.u32 s1, $0x11  }
0xbb: {  	s0 =	sor.u32 s1, s0  }
0xbc: {  	s0 =	sadd.s32 $0x8F2B, s0  }
0xbd: {  	[sflag:s0] =	ssyncadd.remote.s32 $0x1  }
0xbe: {  	_ =	sfence.sel $0xFFFF  }
0xbf: {  	[dreg:$0x0] =	wrdreg $0xFFFFFFFF;
	(pc) =	sbr.abs _section_cstart, $3  }
0xc0: {  	[dreg:$0x1] =	wrdreg $0xFFFFFFFF  }
0xc1: {  	_ =	task.clear_ibuf [dreg:s6], $0x2FFFF;
	_ =	strace $0x9FFFFFFF  }
0xc2: {  	(tm) =	ssettm $0x7FFFFFFF  }
0xc3: {  	_ =	shalt  }
tec
execute0_lowered:
.L_overlay_start_1:
0x0: {  	(tag) =	ssettag $0x1  }
0x1: {  	s1 =	rddreg [dreg:$0x0]  }
0x2: {  	s3 =	srdreg.scid;
	s0 =	stileid.u32  }
0x3: {  	s2 =	rddreg [dreg:$0x1];
	s28 =	simm.s32 $0x180;
	s29 =	simm.s32 $0x1  }
0x4: {  	s30 =	simm.s32 $0x0;
	s4 =	sand.u32 $0x1, s3;
	s5 =	sshll.u32 s0, $0x1  }
0x5: {  	s3 =	simm.s32 $0x0;
	s7 =	sadd.s32 $0x2200, s1;
	s8 =	smul.u32 $0xA000, s0  }
0x6: {  	s14 =	smul.u32 $0x2800, s0;
	s1 =	sadd.s32 $0x15C00, s1;
	p0 =	sgt.u32 s0, $0x1  }
0x7: {  	s5 =	sor.u32 s4, s5;
	[smem:$0x7FF] =	sst s3;
	s15 =	smul.u32 $0x28000, s4  }
0x8: {  	s9 =	ssub.s32 $0x2, s4;
	s6 =	smul.u32 $0x2700, s5;
	_ =	strace $0x80000047  }
0x9: {  	s19 =	sshrl.u32 s9, $0x1;
	s20 =	sshrl.u32 s8, $0x2;
	s21 =	sshll.u32 s5, $0x4  }
0xa: {  	s16 =	sadd.s32 $0x800, s14;
	s17 =	sadd.s32 $0x1000, s14;
	s18 =	sadd.s32 $0x1800, s14  }
0xb: {  	s9 =	ssub.s32 s9, s19;
	s10 =	sadd.s32 s15, s14;
	s5 =	sadd.s32 s20, s2  }
0xc: {  	s22 =	sadd.s32 s21, s7;
	s13 =	sadd.s32 s15, s16;
	s21 =	sadd.s32 s14, s2  }
0xd: {  	s24 =	sadd.s32 s15, s17;
	s19 =	sadd.s32 $0x2000, s14;
	s25 =	sadd.s32 s15, s18  }
0xe: {  	s20 =	simm.s32 $0x2780;
	s6 =	sshrl.u32 s6, $0x3;
	s23 =	sshrl.u32 s10, $0x3  }
0xf: {  	s8 =	smax.u32 s9, $0x1;
	s9 =	sadd.s32 $0x800, s5;
	s10 =	sadd.s32 $0x1000, s5  }
0x10: {  	s11 =	sadd.s32 $0x1800, s5;
	s12 =	sadd.s32 $0x2000, s5;
	s13 =	sshrl.u32 s13, $0x3  }
0x11: {  	s15 =	sadd.s32 s15, s19;
	s31 =	sadd.s32 s19, s2;
	s19 =	simm.s32 $0x80  }
0x12: {  	s21 =	sshrl.u32 s21, $0x3;
	s6 =	sadd.s32 s7, s6;
	s7 =	sadd.s32 s1, s23  }
0x13: {  	s13 =	sadd.s32 s1, s13;
	s23 =	sadd.s32 s17, s2;
	s26 =	sshrl.u32 s15, $0x3  }
0x14: {  	s17 =	simm.s32 $0x2;
	s4 =	sadd.s32 $0x9C40, s6;
	s6 =	sadd.s32 $0x13840, s22  }
0x15: {  	s22 =	sadd.s32 s16, s2;
	s16 =	sshrl.u32 s24, $0x3;
	s24 =	sadd.s32 s18, s2  }
0x16: {  	s18 =	simm.s32 $0x2F80;
	s23 =	sshrl.u32 s23, $0x3;
	s14 =	sadd.s32 s1, s16  }
0x17: {  	s16 =	sshrl.u32 s25, $0x3;
	s22 =	sshrl.u32 s22, $0x3;
	s24 =	sshrl.u32 s24, $0x3  }
0x18: {  	v0 =	vimm.f32 $1.000000000e+00;
	v1 =	vimm.f32 $0.0e+00;
	s25 =	sshrl.u32 s31, $0x3;
	s15 =	sadd.s32 s1, s16;
	s16 =	sadd.s32 s1, s26  }
.LBB2_1:
0x19: {  	s1 =	simm.s32 $0x0  }
.LBB2_2:
0x1a: {  	p1 =	sne.s32 s1, $0x1FC0  }
.Ltmp0:
0x1b: {  	_ = 	snop;
	(pc) =	sbr.rel @p1 .LBB2_2-.Ltmp0, $3  }
0x1c: {  	_ =	sdelay $0x1  }
0x1d: {  	s31 =	sshra.s32 s1, $0x2  }
0x1e: {  	s1 =	sadd.s32 $0x40, s1;
	[tilespmem:s31+$0x2780] =	vst v0  }
0x1f: {  	s31 =	simm.s32 $0x40;
	s1 =	simm.s32 $0x0  }
.LBB2_4:
0x20: {  	p1 =	sne.s32 s31, $0x1FC0;
	[tilespmem:s1+$0x2F80] =	vst v1;
	s1 =	smov.u32 s31;
	s31 =	sadd.s32 $0x40, s31  }
.Ltmp1:
0x21: {  	(pc) =	sbr.rel @p1 .LBB2_4-.Ltmp1, $2  }
0x22: {  	_ =	sdelay $0x2  }
0x23: {  	s1 =	sshra.s32 s1, $0x2  }
0x24: {  	[tilespmem:s1+$0x2F80] =	vst v1  }
0x25: {  	[tilespmem:s3], [sflag:$0x2] =	stream.linear.gather [hbm4b:s4+s3], $0x2700, $0x38;
	[tilespmem:$0x5F80] =	vst v63  }
0x26: {  	_ =	swait.ge [sflag:s17], $0x2700  }
0x27: {  	[sflag:s17] =	ssyncset.done $0x0  }
0x28: {  	[sflag:s17] =	ssyncadd.s32 $0xFFFFD900  }
0x29: {  	[spmem:s5] =	stream.linear.scatter [tilespmem:s18], [sflag:$0x2], $0x800, $0x38;
	[tilespmem:$0x5F80] =	vst v63  }
0x2a: {  	_ =	swait.ge [sflag:s17], $0x800  }
0x2b: {  	[sflag:s17] =	ssyncset.done $0x0  }
0x2c: {  	[sflag:s17] =	ssyncadd.s32 $0xFFFFF800  }
0x2d: {  	[spmem:s9] =	stream.linear.scatter [tilespmem:s18], [sflag:$0x2], $0x800, $0x38;
	[tilespmem:$0x5F80] =	vst v63  }
0x2e: {  	_ =	swait.ge [sflag:s17], $0x800  }
0x2f: {  	[sflag:s17] =	ssyncset.done $0x0  }
0x30: {  	[sflag:s17] =	ssyncadd.s32 $0xFFFFF800  }
0x31: {  	[spmem:s10] =	stream.linear.scatter [tilespmem:s18], [sflag:$0x2], $0x800, $0x38;
	[tilespmem:$0x5F80] =	vst v63  }
0x32: {  	_ =	swait.ge [sflag:s17], $0x800  }
0x33: {  	[sflag:s17] =	ssyncset.done $0x0  }
0x34: {  	[sflag:s17] =	ssyncadd.s32 $0xFFFFF800  }
0x35: {  	[spmem:s11] =	stream.linear.scatter [tilespmem:s18], [sflag:$0x2], $0x800, $0x38;
	[tilespmem:$0x5F80] =	vst v63  }
0x36: {  	_ =	swait.ge [sflag:s17], $0x800  }
0x37: {  	[sflag:s17] =	ssyncset.done $0x0  }
0x38: {  	[sflag:s17] =	ssyncadd.s32 $0xFFFFF800  }
0x39: {  	[spmem:s12] =	stream.linear.scatter [tilespmem:s18], [sflag:$0x2], $0x800, $0x38;
	[tilespmem:$0x5F80] =	vst v63  }
0x3a: {  	_ =	swait.ge [sflag:s17], $0x800  }
0x3b: {  	[sflag:s17] =	ssyncset.done $0x0  }
0x3c: {  	[sflag:s17] =	ssyncadd.s32 $0xFFFFF800  }
0x3d: {  	[bflag:$0x0] =	sbarrier.arrive $0xFFFF  }
0x3e: {  	[spmem:s2] =	stream.indirect.scatter.add.f32 [tilespmem:s20], [sflag:$0x1], $0x10, s3, s19, $0xb8;
	[tilespmem:$0x5F80] =	vst v63  }
0x3f: {  	_ = 	snop  }
0x40: {  	[spmem:s2] =	stream.indirect.scatter.add.f32 [tilespmem:s20], [sflag:$0x1], $0x10, s19, s19, $0xb8;
	[tilespmem:$0x5F80] =	vst v63  }
0x41: {  	s0 =	simm.s32 $0x100  }
0x42: {  	[spmem:s2] =	stream.indirect.scatter.add.f32 [tilespmem:s20], [sflag:$0x1], $0x10, s0, s19, $0xb8;
	[tilespmem:$0x5F80] =	vst v63  }
0x43: {  	_ = 	snop  }
0x44: {  	[spmem:s2] =	stream.indirect.scatter.add.f32 [tilespmem:s20], [sflag:$0x1], $0x10, s28, s19, $0xb8;
	[tilespmem:$0x5F80] =	vst v63  }
0x45: {  	s26 =	simm.s32 $0x200  }
0x46: {  	[spmem:s2] =	stream.indirect.scatter.add.f32 [tilespmem:s20], [sflag:$0x1], $0x10, s26, s19, $0xb8;
	[tilespmem:$0x5F80] =	vst v63  }
0x47: {  	_ =	swait.ge [sflag:s29], $0x800  }
0x48: {  	s31 =	simm.s32 $0xA00;
	[sflag:s29] =	ssyncset.done $0x0  }
.LBB2_6:
0x49: {  	s1 =	sshra.s32 s31, $0x2;
	[sflag:s29] =	ssyncadd.s32 $0xFFFFF800;
	p1 =	sne.s32 s31, $0x9A00  }
0x4a: {  	[spmem:s2] =	stream.indirect.scatter.add.f32 [tilespmem:s20], [sflag:$0x1], $0x10, s1, s19, $0xb8;
	[tilespmem:$0x5F80] =	vst v63  }
.Ltmp2:
0x4b: {  	_ = 	snop;
	(pc) =	sbr.rel @p1 .LBB2_6-.Ltmp2, $4  }
0x4c: {  	_ = 	snop  }
0x4d: {  	s31 =	sadd.s32 $0x200, s31  }
0x4e: {  	_ =	swait.ge [sflag:s29], $0x800  }
0x4f: {  	[sflag:s29] =	ssyncset.done $0x0  }
0x50: {  	[sflag:s29] =	ssyncadd.s32 $0xFFFFF800  }
0x51: {  	_ =	swait.ge [sflag:s29], $0x800  }
0x52: {  	[sflag:s29] =	ssyncset.done $0x0  }
0x53: {  	[sflag:s29] =	ssyncadd.s32 $0xFFFFF800  }
0x54: {  	_ =	swait.ge [sflag:s29], $0x800  }
0x55: {  	[sflag:s29] =	ssyncset.done $0x0  }
0x56: {  	[sflag:s29] =	ssyncadd.s32 $0xFFFFF800  }
0x57: {  	_ =	swait.ge [sflag:s29], $0x800  }
0x58: {  	[sflag:s29] =	ssyncset.done $0x0  }
0x59: {  	[sflag:s29] =	ssyncadd.s32 $0xFFFFF800  }
0x5a: {  	_ =	swait.ge [sflag:s29], $0x800  }
0x5b: {  	[sflag:s29] =	ssyncset.done $0x0  }
0x5c: {  	s1 =	simm.s32 @!p0 $0x0;
	s31 =	simm.s32 @!p0 $0x2700;
	[sflag:s29] =	ssyncadd.s32 $0xFFFFF800  }
0x5d: {  	[tilespmem:s31], [sflag:$0x2] =	stream.linear.gather @!p0 [hbm4b:s6+s1], $0x80, $0x38;
	[tilespmem:$0x5F80] =	vst v63  }
0x5e: {  	s1 =	simm.s32 @!p0 $0x2  }
0x5f: {  	_ =	swait.ge @!p0 [sflag:s1], $0x80  }
0x60: {  	[sflag:s1] =	ssyncset.done @!p0 $0x0  }
0x61: {  	s0 =	simm.s32 @!p0 $0x80;
	s26 =	simm.s32 @!p0 $0x2780;
	[sflag:s1] =	ssyncadd.s32 @!p0 $0xFFFFFF80  }
0x62: {  	[spmem:s2] =	stream.indirect.scatter.add.f32 @!p0 [tilespmem:s26], [sflag:$0x2], $0x10, s31, s0, $0xb8;
	[tilespmem:$0x5F80] =	vst v63  }
0x63: {  	_ =	swait.ge @!p0 [sflag:s1], $0x800  }
0x64: {  	s31 =	stileid.u32;
	[sflag:s1] =	ssyncset.done @!p0 $0x0  }
0x65: {  	s0 =	sshll.u32 s31, $0x6;
	[sflag:s1] =	ssyncadd.s32 @!p0 $0xFFFFF800  }
0x66: {  	s0 =	sor.u32 $0x1C02, s0;
	[bflag:$0x0] =	sbarrier.arrive $0xFFFF  }
0x67: {  	[hbm:s7], [sflag:s0] =	dma.local [spmem:s21], $0x100  }
0x68: {  	_ =	swait.ge [sflag:s17], $0x100  }
0x69: {  	[sflag:s17] =	ssyncset.done $0x0  }
0x6a: {  	[sflag:s17] =	ssyncadd.s32 $0xFFFFFF00  }
0x6b: {  	[hbm:s13], [sflag:s0] =	dma.local [spmem:s22], $0x100  }
0x6c: {  	_ =	swait.ge [sflag:s17], $0x100  }
0x6d: {  	[sflag:s17] =	ssyncset.done $0x0  }
0x6e: {  	[sflag:s17] =	ssyncadd.s32 $0xFFFFFF00  }
0x6f: {  	[hbm:s14], [sflag:s0] =	dma.local [spmem:s23], $0x100  }
0x70: {  	_ =	swait.ge [sflag:s17], $0x100  }
0x71: {  	[sflag:s17] =	ssyncset.done $0x0  }
0x72: {  	[sflag:s17] =	ssyncadd.s32 $0xFFFFFF00  }
0x73: {  	[hbm:s15], [sflag:s0] =	dma.local [spmem:s24], $0x100  }
0x74: {  	s30 =	sadd.s32 $0x1, s30;
	_ =	swait.ge [sflag:s17], $0x100  }
0x75: {  	p1 =	sne.s32 s30, s8;
	[sflag:s17] =	ssyncset.done $0x0  }
.Ltmp3:
0x76: {  	[sflag:s17] =	ssyncadd.s32 $0xFFFFFF00;
	(pc) =	sbr.rel @p1 .LBB2_1-.Ltmp3, $4  }
0x77: {  	[hbm:s16], [sflag:s0] =	dma.local [spmem:s25], $0x100  }
0x78: {  	_ =	swait.ge [sflag:s17], $0x100  }
0x79: {  	[sflag:s17] =	ssyncset.done $0x0  }
0x7a: {  	[sflag:s17] =	ssyncadd.s32 $0xFFFFFF00  }
0x7b: {  	_ =	sfence.sel $0x180000  }
0x7c: {  	[bflag:$0x0] =	sbarrier.arrive $0xFFFF  }
0x7d: {  	_ =	strace $0x90000047  }
0x7e: {  	s0 =	stileid.u32;
	[bflag:$0x2] =	sbarrier.arrive $0xFFFF  }
0x7f: {  	p0 =	sne.s32 s0, $0x0;
	s0 =	rddreg [dreg:$0x2]  }
0x80: {  	s0 =	sadd.s32 @!p0 $0x100000, s0  }
0x81: {  	[sflag:s0] =	ssyncadd.tile.s32 @!p0 $0x1;
	_ =	shalt  }
.Lfunc_end2:
_tile_overlayer_lowered:
.L_overlay_start_2:
0x82: {  	(tag) =	ssettag $0x2  }
0x83: {  	s0 =	rddreg [dreg:$0x0];
	s2 =	stileid.u32  }
0x84: {  	s1 =	rddreg [dreg:$0x1];
	p0 =	sne.s32 s2, $0x0  }
0x85: {  	s3 =	rddreg [dreg:$0x2];
	[bflag:$0x3] =	sbarrier.arrive $0xFFFF;
	s2 =	simm.s32 @!p0 $0x1C02  }
0x86: {  	[timem:s3], [sflag:s2] =	dma.local @!p0 [hbm:s0], s1  }
0x87: {  	s0 =	simm.s32 @!p0 $0x2  }
0x88: {  	_ =	swait.ge @!p0 [sflag:s0], s1  }
0x89: {  	s1 =	ssub.s32 @!p0 $0x0, s1;
	[sflag:s0] =	ssyncset.done @!p0 $0x0  }
0x8a: {  	[sflag:s0] =	ssyncadd.s32 @!p0 s1  }
0x8b: {  	[bflag:$0x3] =	sbarrier.arrive $0xFFFF  }
0x8c: {  	_ =	shalt  }

</sc_bundles>
